<compile_context>
chip_gen: v7x
topology: tpu7x:2x2x1
jax: 0.10.2.dev20260603
libtpu: 0.0.44.dev20260713+nightly
codegen_flags: <defaults>
</compile_context>

<pallas_src>
import functools

import jax
import jax.numpy as jnp
from jax import lax
from jax.experimental import pallas as pl
from jax.experimental.pallas import tpu as pltpu
from jax.experimental.pallas import tpu_sc as plsc

_B, _S, _F = 2, 4096, 4096
_NSEL = 16
_CSTRIDE = 256
_ROWS = _B * _S
_L = 16
_NBUF = 2
_SC_ROWS = 2048
_TC_BLK = 512


def _make_sc_kernel(n_rows):
    info = plsc.get_sparse_core_info()
    num_workers = info.num_subcores
    rows_per_w = n_rows // num_workers
    mesh = plsc.VectorSubcoreMesh(
        core_axis_name="c", subcore_axis_name="s", num_cores=1
    )

    @functools.partial(
        pl.kernel,
        mesh=mesh,
        out_type=jax.ShapeDtypeStruct((n_rows, _NSEL), jnp.float32),
        compiler_params=pltpu.CompilerParams(needs_layout_passes=False),
        scratch_types=[
            pltpu.VMEM((_NBUF, rows_per_w, 128), jnp.float32),
            pltpu.VMEM((rows_per_w, _NSEL), jnp.float32),
        ]
        + [pltpu.SemaphoreType.DMA] * _NBUF,
    )
    def sc_kernel(x_hbm, out_hbm, bufs, out_v, *sems):
        wid = lax.axis_index("s")
        base = wid * rows_per_w
        lanes = lax.iota(jnp.int32, _L)
        zeros = jnp.zeros((_L,), jnp.int32)

        def start(j):
            return pltpu.async_copy(
                x_hbm.at[pl.ds(base, rows_per_w), pl.ds(j * _CSTRIDE, 128)],
                bufs.at[j % _NBUF],
                sems[j % _NBUF],
            )

        handles = {}
        for j in range(_NBUF):
            handles[j] = start(j)
        for j in range(_NSEL):
            handles.pop(j).wait()
            cols_j = jnp.full((_L,), j, jnp.int32)
            buf = bufs.at[j % _NBUF]
            for k in range(rows_per_w // _L):
                rows = k * _L + lanes
                vals = plsc.load_gather(buf, [rows, zeros])
                plsc.store_scatter(out_v, [rows, cols_j], vals)
            if j + _NBUF < _NSEL:
                handles[j + _NBUF] = start(j + _NBUF)
        pltpu.sync_copy(out_v, out_hbm.at[pl.ds(base, rows_per_w), :])

    return sc_kernel


def _tc_body(*refs):
    in_refs, out_ref = refs[:-1], refs[-1]
    out_ref[...] = jnp.concatenate([r[...][:, :1] for r in in_refs], axis=1)


def _make_tc_kernel(row_off, n_rows):
    grid = (n_rows // _TC_BLK,)
    in_specs = [
        pl.BlockSpec(
            (_TC_BLK, 128),
            functools.partial(
                lambda j, r: (row_off // _TC_BLK + r, 2 * j), j
            ),
        )
        for j in range(_NSEL)
    ]
    out_specs = pl.BlockSpec((_TC_BLK, _NSEL), lambda r: (r, 0))
    return pl.pallas_call(
        _tc_body,
        grid=grid,
        in_specs=in_specs,
        out_specs=out_specs,
        out_shape=jax.ShapeDtypeStruct((n_rows, _NSEL), jnp.float32),
    )


_sc_kernel = _make_sc_kernel(_SC_ROWS)
_tc_kernel = _make_tc_kernel(_SC_ROWS, _ROWS - _SC_ROWS)


def kernel(inputs):
    x2d = inputs.reshape(_ROWS, _F)
    sc_out = _sc_kernel(x2d)
    tc_out = _tc_kernel(*([x2d] * _NSEL))
    out = jnp.concatenate([sc_out, tc_out], axis=0)
    return out.reshape(_B, _S, _NSEL)

# --- scband reference (transcript-rebuilt; emitter-appended) ---
"""Pipeline reference for scband-split-layer-62105227100589 (READ-ONLY COPY).

The authoritative reference and input builder live on the scoring server;
editing this copy changes nothing except your own understanding.
"""

import jax, jax.numpy as jnp
import numpy as np

LAYERS = jnp.array([0, 256, 512, 768, 1024, 1280, 1536, 1792, 2048, 2304, 2560, 2816, 3072, 3328, 3584, 3840], dtype=jnp.int32)


def setup_inputs(seed: int = 0) -> dict:
    key = jax.random.key(seed)
    x = jax.random.normal(key, (2, 4096, 4096), dtype=jnp.float32)
    return {"inputs": x}


def reference(inputs):
    # tf.gather(inputs, indices=self.layers, axis=-1)
    return jnp.take(inputs, LAYERS, axis=-1)

if __name__ == "__main__":
    import jax
    _d = setup_inputs()
    print(jax.jit(kernel)(*tuple(_d.values())))

</pallas_src>

<mosaic_0001>
#map = affine_map<(d0, d1) -> (0, 0)>
module attributes {stable_mosaic.version = 14 : i64} {
  func.func @sc_kernel(%arg0: i32, %arg1: i32, %arg2: memref<8192x4096xf32, #tpu.memory_space<hbm>>, %arg3: memref<2048x16xf32, #tpu.memory_space<hbm>>, %arg4: memref<2x128x128xf32, #tpu.memory_space<vmem>>, %arg5: memref<128x16xf32, #tpu.memory_space<vmem>>, %arg6: memref<!tpu.dma_semaphore, #tpu.memory_space<semaphore_mem>>, %arg7: memref<!tpu.dma_semaphore, #tpu.memory_space<semaphore_mem>>) attributes {dimension_semantics = [#tpu.dimension_semantics<core_parallel>, #tpu.dimension_semantics<subcore_parallel>], iteration_bounds = array<i64: 1, 16>, scalar_prefetch = 0 : i64, scratch_operands = 4 : i64, tpu.core_type = #tpu.core_type<sc_vector_subcore>, window_params = [{transform_indices = #map}, {transform_indices = #map}]} {
    %mul3A = arith.constant 128 : i32
    %mul3A_0 = arith.muli %arg1, %mul3A : i32
    %iota3A = tpu.iota {dimensions = array<i32: 0>} : vector<16xi32>
    %broadcast_in_dim3A = arith.constant 0 : i32
    %broadcast_in_dim3A_1 = vector.broadcast %broadcast_in_dim3A : i32 to vector<16xi32>
    %dma_start3A = arith.constant 0 : i32
    %dma_start3A_2 = arith.constant 0 : i32
    %dma_start3A_3 = arith.constant 0 : i32
    %dma_start3A_4 = tpu.memref_slice %arg4[%dma_start3A, %dma_start3A_2, %dma_start3A_3] : memref<2x128x128xf32, #tpu.memory_space<vmem>> -> memref<1x128x128xf32, #tpu.memory_space<vmem>>
    %dma_start3A_5 = tpu.memref_squeeze %dma_start3A_4 : memref<1x128x128xf32, #tpu.memory_space<vmem>> -> memref<128x128xf32, #tpu.memory_space<vmem>>
    %dma_start3A_6 = arith.constant 0 : i32
    %dma_start3A_7 = tpu.memref_slice %arg2[%mul3A_0, %dma_start3A_6] : memref<8192x4096xf32, #tpu.memory_space<hbm>> -> memref<128x128xf32, #tpu.memory_space<hbm>>
    %dma_start3A_8 = arith.constant 0 : i32
    %dma_start3A_9 = arith.constant 0 : i32
    %dma_start3A_10 = tpu.memref_slice %arg4[%dma_start3A, %dma_start3A_8, %dma_start3A_9] : memref<2x128x128xf32, #tpu.memory_space<vmem>> -> memref<1x128x128xf32, #tpu.memory_space<vmem>>
    %dma_start3A_11 = tpu.memref_squeeze %dma_start3A_10 : memref<1x128x128xf32, #tpu.memory_space<vmem>> -> memref<128x128xf32, #tpu.memory_space<vmem>>
    %dma_start3A_12 = arith.constant 0 : i32
    %dma_start3A_13 = tpu.memref_slice %arg2[%mul3A_0, %dma_start3A_12] : memref<8192x4096xf32, #tpu.memory_space<hbm>> -> memref<128x128xf32, #tpu.memory_space<hbm>>
    tpu.enqueue_dma source(%dma_start3A_13 : memref<128x128xf32, #tpu.memory_space<hbm>>) target(%dma_start3A_11 : memref<128x128xf32, #tpu.memory_space<vmem>>) target_semaphore(%arg6 : memref<!tpu.dma_semaphore, #tpu.memory_space<semaphore_mem>>)
    %dma_start3A_14 = arith.constant 1 : i32
    %dma_start3A_15 = arith.constant 0 : i32
    %dma_start3A_16 = arith.constant 0 : i32
    %dma_start3A_17 = tpu.memref_slice %arg4[%dma_start3A_14, %dma_start3A_15, %dma_start3A_16] : memref<2x128x128xf32, #tpu.memory_space<vmem>> -> memref<1x128x128xf32, #tpu.memory_space<vmem>>
    %dma_start3A_18 = tpu.memref_squeeze %dma_start3A_17 : memref<1x128x128xf32, #tpu.memory_space<vmem>> -> memref<128x128xf32, #tpu.memory_space<vmem>>
    %dma_start3A_19 = arith.constant 256 : i32
    %dma_start3A_20 = tpu.memref_slice %arg2[%mul3A_0, %dma_start3A_19] : memref<8192x4096xf32, #tpu.memory_space<hbm>> -> memref<128x128xf32, #tpu.memory_space<hbm>>
    %dma_start3A_21 = arith.constant 0 : i32
    %dma_start3A_22 = arith.constant 0 : i32
    %dma_start3A_23 = tpu.memref_slice %arg4[%dma_start3A_14, %dma_start3A_21, %dma_start3A_22] : memref<2x128x128xf32, #tpu.memory_space<vmem>> -> memref<1x128x128xf32, #tpu.memory_space<vmem>>
    %dma_start3A_24 = tpu.memref_squeeze %dma_start3A_23 : memref<1x128x128xf32, #tpu.memory_space<vmem>> -> memref<128x128xf32, #tpu.memory_space<vmem>>
    %dma_start3A_25 = arith.constant 256 : i32
    %dma_start3A_26 = tpu.memref_slice %arg2[%mul3A_0, %dma_start3A_25] : memref<8192x4096xf32, #tpu.memory_space<hbm>> -> memref<128x128xf32, #tpu.memory_space<hbm>>
    tpu.enqueue_dma source(%dma_start3A_26 : memref<128x128xf32, #tpu.memory_space<hbm>>) target(%dma_start3A_24 : memref<128x128xf32, #tpu.memory_space<vmem>>) target_semaphore(%arg7 : memref<!tpu.dma_semaphore, #tpu.memory_space<semaphore_mem>>)
    %dma_wait3A = arith.constant 0 : i32
    %dma_wait3A_27 = arith.constant 0 : i32
    %dma_wait3A_28 = arith.constant 0 : i32
    %dma_wait3A_29 = tpu.memref_slice %arg4[%dma_wait3A, %dma_wait3A_27, %dma_wait3A_28] : memref<2x128x128xf32, #tpu.memory_space<vmem>> -> memref<1x128x128xf32, #tpu.memory_space<vmem>>
    %dma_wait3A_30 = tpu.memref_squeeze %dma_wait3A_29 : memref<1x128x128xf32, #tpu.memory_space<vmem>> -> memref<128x128xf32, #tpu.memory_space<vmem>>
    %dma_wait3A_31 = arith.constant 0 : i32
    %dma_wait3A_32 = tpu.memref_slice %arg2[%mul3A_0, %dma_wait3A_31] : memref<8192x4096xf32, #tpu.memory_space<hbm>> -> memref<128x128xf32, #tpu.memory_space<hbm>>
    %dma_wait3A_33 = arith.constant 0 : i32
    %dma_wait3A_34 = arith.constant 0 : i32
    %dma_wait3A_35 = tpu.memref_slice %arg4[%dma_wait3A, %dma_wait3A_33, %dma_wait3A_34] : memref<2x128x128xf32, #tpu.memory_space<vmem>> -> memref<1x128x128xf32, #tpu.memory_space<vmem>>
    %dma_wait3A_36 = tpu.memref_squeeze %dma_wait3A_35 : memref<1x128x128xf32, #tpu.memory_space<vmem>> -> memref<128x128xf32, #tpu.memory_space<vmem>>
    %dma_wait3A_37 = arith.constant 0 : i32
    %dma_wait3A_38 = tpu.memref_slice %arg2[%mul3A_0, %dma_wait3A_37] : memref<8192x4096xf32, #tpu.memory_space<hbm>> -> memref<128x128xf32, #tpu.memory_space<hbm>>
    tpu.wait_dma2 semaphore(%arg6 : memref<!tpu.dma_semaphore, #tpu.memory_space<semaphore_mem>>) src(%dma_wait3A_38 : memref<128x128xf32, #tpu.memory_space<hbm>>) dst(%dma_wait3A_36 : memref<128x128xf32, #tpu.memory_space<vmem>>)
    %broadcast_in_dim3A_39 = arith.constant 0 : i32
    %broadcast_in_dim3A_40 = vector.broadcast %broadcast_in_dim3A_39 : i32 to vector<16xi32>
    %add3A = arith.constant 0 : i32
    %add3A_41 = vector.broadcast %add3A : i32 to vector<16xi32>
    %add3A_42 = arith.addi %add3A_41, %iota3A : vector<16xi32>
    %gather3A = arith.constant 0 : i32
    %gather3A_43 = arith.constant 0 : i32
    %gather3A_44 = arith.constant 0 : i32
    %gather3A_45 = tpu.memref_slice %arg4[%gather3A, %gather3A_43, %gather3A_44] : memref<2x128x128xf32, #tpu.memory_space<vmem>> -> memref<1x128x128xf32, #tpu.memory_space<vmem>>
    %gather3A_46 = tpu.memref_squeeze %gather3A_45 : memref<1x128x128xf32, #tpu.memory_space<vmem>> -> memref<128x128xf32, #tpu.memory_space<vmem>>
    %gather3A_47 = tpu.vector_load_idx %gather3A_46[%add3A_42, %broadcast_in_dim3A_1] : memref<128x128xf32, #tpu.memory_space<vmem>>[vector<16xi32>, vector<16xi32>], vector<16xf32>,
    tpu.vector_store_idx %arg5[%add3A_42, %broadcast_in_dim3A_40], %gather3A_47 : memref<128x16xf32, #tpu.memory_space<vmem>>[vector<16xi32>, vector<16xi32>], vector<16xf32>,
    %add3A_48 = arith.constant 16 : i32
    %add3A_49 = vector.broadcast %add3A_48 : i32 to vector<16xi32>
    %add3A_50 = arith.addi %add3A_49, %iota3A : vector<16xi32>
    %gather3A_51 = arith.constant 0 : i32
    %gather3A_52 = arith.constant 0 : i32
    %gather3A_53 = arith.constant 0 : i32
    %gather3A_54 = tpu.memref_slice %arg4[%gather3A_51, %gather3A_52, %gather3A_53] : memref<2x128x128xf32, #tpu.memory_space<vmem>> -> memref<1x128x128xf32, #tpu.memory_space<vmem>>
    %gather3A_55 = tpu.memref_squeeze %gather3A_54 : memref<1x128x128xf32, #tpu.memory_space<vmem>> -> memref<128x128xf32, #tpu.memory_space<vmem>>
    %gather3A_56 = tpu.vector_load_idx %gather3A_55[%add3A_50, %broadcast_in_dim3A_1] : memref<128x128xf32, #tpu.memory_space<vmem>>[vector<16xi32>, vector<16xi32>], vector<16xf32>,
    tpu.vector_store_idx %arg5[%add3A_50, %broadcast_in_dim3A_40], %gather3A_56 : memref<128x16xf32, #tpu.memory_space<vmem>>[vector<16xi32>, vector<16xi32>], vector<16xf32>,
    %add3A_57 = arith.constant 32 : i32
    %add3A_58 = vector.broadcast %add3A_57 : i32 to vector<16xi32>
    %add3A_59 = arith.addi %add3A_58, %iota3A : vector<16xi32>
    %gather3A_60 = arith.constant 0 : i32
    %gather3A_61 = arith.constant 0 : i32
    %gather3A_62 = arith.constant 0 : i32
    %gather3A_63 = tpu.memref_slice %arg4[%gather3A_60, %gather3A_61, %gather3A_62] : memref<2x128x128xf32, #tpu.memory_space<vmem>> -> memref<1x128x128xf32, #tpu.memory_space<vmem>>
    %gather3A_64 = tpu.memref_squeeze %gather3A_63 : memref<1x128x128xf32, #tpu.memory_space<vmem>> -> memref<128x128xf32, #tpu.memory_space<vmem>>
    %gather3A_65 = tpu.vector_load_idx %gather3A_64[%add3A_59, %broadcast_in_dim3A_1] : memref<128x128xf32, #tpu.memory_space<vmem>>[vector<16xi32>, vector<16xi32>], vector<16xf32>,
    tpu.vector_store_idx %arg5[%add3A_59, %broadcast_in_dim3A_40], %gather3A_65 : memref<128x16xf32, #tpu.memory_space<vmem>>[vector<16xi32>, vector<16xi32>], vector<16xf32>,
    %add3A_66 = arith.constant 48 : i32
    %add3A_67 = vector.broadcast %add3A_66 : i32 to vector<16xi32>
    %add3A_68 = arith.addi %add3A_67, %iota3A : vector<16xi32>
    %gather3A_69 = arith.constant 0 : i32
    %gather3A_70 = arith.constant 0 : i32
    %gather3A_71 = arith.constant 0 : i32
    %gather3A_72 = tpu.memref_slice %arg4[%gather3A_69, %gather3A_70, %gather3A_71] : memref<2x128x128xf32, #tpu.memory_space<vmem>> -> memref<1x128x128xf32, #tpu.memory_space<vmem>>
    %gather3A_73 = tpu.memref_squeeze %gather3A_72 : memref<1x128x128xf32, #tpu.memory_space<vmem>> -> memref<128x128xf32, #tpu.memory_space<vmem>>
    %gather3A_74 = tpu.vector_load_idx %gather3A_73[%add3A_68, %broadcast_in_dim3A_1] : memref<128x128xf32, #tpu.memory_space<vmem>>[vector<16xi32>, vector<16xi32>], vector<16xf32>,
    tpu.vector_store_idx %arg5[%add3A_68, %broadcast_in_dim3A_40], %gather3A_74 : memref<128x16xf32, #tpu.memory_space<vmem>>[vector<16xi32>, vector<16xi32>], vector<16xf32>,
    %add3A_75 = arith.constant 64 : i32
    %add3A_76 = vector.broadcast %add3A_75 : i32 to vector<16xi32>
    %add3A_77 = arith.addi %add3A_76, %iota3A : vector<16xi32>
    %gather3A_78 = arith.constant 0 : i32
    %gather3A_79 = arith.constant 0 : i32
    %gather3A_80 = arith.constant 0 : i32
    %gather3A_81 = tpu.memref_slice %arg4[%gather3A_78, %gather3A_79, %gather3A_80] : memref<2x128x128xf32, #tpu.memory_space<vmem>> -> memref<1x128x128xf32, #tpu.memory_space<vmem>>
    %gather3A_82 = tpu.memref_squeeze %gather3A_81 : memref<1x128x128xf32, #tpu.memory_space<vmem>> -> memref<128x128xf32, #tpu.memory_space<vmem>>
    %gather3A_83 = tpu.vector_load_idx %gather3A_82[%add3A_77, %broadcast_in_dim3A_1] : memref<128x128xf32, #tpu.memory_space<vmem>>[vector<16xi32>, vector<16xi32>], vector<16xf32>,
    tpu.vector_store_idx %arg5[%add3A_77, %broadcast_in_dim3A_40], %gather3A_83 : memref<128x16xf32, #tpu.memory_space<vmem>>[vector<16xi32>, vector<16xi32>], vector<16xf32>,
    %add3A_84 = arith.constant 80 : i32
    %add3A_85 = vector.broadcast %add3A_84 : i32 to vector<16xi32>
    %add3A_86 = arith.addi %add3A_85, %iota3A : vector<16xi32>
    %gather3A_87 = arith.constant 0 : i32
    %gather3A_88 = arith.constant 0 : i32
    %gather3A_89 = arith.constant 0 : i32
    %gather3A_90 = tpu.memref_slice %arg4[%gather3A_87, %gather3A_88, %gather3A_89] : memref<2x128x128xf32, #tpu.memory_space<vmem>> -> memref<1x128x128xf32, #tpu.memory_space<vmem>>
    %gather3A_91 = tpu.memref_squeeze %gather3A_90 : memref<1x128x128xf32, #tpu.memory_space<vmem>> -> memref<128x128xf32, #tpu.memory_space<vmem>>
    %gather3A_92 = tpu.vector_load_idx %gather3A_91[%add3A_86, %broadcast_in_dim3A_1] : memref<128x128xf32, #tpu.memory_space<vmem>>[vector<16xi32>, vector<16xi32>], vector<16xf32>,
    tpu.vector_store_idx %arg5[%add3A_86, %broadcast_in_dim3A_40], %gather3A_92 : memref<128x16xf32, #tpu.memory_space<vmem>>[vector<16xi32>, vector<16xi32>], vector<16xf32>,
    %add3A_93 = arith.constant 96 : i32
    %add3A_94 = vector.broadcast %add3A_93 : i32 to vector<16xi32>
    %add3A_95 = arith.addi %add3A_94, %iota3A : vector<16xi32>
    %gather3A_96 = arith.constant 0 : i32
    %gather3A_97 = arith.constant 0 : i32
    %gather3A_98 = arith.constant 0 : i32
    %gather3A_99 = tpu.memref_slice %arg4[%gather3A_96, %gather3A_97, %gather3A_98] : memref<2x128x128xf32, #tpu.memory_space<vmem>> -> memref<1x128x128xf32, #tpu.memory_space<vmem>>
    %gather3A_100 = tpu.memref_squeeze %gather3A_99 : memref<1x128x128xf32, #tpu.memory_space<vmem>> -> memref<128x128xf32, #tpu.memory_space<vmem>>
    %gather3A_101 = tpu.vector_load_idx %gather3A_100[%add3A_95, %broadcast_in_dim3A_1] : memref<128x128xf32, #tpu.memory_space<vmem>>[vector<16xi32>, vector<16xi32>], vector<16xf32>,
    tpu.vector_store_idx %arg5[%add3A_95, %broadcast_in_dim3A_40], %gather3A_101 : memref<128x16xf32, #tpu.memory_space<vmem>>[vector<16xi32>, vector<16xi32>], vector<16xf32>,
    %add3A_102 = arith.constant 112 : i32
    %add3A_103 = vector.broadcast %add3A_102 : i32 to vector<16xi32>
    %add3A_104 = arith.addi %add3A_103, %iota3A : vector<16xi32>
    %gather3A_105 = arith.constant 0 : i32
    %gather3A_106 = arith.constant 0 : i32
    %gather3A_107 = arith.constant 0 : i32
    %gather3A_108 = tpu.memref_slice %arg4[%gather3A_105, %gather3A_106, %gather3A_107] : memref<2x128x128xf32, #tpu.memory_space<vmem>> -> memref<1x128x128xf32, #tpu.memory_space<vmem>>
    %gather3A_109 = tpu.memref_squeeze %gather3A_108 : memref<1x128x128xf32, #tpu.memory_space<vmem>> -> memref<128x128xf32, #tpu.memory_space<vmem>>
    %gather3A_110 = tpu.vector_load_idx %gather3A_109[%add3A_104, %broadcast_in_dim3A_1] : memref<128x128xf32, #tpu.memory_space<vmem>>[vector<16xi32>, vector<16xi32>], vector<16xf32>,
    tpu.vector_store_idx %arg5[%add3A_104, %broadcast_in_dim3A_40], %gather3A_110 : memref<128x16xf32, #tpu.memory_space<vmem>>[vector<16xi32>, vector<16xi32>], vector<16xf32>,
    %dma_start3A_111 = arith.constant 0 : i32
    %dma_start3A_112 = arith.constant 0 : i32
    %dma_start3A_113 = arith.constant 0 : i32
    %dma_start3A_114 = tpu.memref_slice %arg4[%dma_start3A_111, %dma_start3A_112, %dma_start3A_113] : memref<2x128x128xf32, #tpu.memory_space<vmem>> -> memref<1x128x128xf32, #tpu.memory_space<vmem>>
    %dma_start3A_115 = tpu.memref_squeeze %dma_start3A_114 : memref<1x128x128xf32, #tpu.memory_space<vmem>> -> memref<128x128xf32, #tpu.memory_space<vmem>>
    %dma_start3A_116 = arith.constant 512 : i32
    %dma_start3A_117 = tpu.memref_slice %arg2[%mul3A_0, %dma_start3A_116] : memref<8192x4096xf32, #tpu.memory_space<hbm>> -> memref<128x128xf32, #tpu.memory_space<hbm>>
    %dma_start3A_118 = arith.constant 0 : i32
    %dma_start3A_119 = arith.constant 0 : i32
    %dma_start3A_120 = tpu.memref_slice %arg4[%dma_start3A_111, %dma_start3A_118, %dma_start3A_119] : memref<2x128x128xf32, #tpu.memory_space<vmem>> -> memref<1x128x128xf32, #tpu.memory_space<vmem>>
    %dma_start3A_121 = tpu.memref_squeeze %dma_start3A_120 : memref<1x128x128xf32, #tpu.memory_space<vmem>> -> memref<128x128xf32, #tpu.memory_space<vmem>>
    %dma_start3A_122 = arith.constant 512 : i32
    %dma_start3A_123 = tpu.memref_slice %arg2[%mul3A_0, %dma_start3A_122] : memref<8192x4096xf32, #tpu.memory_space<hbm>> -> memref<128x128xf32, #tpu.memory_space<hbm>>
    tpu.enqueue_dma source(%dma_start3A_123 : memref<128x128xf32, #tpu.memory_space<hbm>>) target(%dma_start3A_121 : memref<128x128xf32, #tpu.memory_space<vmem>>) target_semaphore(%arg6 : memref<!tpu.dma_semaphore, #tpu.memory_space<semaphore_mem>>)
    %dma_wait3A_124 = arith.constant 1 : i32
    %dma_wait3A_125 = arith.constant 0 : i32
    %dma_wait3A_126 = arith.constant 0 : i32
    %dma_wait3A_127 = tpu.memref_slice %arg4[%dma_wait3A_124, %dma_wait3A_125, %dma_wait3A_126] : memref<2x128x128xf32, #tpu.memory_space<vmem>> -> memref<1x128x128xf32, #tpu.memory_space<vmem>>
    %dma_wait3A_128 = tpu.memref_squeeze %dma_wait3A_127 : memref<1x128x128xf32, #tpu.memory_space<vmem>> -> memref<128x128xf32, #tpu.memory_space<vmem>>
    %dma_wait3A_129 = arith.constant 256 : i32
    %dma_wait3A_130 = tpu.memref_slice %arg2[%mul3A_0, %dma_wait3A_129] : memref<8192x4096xf32, #tpu.memory_space<hbm>> -> memref<128x128xf32, #tpu.memory_space<hbm>>
    %dma_wait3A_131 = arith.constant 0 : i32
    %dma_wait3A_132 = arith.constant 0 : i32
    %dma_wait3A_133 = tpu.memref_slice %arg4[%dma_wait3A_124, %dma_wait3A_131, %dma_wait3A_132] : memref<2x128x128xf32, #tpu.memory_space<vmem>> -> memref<1x128x128xf32, #tpu.memory_space<vmem>>
    %dma_wait3A_134 = tpu.memref_squeeze %dma_wait3A_133 : memref<1x128x128xf32, #tpu.memory_space<vmem>> -> memref<128x128xf32, #tpu.memory_space<vmem>>
    %dma_wait3A_135 = arith.constant 256 : i32
    %dma_wait3A_136 = tpu.memref_slice %arg2[%mul3A_0, %dma_wait3A_135] : memref<8192x4096xf32, #tpu.memory_space<hbm>> -> memref<128x128xf32, #tpu.memory_space<hbm>>
    tpu.wait_dma2 semaphore(%arg7 : memref<!tpu.dma_semaphore, #tpu.memory_space<semaphore_mem>>) src(%dma_wait3A_136 : memref<128x128xf32, #tpu.memory_space<hbm>>) dst(%dma_wait3A_134 : memref<128x128xf32, #tpu.memory_space<vmem>>)
    %broadcast_in_dim3A_137 = arith.constant 1 : i32
    %broadcast_in_dim3A_138 = vector.broadcast %broadcast_in_dim3A_137 : i32 to vector<16xi32>
    %add3A_139 = arith.constant 0 : i32
    %add3A_140 = vector.broadcast %add3A_139 : i32 to vector<16xi32>
    %add3A_141 = arith.addi %add3A_140, %iota3A : vector<16xi32>
    %gather3A_142 = arith.constant 1 : i32
    %gather3A_143 = arith.constant 0 : i32
    %gather3A_144 = arith.constant 0 : i32
    %gather3A_145 = tpu.memref_slice %arg4[%gather3A_142, %gather3A_143, %gather3A_144] : memref<2x128x128xf32, #tpu.memory_space<vmem>> -> memref<1x128x128xf32, #tpu.memory_space<vmem>>
    %gather3A_146 = tpu.memref_squeeze %gather3A_145 : memref<1x128x128xf32, #tpu.memory_space<vmem>> -> memref<128x128xf32, #tpu.memory_space<vmem>>
    %gather3A_147 = tpu.vector_load_idx %gather3A_146[%add3A_141, %broadcast_in_dim3A_1] : memref<128x128xf32, #tpu.memory_space<vmem>>[vector<16xi32>, vector<16xi32>], vector<16xf32>,
    tpu.vector_store_idx %arg5[%add3A_141, %broadcast_in_dim3A_138], %gather3A_147 : memref<128x16xf32, #tpu.memory_space<vmem>>[vector<16xi32>, vector<16xi32>], vector<16xf32>,
    %add3A_148 = arith.constant 16 : i32
    %add3A_149 = vector.broadcast %add3A_148 : i32 to vector<16xi32>
    %add3A_150 = arith.addi %add3A_149, %iota3A : vector<16xi32>
    %gather3A_151 = arith.constant 1 : i32
    %gather3A_152 = arith.constant 0 : i32
    %gather3A_153 = arith.constant 0 : i32
    %gather3A_154 = tpu.memref_slice %arg4[%gather3A_151, %gather3A_152, %gather3A_153] : memref<2x128x128xf32, #tpu.memory_space<vmem>> -> memref<1x128x128xf32, #tpu.memory_space<vmem>>
    %gather3A_155 = tpu.memref_squeeze %gather3A_154 : memref<1x128x128xf32, #tpu.memory_space<vmem>> -> memref<128x128xf32, #tpu.memory_space<vmem>>
    %gather3A_156 = tpu.vector_load_idx %gather3A_155[%add3A_150, %broadcast_in_dim3A_1] : memref<128x128xf32, #tpu.memory_space<vmem>>[vector<16xi32>, vector<16xi32>], vector<16xf32>,
    tpu.vector_store_idx %arg5[%add3A_150, %broadcast_in_dim3A_138], %gather3A_156 : memref<128x16xf32, #tpu.memory_space<vmem>>[vector<16xi32>, vector<16xi32>], vector<16xf32>,
    %add3A_157 = arith.constant 32 : i32
    %add3A_158 = vector.broadcast %add3A_157 : i32 to vector<16xi32>
    %add3A_159 = arith.addi %add3A_158, %iota3A : vector<16xi32>
    %gather3A_160 = arith.constant 1 : i32
    %gather3A_161 = arith.constant 0 : i32
    %gather3A_162 = arith.constant 0 : i32
    %gather3A_163 = tpu.memref_slice %arg4[%gather3A_160, %gather3A_161, %gather3A_162] : memref<2x128x128xf32, #tpu.memory_space<vmem>> -> memref<1x128x128xf32, #tpu.memory_space<vmem>>
    %gather3A_164 = tpu.memref_squeeze %gather3A_163 : memref<1x128x128xf32, #tpu.memory_space<vmem>> -> memref<128x128xf32, #tpu.memory_space<vmem>>
    %gather3A_165 = tpu.vector_load_idx %gather3A_164[%add3A_159, %broadcast_in_dim3A_1] : memref<128x128xf32, #tpu.memory_space<vmem>>[vector<16xi32>, vector<16xi32>], vector<16xf32>,
    tpu.vector_store_idx %arg5[%add3A_159, %broadcast_in_dim3A_138], %gather3A_165 : memref<128x16xf32, #tpu.memory_space<vmem>>[vector<16xi32>, vector<16xi32>], vector<16xf32>,
    %add3A_166 = arith.constant 48 : i32
    %add3A_167 = vector.broadcast %add3A_166 : i32 to vector<16xi32>
    %add3A_168 = arith.addi %add3A_167, %iota3A : vector<16xi32>
    %gather3A_169 = arith.constant 1 : i32
    %gather3A_170 = arith.constant 0 : i32
    %gather3A_171 = arith.constant 0 : i32
    %gather3A_172 = tpu.memref_slice %arg4[%gather3A_169, %gather3A_170, %gather3A_171] : memref<2x128x128xf32, #tpu.memory_space<vmem>> -> memref<1x128x128xf32, #tpu.memory_space<vmem>>
    %gather3A_173 = tpu.memref_squeeze %gather3A_172 : memref<1x128x128xf32, #tpu.memory_space<vmem>> -> memref<128x128xf32, #tpu.memory_space<vmem>>
    %gather3A_174 = tpu.vector_load_idx %gather3A_173[%add3A_168, %broadcast_in_dim3A_1] : memref<128x128xf32, #tpu.memory_space<vmem>>[vector<16xi32>, vector<16xi32>], vector<16xf32>,
    tpu.vector_store_idx %arg5[%add3A_168, %broadcast_in_dim3A_138], %gather3A_174 : memref<128x16xf32, #tpu.memory_space<vmem>>[vector<16xi32>, vector<16xi32>], vector<16xf32>,
    %add3A_175 = arith.constant 64 : i32
    %add3A_176 = vector.broadcast %add3A_175 : i32 to vector<16xi32>
    %add3A_177 = arith.addi %add3A_176, %iota3A : vector<16xi32>
    %gather3A_178 = arith.constant 1 : i32
    %gather3A_179 = arith.constant 0 : i32
    %gather3A_180 = arith.constant 0 : i32
    %gather3A_181 = tpu.memref_slice %arg4[%gather3A_178, %gather3A_179, %gather3A_180] : memref<2x128x128xf32, #tpu.memory_space<vmem>> -> memref<1x128x128xf32, #tpu.memory_space<vmem>>
    %gather3A_182 = tpu.memref_squeeze %gather3A_181 : memref<1x128x128xf32, #tpu.memory_space<vmem>> -> memref<128x128xf32, #tpu.memory_space<vmem>>
    %gather3A_183 = tpu.vector_load_idx %gather3A_182[%add3A_177, %broadcast_in_dim3A_1] : memref<128x128xf32, #tpu.memory_space<vmem>>[vector<16xi32>, vector<16xi32>], vector<16xf32>,
    tpu.vector_store_idx %arg5[%add3A_177, %broadcast_in_dim3A_138], %gather3A_183 : memref<128x16xf32, #tpu.memory_space<vmem>>[vector<16xi32>, vector<16xi32>], vector<16xf32>,
    %add3A_184 = arith.constant 80 : i32
    %add3A_185 = vector.broadcast %add3A_184 : i32 to vector<16xi32>
    %add3A_186 = arith.addi %add3A_185, %iota3A : vector<16xi32>
    %gather3A_187 = arith.constant 1 : i32
    %gather3A_188 = arith.constant 0 : i32
    %gather3A_189 = arith.constant 0 : i32
    %gather3A_190 = tpu.memref_slice %arg4[%gather3A_187, %gather3A_188, %gather3A_189] : memref<2x128x128xf32, #tpu.memory_space<vmem>> -> memref<1x128x128xf32, #tpu.memory_space<vmem>>
    %gather3A_191 = tpu.memref_squeeze %gather3A_190 : memref<1x128x128xf32, #tpu.memory_space<vmem>> -> memref<128x128xf32, #tpu.memory_space<vmem>>
    %gather3A_192 = tpu.vector_load_idx %gather3A_191[%add3A_186, %broadcast_in_dim3A_1] : memref<128x128xf32, #tpu.memory_space<vmem>>[vector<16xi32>, vector<16xi32>], vector<16xf32>,
    tpu.vector_store_idx %arg5[%add3A_186, %broadcast_in_dim3A_138], %gather3A_192 : memref<128x16xf32, #tpu.memory_space<vmem>>[vector<16xi32>, vector<16xi32>], vector<16xf32>,
    %add3A_193 = arith.constant 96 : i32
    %add3A_194 = vector.broadcast %add3A_193 : i32 to vector<16xi32>
    %add3A_195 = arith.addi %add3A_194, %iota3A : vector<16xi32>
    %gather3A_196 = arith.constant 1 : i32
    %gather3A_197 = arith.constant 0 : i32
    %gather3A_198 = arith.constant 0 : i32
    %gather3A_199 = tpu.memref_slice %arg4[%gather3A_196, %gather3A_197, %gather3A_198] : memref<2x128x128xf32, #tpu.memory_space<vmem>> -> memref<1x128x128xf32, #tpu.memory_space<vmem>>
    %gather3A_200 = tpu.memref_squeeze %gather3A_199 : memref<1x128x128xf32, #tpu.memory_space<vmem>> -> memref<128x128xf32, #tpu.memory_space<vmem>>
    %gather3A_201 = tpu.vector_load_idx %gather3A_200[%add3A_195, %broadcast_in_dim3A_1] : memref<128x128xf32, #tpu.memory_space<vmem>>[vector<16xi32>, vector<16xi32>], vector<16xf32>,
    tpu.vector_store_idx %arg5[%add3A_195, %broadcast_in_dim3A_138], %gather3A_201 : memref<128x16xf32, #tpu.memory_space<vmem>>[vector<16xi32>, vector<16xi32>], vector<16xf32>,
    %add3A_202 = arith.constant 112 : i32
    %add3A_203 = vector.broadcast %add3A_202 : i32 to vector<16xi32>
    %add3A_204 = arith.addi %add3A_203, %iota3A : vector<16xi32>
    %gather3A_205 = arith.constant 1 : i32
    %gather3A_206 = arith.constant 0 : i32
    %gather3A_207 = arith.constant 0 : i32
    %gather3A_208 = tpu.memref_slice %arg4[%gather3A_205, %gather3A_206, %gather3A_207] : memref<2x128x128xf32, #tpu.memory_space<vmem>> -> memref<1x128x128xf32, #tpu.memory_space<vmem>>
    %gather3A_209 = tpu.memref_squeeze %gather3A_208 : memref<1x128x128xf32, #tpu.memory_space<vmem>> -> memref<128x128xf32, #tpu.memory_space<vmem>>
    %gather3A_210 = tpu.vector_load_idx %gather3A_209[%add3A_204, %broadcast_in_dim3A_1] : memref<128x128xf32, #tpu.memory_space<vmem>>[vector<16xi32>, vector<16xi32>], vector<16xf32>,
    tpu.vector_store_idx %arg5[%add3A_204, %broadcast_in_dim3A_138], %gather3A_210 : memref<128x16xf32, #tpu.memory_space<vmem>>[vector<16xi32>, vector<16xi32>], vector<16xf32>,
    %dma_start3A_211 = arith.constant 1 : i32
    %dma_start3A_212 = arith.constant 0 : i32
    %dma_start3A_213 = arith.constant 0 : i32
    %dma_start3A_214 = tpu.memref_slice %arg4[%dma_start3A_211, %dma_start3A_212, %dma_start3A_213] : memref<2x128x128xf32, #tpu.memory_space<vmem>> -> memref<1x128x128xf32, #tpu.memory_space<vmem>>
    %dma_start3A_215 = tpu.memref_squeeze %dma_start3A_214 : memref<1x128x128xf32, #tpu.memory_space<vmem>> -> memref<128x128xf32, #tpu.memory_space<vmem>>
    %dma_start3A_216 = arith.constant 768 : i32
    %dma_start3A_217 = tpu.memref_slice %arg2[%mul3A_0, %dma_start3A_216] : memref<8192x4096xf32, #tpu.memory_space<hbm>> -> memref<128x128xf32, #tpu.memory_space<hbm>>
    %dma_start3A_218 = arith.constant 0 : i32
    %dma_start3A_219 = arith.constant 0 : i32
    %dma_start3A_220 = tpu.memref_slice %arg4[%dma_start3A_211, %dma_start3A_218, %dma_start3A_219] : memref<2x128x128xf32, #tpu.memory_space<vmem>> -> memref<1x128x128xf32, #tpu.memory_space<vmem>>
    %dma_start3A_221 = tpu.memref_squeeze %dma_start3A_220 : memref<1x128x128xf32, #tpu.memory_space<vmem>> -> memref<128x128xf32, #tpu.memory_space<vmem>>
    %dma_start3A_222 = arith.constant 768 : i32
    %dma_start3A_223 = tpu.memref_slice %arg2[%mul3A_0, %dma_start3A_222] : memref<8192x4096xf32, #tpu.memory_space<hbm>> -> memref<128x128xf32, #tpu.memory_space<hbm>>
    tpu.enqueue_dma source(%dma_start3A_223 : memref<128x128xf32, #tpu.memory_space<hbm>>) target(%dma_start3A_221 : memref<128x128xf32, #tpu.memory_space<vmem>>) target_semaphore(%arg7 : memref<!tpu.dma_semaphore, #tpu.memory_space<semaphore_mem>>)
    %dma_wait3A_224 = arith.constant 0 : i32
    %dma_wait3A_225 = arith.constant 0 : i32
    %dma_wait3A_226 = arith.constant 0 : i32
    %dma_wait3A_227 = tpu.memref_slice %arg4[%dma_wait3A_224, %dma_wait3A_225, %dma_wait3A_226] : memref<2x128x128xf32, #tpu.memory_space<vmem>> -> memref<1x128x128xf32, #tpu.memory_space<vmem>>
    %dma_wait3A_228 = tpu.memref_squeeze %dma_wait3A_227 : memref<1x128x128xf32, #tpu.memory_space<vmem>> -> memref<128x128xf32, #tpu.memory_space<vmem>>
    %dma_wait3A_229 = arith.constant 512 : i32
    %dma_wait3A_230 = tpu.memref_slice %arg2[%mul3A_0, %dma_wait3A_229] : memref<8192x4096xf32, #tpu.memory_space<hbm>> -> memref<128x128xf32, #tpu.memory_space<hbm>>
    %dma_wait3A_231 = arith.constant 0 : i32
    %dma_wait3A_232 = arith.constant 0 : i32
    %dma_wait3A_233 = tpu.memref_slice %arg4[%dma_wait3A_224, %dma_wait3A_231, %dma_wait3A_232] : memref<2x128x128xf32, #tpu.memory_space<vmem>> -> memref<1x128x128xf32, #tpu.memory_space<vmem>>
    %dma_wait3A_234 = tpu.memref_squeeze %dma_wait3A_233 : memref<1x128x128xf32, #tpu.memory_space<vmem>> -> memref<128x128xf32, #tpu.memory_space<vmem>>
    %dma_wait3A_235 = arith.constant 512 : i32
    %dma_wait3A_236 = tpu.memref_slice %arg2[%mul3A_0, %dma_wait3A_235] : memref<8192x4096xf32, #tpu.memory_space<hbm>> -> memref<128x128xf32, #tpu.memory_space<hbm>>
    tpu.wait_dma2 semaphore(%arg6 : memref<!tpu.dma_semaphore, #tpu.memory_space<semaphore_mem>>) src(%dma_wait3A_236 : memref<128x128xf32, #tpu.memory_space<hbm>>) dst(%dma_wait3A_234 : memref<128x128xf32, #tpu.memory_space<vmem>>)
    %broadcast_in_dim3A_237 = arith.constant 2 : i32
    %broadcast_in_dim3A_238 = vector.broadcast %broadcast_in_dim3A_237 : i32 to vector<16xi32>
    %add3A_239 = arith.constant 0 : i32
    %add3A_240 = vector.broadcast %add3A_239 : i32 to vector<16xi32>
    %add3A_241 = arith.addi %add3A_240, %iota3A : vector<16xi32>
    %gather3A_242 = arith.constant 0 : i32
    %gather3A_243 = arith.constant 0 : i32
    %gather3A_244 = arith.constant 0 : i32
    %gather3A_245 = tpu.memref_slice %arg4[%gather3A_242, %gather3A_243, %gather3A_244] : memref<2x128x128xf32, #tpu.memory_space<vmem>> -> memref<1x128x128xf32, #tpu.memory_space<vmem>>
    %gather3A_246 = tpu.memref_squeeze %gather3A_245 : memref<1x128x128xf32, #tpu.memory_space<vmem>> -> memref<128x128xf32, #tpu.memory_space<vmem>>
    %gather3A_247 = tpu.vector_load_idx %gather3A_246[%add3A_241, %broadcast_in_dim3A_1] : memref<128x128xf32, #tpu.memory_space<vmem>>[vector<16xi32>, vector<16xi32>], vector<16xf32>,
    tpu.vector_store_idx %arg5[%add3A_241, %broadcast_in_dim3A_238], %gather3A_247 : memref<128x16xf32, #tpu.memory_space<vmem>>[vector<16xi32>, vector<16xi32>], vector<16xf32>,
    %add3A_248 = arith.constant 16 : i32
    %add3A_249 = vector.broadcast %add3A_248 : i32 to vector<16xi32>
    %add3A_250 = arith.addi %add3A_249, %iota3A : vector<16xi32>
    %gather3A_251 = arith.constant 0 : i32
    %gather3A_252 = arith.constant 0 : i32
    %gather3A_253 = arith.constant 0 : i32
    %gather3A_254 = tpu.memref_slice %arg4[%gather3A_251, %gather3A_252, %gather3A_253] : memref<2x128x128xf32, #tpu.memory_space<vmem>> -> memref<1x128x128xf32, #tpu.memory_space<vmem>>
    %gather3A_255 = tpu.memref_squeeze %gather3A_254 : memref<1x128x128xf32, #tpu.memory_space<vmem>> -> memref<128x128xf32, #tpu.memory_space<vmem>>
    %gather3A_256 = tpu.vector_load_idx %gather3A_255[%add3A_250, %broadcast_in_dim3A_1] : memref<128x128xf32, #tpu.memory_space<vmem>>[vector<16xi32>, vector<16xi32>], vector<16xf32>,
    tpu.vector_store_idx %arg5[%add3A_250, %broadcast_in_dim3A_238], %gather3A_256 : memref<128x16xf32, #tpu.memory_space<vmem>>[vector<16xi32>, vector<16xi32>], vector<16xf32>,
    %add3A_257 = arith.constant 32 : i32
    %add3A_258 = vector.broadcast %add3A_257 : i32 to vector<16xi32>
    %add3A_259 = arith.addi %add3A_258, %iota3A : vector<16xi32>
    %gather3A_260 = arith.constant 0 : i32
    %gather3A_261 = arith.constant 0 : i32
    %gather3A_262 = arith.constant 0 : i32
    %gather3A_263 = tpu.memref_slice %arg4[%gather3A_260, %gather3A_261, %gather3A_262] : memref<2x128x128xf32, #tpu.memory_space<vmem>> -> memref<1x128x128xf32, #tpu.memory_space<vmem>>
    %gather3A_264 = tpu.memref_squeeze %gather3A_263 : memref<1x128x128xf32, #tpu.memory_space<vmem>> -> memref<128x128xf32, #tpu.memory_space<vmem>>
    %gather3A_265 = tpu.vector_load_idx %gather3A_264[%add3A_259, %broadcast_in_dim3A_1] : memref<128x128xf32, #tpu.memory_space<vmem>>[vector<16xi32>, vector<16xi32>], vector<16xf32>,
    tpu.vector_store_idx %arg5[%add3A_259, %broadcast_in_dim3A_238], %gather3A_265 : memref<128x16xf32, #tpu.memory_space<vmem>>[vector<16xi32>, vector<16xi32>], vector<16xf32>,
    %add3A_266 = arith.constant 48 : i32
    %add3A_267 = vector.broadcast %add3A_266 : i32 to vector<16xi32>
    %add3A_268 = arith.addi %add3A_267, %iota3A : vector<16xi32>
    %gather3A_269 = arith.constant 0 : i32
    %gather3A_270 = arith.constant 0 : i32
    %gather3A_271 = arith.constant 0 : i32
    %gather3A_272 = tpu.memref_slice %arg4[%gather3A_269, %gather3A_270, %gather3A_271] : memref<2x128x128xf32, #tpu.memory_space<vmem>> -> memref<1x128x128xf32, #tpu.memory_space<vmem>>
    %gather3A_273 = tpu.memref_squeeze %gather3A_272 : memref<1x128x128xf32, #tpu.memory_space<vmem>> -> memref<128x128xf32, #tpu.memory_space<vmem>>
    %gather3A_274 = tpu.vector_load_idx %gather3A_273[%add3A_268, %broadcast_in_dim3A_1] : memref<128x128xf32, #tpu.memory_space<vmem>>[vector<16xi32>, vector<16xi32>], vector<16xf32>,
    tpu.vector_store_idx %arg5[%add3A_268, %broadcast_in_dim3A_238], %gather3A_274 : memref<128x16xf32, #tpu.memory_space<vmem>>[vector<16xi32>, vector<16xi32>], vector<16xf32>,
    %add3A_275 = arith.constant 64 : i32
    %add3A_276 = vector.broadcast %add3A_275 : i32 to vector<16xi32>
    %add3A_277 = arith.addi %add3A_276, %iota3A : vector<16xi32>
    %gather3A_278 = arith.constant 0 : i32
    %gather3A_279 = arith.constant 0 : i32
    %gather3A_280 = arith.constant 0 : i32
    %gather3A_281 = tpu.memref_slice %arg4[%gather3A_278, %gather3A_279, %gather3A_280] : memref<2x128x128xf32, #tpu.memory_space<vmem>> -> memref<1x128x128xf32, #tpu.memory_space<vmem>>
    %gather3A_282 = tpu.memref_squeeze %gather3A_281 : memref<1x128x128xf32, #tpu.memory_space<vmem>> -> memref<128x128xf32, #tpu.memory_space<vmem>>
    %gather3A_283 = tpu.vector_load_idx %gather3A_282[%add3A_277, %broadcast_in_dim3A_1] : memref<128x128xf32, #tpu.memory_space<vmem>>[vector<16xi32>, vector<16xi32>], vector<16xf32>,
    tpu.vector_store_idx %arg5[%add3A_277, %broadcast_in_dim3A_238], %gather3A_283 : memref<128x16xf32, #tpu.memory_space<vmem>>[vector<16xi32>, vector<16xi32>], vector<16xf32>,
    %add3A_284 = arith.constant 80 : i32
    %add3A_285 = vector.broadcast %add3A_284 : i32 to vector<16xi32>
    %add3A_286 = arith.addi %add3A_285, %iota3A : vector<16xi32>
    %gather3A_287 = arith.constant 0 : i32
    %gather3A_288 = arith.constant 0 : i32
    %gather3A_289 = arith.constant 0 : i32
    %gather3A_290 = tpu.memref_slice %arg4[%gather3A_287, %gather3A_288, %gather3A_289] : memref<2x128x128xf32, #tpu.memory_space<vmem>> -> memref<1x128x128xf32, #tpu.memory_space<vmem>>
    %gather3A_291 = tpu.memref_squeeze %gather3A_290 : memref<1x128x128xf32, #tpu.memory_space<vmem>> -> memref<128x128xf32, #tpu.memory_space<vmem>>
    %gather3A_292 = tpu.vector_load_idx %gather3A_291[%add3A_286, %broadcast_in_dim3A_1] : memref<128x128xf32, #tpu.memory_space<vmem>>[vector<16xi32>, vector<16xi32>], vector<16xf32>,
    tpu.vector_store_idx %arg5[%add3A_286, %broadcast_in_dim3A_238], %gather3A_292 : memref<128x16xf32, #tpu.memory_space<vmem>>[vector<16xi32>, vector<16xi32>], vector<16xf32>,
    %add3A_293 = arith.constant 96 : i32
    %add3A_294 = vector.broadcast %add3A_293 : i32 to vector<16xi32>
    %add3A_295 = arith.addi %add3A_294, %iota3A : vector<16xi32>
    %gather3A_296 = arith.constant 0 : i32
    %gather3A_297 = arith.constant 0 : i32
    %gather3A_298 = arith.constant 0 : i32
    %gather3A_299 = tpu.memref_slice %arg4[%gather3A_296, %gather3A_297, %gather3A_298] : memref<2x128x128xf32, #tpu.memory_space<vmem>> -> memref<1x128x128xf32, #tpu.memory_space<vmem>>
    %gather3A_300 = tpu.memref_squeeze %gather3A_299 : memref<1x128x128xf32, #tpu.memory_space<vmem>> -> memref<128x128xf32, #tpu.memory_space<vmem>>
    %gather3A_301 = tpu.vector_load_idx %gather3A_300[%add3A_295, %broadcast_in_dim3A_1] : memref<128x128xf32, #tpu.memory_space<vmem>>[vector<16xi32>, vector<16xi32>], vector<16xf32>,
    tpu.vector_store_idx %arg5[%add3A_295, %broadcast_in_dim3A_238], %gather3A_301 : memref<128x16xf32, #tpu.memory_space<vmem>>[vector<16xi32>, vector<16xi32>], vector<16xf32>,
    %add3A_302 = arith.constant 112 : i32
    %add3A_303 = vector.broadcast %add3A_302 : i32 to vector<16xi32>
    %add3A_304 = arith.addi %add3A_303, %iota3A : vector<16xi32>
    %gather3A_305 = arith.constant 0 : i32
    %gather3A_306 = arith.constant 0 : i32
    %gather3A_307 = arith.constant 0 : i32
    %gather3A_308 = tpu.memref_slice %arg4[%gather3A_305, %gather3A_306, %gather3A_307] : memref<2x128x128xf32, #tpu.memory_space<vmem>> -> memref<1x128x128xf32, #tpu.memory_space<vmem>>
    %gather3A_309 = tpu.memref_squeeze %gather3A_308 : memref<1x128x128xf32, #tpu.memory_space<vmem>> -> memref<128x128xf32, #tpu.memory_space<vmem>>
    %gather3A_310 = tpu.vector_load_idx %gather3A_309[%add3A_304, %broadcast_in_dim3A_1] : memref<128x128xf32, #tpu.memory_space<vmem>>[vector<16xi32>, vector<16xi32>], vector<16xf32>,
    tpu.vector_store_idx %arg5[%add3A_304, %broadcast_in_dim3A_238], %gather3A_310 : memref<128x16xf32, #tpu.memory_space<vmem>>[vector<16xi32>, vector<16xi32>], vector<16xf32>,
    %dma_start3A_311 = arith.constant 0 : i32
    %dma_start3A_312 = arith.constant 0 : i32
    %dma_start3A_313 = arith.constant 0 : i32
    %dma_start3A_314 = tpu.memref_slice %arg4[%dma_start3A_311, %dma_start3A_312, %dma_start3A_313] : memref<2x128x128xf32, #tpu.memory_space<vmem>> -> memref<1x128x128xf32, #tpu.memory_space<vmem>>
    %dma_start3A_315 = tpu.memref_squeeze %dma_start3A_314 : memref<1x128x128xf32, #tpu.memory_space<vmem>> -> memref<128x128xf32, #tpu.memory_space<vmem>>
    %dma_start3A_316 = arith.constant 1024 : i32
    %dma_start3A_317 = tpu.memref_slice %arg2[%mul3A_0, %dma_start3A_316] : memref<8192x4096xf32, #tpu.memory_space<hbm>> -> memref<128x128xf32, #tpu.memory_space<hbm>>
    %dma_start3A_318 = arith.constant 0 : i32
    %dma_start3A_319 = arith.constant 0 : i32
    %dma_start3A_320 = tpu.memref_slice %arg4[%dma_start3A_311, %dma_start3A_318, %dma_start3A_319] : memref<2x128x128xf32, #tpu.memory_space<vmem>> -> memref<1x128x128xf32, #tpu.memory_space<vmem>>
    %dma_start3A_321 = tpu.memref_squeeze %dma_start3A_320 : memref<1x128x128xf32, #tpu.memory_space<vmem>> -> memref<128x128xf32, #tpu.memory_space<vmem>>
    %dma_start3A_322 = arith.constant 1024 : i32
    %dma_start3A_323 = tpu.memref_slice %arg2[%mul3A_0, %dma_start3A_322] : memref<8192x4096xf32, #tpu.memory_space<hbm>> -> memref<128x128xf32, #tpu.memory_space<hbm>>
    tpu.enqueue_dma source(%dma_start3A_323 : memref<128x128xf32, #tpu.memory_space<hbm>>) target(%dma_start3A_321 : memref<128x128xf32, #tpu.memory_space<vmem>>) target_semaphore(%arg6 : memref<!tpu.dma_semaphore, #tpu.memory_space<semaphore_mem>>)
    %dma_wait3A_324 = arith.constant 1 : i32
    %dma_wait3A_325 = arith.constant 0 : i32
    %dma_wait3A_326 = arith.constant 0 : i32
    %dma_wait3A_327 = tpu.memref_slice %arg4[%dma_wait3A_324, %dma_wait3A_325, %dma_wait3A_326] : memref<2x128x128xf32, #tpu.memory_space<vmem>> -> memref<1x128x128xf32, #tpu.memory_space<vmem>>
    %dma_wait3A_328 = tpu.memref_squeeze %dma_wait3A_327 : memref<1x128x128xf32, #tpu.memory_space<vmem>> -> memref<128x128xf32, #tpu.memory_space<vmem>>
    %dma_wait3A_329 = arith.constant 768 : i32
    %dma_wait3A_330 = tpu.memref_slice %arg2[%mul3A_0, %dma_wait3A_329] : memref<8192x4096xf32, #tpu.memory_space<hbm>> -> memref<128x128xf32, #tpu.memory_space<hbm>>
    %dma_wait3A_331 = arith.constant 0 : i32
    %dma_wait3A_332 = arith.constant 0 : i32
    %dma_wait3A_333 = tpu.memref_slice %arg4[%dma_wait3A_324, %dma_wait3A_331, %dma_wait3A_332] : memref<2x128x128xf32, #tpu.memory_space<vmem>> -> memref<1x128x128xf32, #tpu.memory_space<vmem>>
    %dma_wait3A_334 = tpu.memref_squeeze %dma_wait3A_333 : memref<1x128x128xf32, #tpu.memory_space<vmem>> -> memref<128x128xf32, #tpu.memory_space<vmem>>
    %dma_wait3A_335 = arith.constant 768 : i32
    %dma_wait3A_336 = tpu.memref_slice %arg2[%mul3A_0, %dma_wait3A_335] : memref<8192x4096xf32, #tpu.memory_space<hbm>> -> memref<128x128xf32, #tpu.memory_space<hbm>>
    tpu.wait_dma2 semaphore(%arg7 : memref<!tpu.dma_semaphore, #tpu.memory_space<semaphore_mem>>) src(%dma_wait3A_336 : memref<128x128xf32, #tpu.memory_space<hbm>>) dst(%dma_wait3A_334 : memref<128x128xf32, #tpu.memory_space<vmem>>)
    %broadcast_in_dim3A_337 = arith.constant 3 : i32
    %broadcast_in_dim3A_338 = vector.broadcast %broadcast_in_dim3A_337 : i32 to vector<16xi32>
    %add3A_339 = arith.constant 0 : i32
    %add3A_340 = vector.broadcast %add3A_339 : i32 to vector<16xi32>
    %add3A_341 = arith.addi %add3A_340, %iota3A : vector<16xi32>
    %gather3A_342 = arith.constant 1 : i32
    %gather3A_343 = arith.constant 0 : i32
    %gather3A_344 = arith.constant 0 : i32
    %gather3A_345 = tpu.memref_slice %arg4[%gather3A_342, %gather3A_343, %gather3A_344] : memref<2x128x128xf32, #tpu.memory_space<vmem>> -> memref<1x128x128xf32, #tpu.memory_space<vmem>>
    %gather3A_346 = tpu.memref_squeeze %gather3A_345 : memref<1x128x128xf32, #tpu.memory_space<vmem>> -> memref<128x128xf32, #tpu.memory_space<vmem>>
    %gather3A_347 = tpu.vector_load_idx %gather3A_346[%add3A_341, %broadcast_in_dim3A_1] : memref<128x128xf32, #tpu.memory_space<vmem>>[vector<16xi32>, vector<16xi32>], vector<16xf32>,
    tpu.vector_store_idx %arg5[%add3A_341, %broadcast_in_dim3A_338], %gather3A_347 : memref<128x16xf32, #tpu.memory_space<vmem>>[vector<16xi32>, vector<16xi32>], vector<16xf32>,
    %add3A_348 = arith.constant 16 : i32
    %add3A_349 = vector.broadcast %add3A_348 : i32 to vector<16xi32>
    %add3A_350 = arith.addi %add3A_349, %iota3A : vector<16xi32>
    %gather3A_351 = arith.constant 1 : i32
    %gather3A_352 = arith.constant 0 : i32
    %gather3A_353 = arith.constant 0 : i32
    %gather3A_354 = tpu.memref_slice %arg4[%gather3A_351, %gather3A_352, %gather3A_353] : memref<2x128x128xf32, #tpu.memory_space<vmem>> -> memref<1x128x128xf32, #tpu.memory_space<vmem>>
    %gather3A_355 = tpu.memref_squeeze %gather3A_354 : memref<1x128x128xf32, #tpu.memory_space<vmem>> -> memref<128x128xf32, #tpu.memory_space<vmem>>
    %gather3A_356 = tpu.vector_load_idx %gather3A_355[%add3A_350, %broadcast_in_dim3A_1] : memref<128x128xf32, #tpu.memory_space<vmem>>[vector<16xi32>, vector<16xi32>], vector<16xf32>,
    tpu.vector_store_idx %arg5[%add3A_350, %broadcast_in_dim3A_338], %gather3A_356 : memref<128x16xf32, #tpu.memory_space<vmem>>[vector<16xi32>, vector<16xi32>], vector<16xf32>,
    %add3A_357 = arith.constant 32 : i32
    %add3A_358 = vector.broadcast %add3A_357 : i32 to vector<16xi32>
    %add3A_359 = arith.addi %add3A_358, %iota3A : vector<16xi32>
    %gather3A_360 = arith.constant 1 : i32
    %gather3A_361 = arith.constant 0 : i32
    %gather3A_362 = arith.constant 0 : i32
    %gather3A_363 = tpu.memref_slice %arg4[%gather3A_360, %gather3A_361, %gather3A_362] : memref<2x128x128xf32, #tpu.memory_space<vmem>> -> memref<1x128x128xf32, #tpu.memory_space<vmem>>
    %gather3A_364 = tpu.memref_squeeze %gather3A_363 : memref<1x128x128xf32, #tpu.memory_space<vmem>> -> memref<128x128xf32, #tpu.memory_space<vmem>>
    %gather3A_365 = tpu.vector_load_idx %gather3A_364[%add3A_359, %broadcast_in_dim3A_1] : memref<128x128xf32, #tpu.memory_space<vmem>>[vector<16xi32>, vector<16xi32>], vector<16xf32>,
    tpu.vector_store_idx %arg5[%add3A_359, %broadcast_in_dim3A_338], %gather3A_365 : memref<128x16xf32, #tpu.memory_space<vmem>>[vector<16xi32>, vector<16xi32>], vector<16xf32>,
    %add3A_366 = arith.constant 48 : i32
    %add3A_367 = vector.broadcast %add3A_366 : i32 to vector<16xi32>
    %add3A_368 = arith.addi %add3A_367, %iota3A : vector<16xi32>
    %gather3A_369 = arith.constant 1 : i32
    %gather3A_370 = arith.constant 0 : i32
    %gather3A_371 = arith.constant 0 : i32
    %gather3A_372 = tpu.memref_slice %arg4[%gather3A_369, %gather3A_370, %gather3A_371] : memref<2x128x128xf32, #tpu.memory_space<vmem>> -> memref<1x128x128xf32, #tpu.memory_space<vmem>>
    %gather3A_373 = tpu.memref_squeeze %gather3A_372 : memref<1x128x128xf32, #tpu.memory_space<vmem>> -> memref<128x128xf32, #tpu.memory_space<vmem>>
    %gather3A_374 = tpu.vector_load_idx %gather3A_373[%add3A_368, %broadcast_in_dim3A_1] : memref<128x128xf32, #tpu.memory_space<vmem>>[vector<16xi32>, vector<16xi32>], vector<16xf32>,
    tpu.vector_store_idx %arg5[%add3A_368, %broadcast_in_dim3A_338], %gather3A_374 : memref<128x16xf32, #tpu.memory_space<vmem>>[vector<16xi32>, vector<16xi32>], vector<16xf32>,
    %add3A_375 = arith.constant 64 : i32
    %add3A_376 = vector.broadcast %add3A_375 : i32 to vector<16xi32>
    %add3A_377 = arith.addi %add3A_376, %iota3A : vector<16xi32>
    %gather3A_378 = arith.constant 1 : i32
    %gather3A_379 = arith.constant 0 : i32
    %gather3A_380 = arith.constant 0 : i32
    %gather3A_381 = tpu.memref_slice %arg4[%gather3A_378, %gather3A_379, %gather3A_380] : memref<2x128x128xf32, #tpu.memory_space<vmem>> -> memref<1x128x128xf32, #tpu.memory_space<vmem>>
    %gather3A_382 = tpu.memref_squeeze %gather3A_381 : memref<1x128x128xf32, #tpu.memory_space<vmem>> -> memref<128x128xf32, #tpu.memory_space<vmem>>
    %gather3A_383 = tpu.vector_load_idx %gather3A_382[%add3A_377, %broadcast_in_dim3A_1] : memref<128x128xf32, #tpu.memory_space<vmem>>[vector<16xi32>, vector<16xi32>], vector<16xf32>,
    tpu.vector_store_idx %arg5[%add3A_377, %broadcast_in_dim3A_338], %gather3A_383 : memref<128x16xf32, #tpu.memory_space<vmem>>[vector<16xi32>, vector<16xi32>], vector<16xf32>,
    %add3A_384 = arith.constant 80 : i32
    %add3A_385 = vector.broadcast %add3A_384 : i32 to vector<16xi32>
    %add3A_386 = arith.addi %add3A_385, %iota3A : vector<16xi32>
    %gather3A_387 = arith.constant 1 : i32
    %gather3A_388 = arith.constant 0 : i32
    %gather3A_389 = arith.constant 0 : i32
    %gather3A_390 = tpu.memref_slice %arg4[%gather3A_387, %gather3A_388, %gather3A_389] : memref<2x128x128xf32, #tpu.memory_space<vmem>> -> memref<1x128x128xf32, #tpu.memory_space<vmem>>
    %gather3A_391 = tpu.memref_squeeze %gather3A_390 : memref<1x128x128xf32, #tpu.memory_space<vmem>> -> memref<128x128xf32, #tpu.memory_space<vmem>>
    %gather3A_392 = tpu.vector_load_idx %gather3A_391[%add3A_386, %broadcast_in_dim3A_1] : memref<128x128xf32, #tpu.memory_space<vmem>>[vector<16xi32>, vector<16xi32>], vector<16xf32>,
    tpu.vector_store_idx %arg5[%add3A_386, %broadcast_in_dim3A_338], %gather3A_392 : memref<128x16xf32, #tpu.memory_space<vmem>>[vector<16xi32>, vector<16xi32>], vector<16xf32>,
    %add3A_393 = arith.constant 96 : i32
    %add3A_394 = vector.broadcast %add3A_393 : i32 to vector<16xi32>
    %add3A_395 = arith.addi %add3A_394, %iota3A : vector<16xi32>
    %gather3A_396 = arith.constant 1 : i32
    %gather3A_397 = arith.constant 0 : i32
    %gather3A_398 = arith.constant 0 : i32
    %gather3A_399 = tpu.memref_slice %arg4[%gather3A_396, %gather3A_397, %gather3A_398] : memref<2x128x128xf32, #tpu.memory_space<vmem>> -> memref<1x128x128xf32, #tpu.memory_space<vmem>>
    %gather3A_400 = tpu.memref_squeeze %gather3A_399 : memref<1x128x128xf32, #tpu.memory_space<vmem>> -> memref<128x128xf32, #tpu.memory_space<vmem>>
    %gather3A_401 = tpu.vector_load_idx %gather3A_400[%add3A_395, %broadcast_in_dim3A_1] : memref<128x128xf32, #tpu.memory_space<vmem>>[vector<16xi32>, vector<16xi32>], vector<16xf32>,
    tpu.vector_store_idx %arg5[%add3A_395, %broadcast_in_dim3A_338], %gather3A_401 : memref<128x16xf32, #tpu.memory_space<vmem>>[vector<16xi32>, vector<16xi32>], vector<16xf32>,
    %add3A_402 = arith.constant 112 : i32
    %add3A_403 = vector.broadcast %add3A_402 : i32 to vector<16xi32>
    %add3A_404 = arith.addi %add3A_403, %iota3A : vector<16xi32>
    %gather3A_405 = arith.constant 1 : i32
    %gather3A_406 = arith.constant 0 : i32
    %gather3A_407 = arith.constant 0 : i32
    %gather3A_408 = tpu.memref_slice %arg4[%gather3A_405, %gather3A_406, %gather3A_407] : memref<2x128x128xf32, #tpu.memory_space<vmem>> -> memref<1x128x128xf32, #tpu.memory_space<vmem>>
    %gather3A_409 = tpu.memref_squeeze %gather3A_408 : memref<1x128x128xf32, #tpu.memory_space<vmem>> -> memref<128x128xf32, #tpu.memory_space<vmem>>
    %gather3A_410 = tpu.vector_load_idx %gather3A_409[%add3A_404, %broadcast_in_dim3A_1] : memref<128x128xf32, #tpu.memory_space<vmem>>[vector<16xi32>, vector<16xi32>], vector<16xf32>,
    tpu.vector_store_idx %arg5[%add3A_404, %broadcast_in_dim3A_338], %gather3A_410 : memref<128x16xf32, #tpu.memory_space<vmem>>[vector<16xi32>, vector<16xi32>], vector<16xf32>,
    %dma_start3A_411 = arith.constant 1 : i32
    %dma_start3A_412 = arith.constant 0 : i32
    %dma_start3A_413 = arith.constant 0 : i32
    %dma_start3A_414 = tpu.memref_slice %arg4[%dma_start3A_411, %dma_start3A_412, %dma_start3A_413] : memref<2x128x128xf32, #tpu.memory_space<vmem>> -> memref<1x128x128xf32, #tpu.memory_space<vmem>>
    %dma_start3A_415 = tpu.memref_squeeze %dma_start3A_414 : memref<1x128x128xf32, #tpu.memory_space<vmem>> -> memref<128x128xf32, #tpu.memory_space<vmem>>
    %dma_start3A_416 = arith.constant 1280 : i32
    %dma_start3A_417 = tpu.memref_slice %arg2[%mul3A_0, %dma_start3A_416] : memref<8192x4096xf32, #tpu.memory_space<hbm>> -> memref<128x128xf32, #tpu.memory_space<hbm>>
    %dma_start3A_418 = arith.constant 0 : i32
    %dma_start3A_419 = arith.constant 0 : i32
    %dma_start3A_420 = tpu.memref_slice %arg4[%dma_start3A_411, %dma_start3A_418, %dma_start3A_419] : memref<2x128x128xf32, #tpu.memory_space<vmem>> -> memref<1x128x128xf32, #tpu.memory_space<vmem>>
    %dma_start3A_421 = tpu.memref_squeeze %dma_start3A_420 : memref<1x128x128xf32, #tpu.memory_space<vmem>> -> memref<128x128xf32, #tpu.memory_space<vmem>>
    %dma_start3A_422 = arith.constant 1280 : i32
    %dma_start3A_423 = tpu.memref_slice %arg2[%mul3A_0, %dma_start3A_422] : memref<8192x4096xf32, #tpu.memory_space<hbm>> -> memref<128x128xf32, #tpu.memory_space<hbm>>
    tpu.enqueue_dma source(%dma_start3A_423 : memref<128x128xf32, #tpu.memory_space<hbm>>) target(%dma_start3A_421 : memref<128x128xf32, #tpu.memory_space<vmem>>) target_semaphore(%arg7 : memref<!tpu.dma_semaphore, #tpu.memory_space<semaphore_mem>>)
    %dma_wait3A_424 = arith.constant 0 : i32
    %dma_wait3A_425 = arith.constant 0 : i32
    %dma_wait3A_426 = arith.constant 0 : i32
    %dma_wait3A_427 = tpu.memref_slice %arg4[%dma_wait3A_424, %dma_wait3A_425, %dma_wait3A_426] : memref<2x128x128xf32, #tpu.memory_space<vmem>> -> memref<1x128x128xf32, #tpu.memory_space<vmem>>
    %dma_wait3A_428 = tpu.memref_squeeze %dma_wait3A_427 : memref<1x128x128xf32, #tpu.memory_space<vmem>> -> memref<128x128xf32, #tpu.memory_space<vmem>>
    %dma_wait3A_429 = arith.constant 1024 : i32
    %dma_wait3A_430 = tpu.memref_slice %arg2[%mul3A_0, %dma_wait3A_429] : memref<8192x4096xf32, #tpu.memory_space<hbm>> -> memref<128x128xf32, #tpu.memory_space<hbm>>
    %dma_wait3A_431 = arith.constant 0 : i32
    %dma_wait3A_432 = arith.constant 0 : i32
    %dma_wait3A_433 = tpu.memref_slice %arg4[%dma_wait3A_424, %dma_wait3A_431, %dma_wait3A_432] : memref<2x128x128xf32, #tpu.memory_space<vmem>> -> memref<1x128x128xf32, #tpu.memory_space<vmem>>
    %dma_wait3A_434 = tpu.memref_squeeze %dma_wait3A_433 : memref<1x128x128xf32, #tpu.memory_space<vmem>> -> memref<128x128xf32, #tpu.memory_space<vmem>>
    %dma_wait3A_435 = arith.constant 1024 : i32
    %dma_wait3A_436 = tpu.memref_slice %arg2[%mul3A_0, %dma_wait3A_435] : memref<8192x4096xf32, #tpu.memory_space<hbm>> -> memref<128x128xf32, #tpu.memory_space<hbm>>
    tpu.wait_dma2 semaphore(%arg6 : memref<!tpu.dma_semaphore, #tpu.memory_space<semaphore_mem>>) src(%dma_wait3A_436 : memref<128x128xf32, #tpu.memory_space<hbm>>) dst(%dma_wait3A_434 : memref<128x128xf32, #tpu.memory_space<vmem>>)
    %broadcast_in_dim3A_437 = arith.constant 4 : i32
    %broadcast_in_dim3A_438 = vector.broadcast %broadcast_in_dim3A_437 : i32 to vector<16xi32>
    %add3A_439 = arith.constant 0 : i32
    %add3A_440 = vector.broadcast %add3A_439 : i32 to vector<16xi32>
    %add3A_441 = arith.addi %add3A_440, %iota3A : vector<16xi32>
    %gather3A_442 = arith.constant 0 : i32
    %gather3A_443 = arith.constant 0 : i32
    %gather3A_444 = arith.constant 0 : i32
    %gather3A_445 = tpu.memref_slice %arg4[%gather3A_442, %gather3A_443, %gather3A_444] : memref<2x128x128xf32, #tpu.memory_space<vmem>> -> memref<1x128x128xf32, #tpu.memory_space<vmem>>
    %gather3A_446 = tpu.memref_squeeze %gather3A_445 : memref<1x128x128xf32, #tpu.memory_space<vmem>> -> memref<128x128xf32, #tpu.memory_space<vmem>>
    %gather3A_447 = tpu.vector_load_idx %gather3A_446[%add3A_441, %broadcast_in_dim3A_1] : memref<128x128xf32, #tpu.memory_space<vmem>>[vector<16xi32>, vector<16xi32>], vector<16xf32>,
    tpu.vector_store_idx %arg5[%add3A_441, %broadcast_in_dim3A_438], %gather3A_447 : memref<128x16xf32, #tpu.memory_space<vmem>>[vector<16xi32>, vector<16xi32>], vector<16xf32>,
    %add3A_448 = arith.constant 16 : i32
    %add3A_449 = vector.broadcast %add3A_448 : i32 to vector<16xi32>
    %add3A_450 = arith.addi %add3A_449, %iota3A : vector<16xi32>
    %gather3A_451 = arith.constant 0 : i32
    %gather3A_452 = arith.constant 0 : i32
    %gather3A_453 = arith.constant 0 : i32
    %gather3A_454 = tpu.memref_slice %arg4[%gather3A_451, %gather3A_452, %gather3A_453] : memref<2x128x128xf32, #tpu.memory_space<vmem>> -> memref<1x128x128xf32, #tpu.memory_space<vmem>>
    %gather3A_455 = tpu.memref_squeeze %gather3A_454 : memref<1x128x128xf32, #tpu.memory_space<vmem>> -> memref<128x128xf32, #tpu.memory_space<vmem>>
    %gather3A_456 = tpu.vector_load_idx %gather3A_455[%add3A_450, %broadcast_in_dim3A_1] : memref<128x128xf32, #tpu.memory_space<vmem>>[vector<16xi32>, vector<16xi32>], vector<16xf32>,
    tpu.vector_store_idx %arg5[%add3A_450, %broadcast_in_dim3A_438], %gather3A_456 : memref<128x16xf32, #tpu.memory_space<vmem>>[vector<16xi32>, vector<16xi32>], vector<16xf32>,
    %add3A_457 = arith.constant 32 : i32
    %add3A_458 = vector.broadcast %add3A_457 : i32 to vector<16xi32>
    %add3A_459 = arith.addi %add3A_458, %iota3A : vector<16xi32>
    %gather3A_460 = arith.constant 0 : i32
    %gather3A_461 = arith.constant 0 : i32
    %gather3A_462 = arith.constant 0 : i32
    %gather3A_463 = tpu.memref_slice %arg4[%gather3A_460, %gather3A_461, %gather3A_462] : memref<2x128x128xf32, #tpu.memory_space<vmem>> -> memref<1x128x128xf32, #tpu.memory_space<vmem>>
    %gather3A_464 = tpu.memref_squeeze %gather3A_463 : memref<1x128x128xf32, #tpu.memory_space<vmem>> -> memref<128x128xf32, #tpu.memory_space<vmem>>
    %gather3A_465 = tpu.vector_load_idx %gather3A_464[%add3A_459, %broadcast_in_dim3A_1] : memref<128x128xf32, #tpu.memory_space<vmem>>[vector<16xi32>, vector<16xi32>], vector<16xf32>,
    tpu.vector_store_idx %arg5[%add3A_459, %broadcast_in_dim3A_438], %gather3A_465 : memref<128x16xf32, #tpu.memory_space<vmem>>[vector<16xi32>, vector<16xi32>], vector<16xf32>,
    %add3A_466 = arith.constant 48 : i32
    %add3A_467 = vector.broadcast %add3A_466 : i32 to vector<16xi32>
    %add3A_468 = arith.addi %add3A_467, %iota3A : vector<16xi32>
    %gather3A_469 = arith.constant 0 : i32
    %gather3A_470 = arith.constant 0 : i32
    %gather3A_471 = arith.constant 0 : i32
    %gather3A_472 = tpu.memref_slice %arg4[%gather3A_469, %gather3A_470, %gather3A_471] : memref<2x128x128xf32, #tpu.memory_space<vmem>> -> memref<1x128x128xf32, #tpu.memory_space<vmem>>
    %gather3A_473 = tpu.memref_squeeze %gather3A_472 : memref<1x128x128xf32, #tpu.memory_space<vmem>> -> memref<128x128xf32, #tpu.memory_space<vmem>>
    %gather3A_474 = tpu.vector_load_idx %gather3A_473[%add3A_468, %broadcast_in_dim3A_1] : memref<128x128xf32, #tpu.memory_space<vmem>>[vector<16xi32>, vector<16xi32>], vector<16xf32>,
    tpu.vector_store_idx %arg5[%add3A_468, %broadcast_in_dim3A_438], %gather3A_474 : memref<128x16xf32, #tpu.memory_space<vmem>>[vector<16xi32>, vector<16xi32>], vector<16xf32>,
    %add3A_475 = arith.constant 64 : i32
    %add3A_476 = vector.broadcast %add3A_475 : i32 to vector<16xi32>
    %add3A_477 = arith.addi %add3A_476, %iota3A : vector<16xi32>
    %gather3A_478 = arith.constant 0 : i32
    %gather3A_479 = arith.constant 0 : i32
    %gather3A_480 = arith.constant 0 : i32
    %gather3A_481 = tpu.memref_slice %arg4[%gather3A_478, %gather3A_479, %gather3A_480] : memref<2x128x128xf32, #tpu.memory_space<vmem>> -> memref<1x128x128xf32, #tpu.memory_space<vmem>>
    %gather3A_482 = tpu.memref_squeeze %gather3A_481 : memref<1x128x128xf32, #tpu.memory_space<vmem>> -> memref<128x128xf32, #tpu.memory_space<vmem>>
    %gather3A_483 = tpu.vector_load_idx %gather3A_482[%add3A_477, %broadcast_in_dim3A_1] : memref<128x128xf32, #tpu.memory_space<vmem>>[vector<16xi32>, vector<16xi32>], vector<16xf32>,
    tpu.vector_store_idx %arg5[%add3A_477, %broadcast_in_dim3A_438], %gather3A_483 : memref<128x16xf32, #tpu.memory_space<vmem>>[vector<16xi32>, vector<16xi32>], vector<16xf32>,
    %add3A_484 = arith.constant 80 : i32
    %add3A_485 = vector.broadcast %add3A_484 : i32 to vector<16xi32>
    %add3A_486 = arith.addi %add3A_485, %iota3A : vector<16xi32>
    %gather3A_487 = arith.constant 0 : i32
    %gather3A_488 = arith.constant 0 : i32
    %gather3A_489 = arith.constant 0 : i32
    %gather3A_490 = tpu.memref_slice %arg4[%gather3A_487, %gather3A_488, %gather3A_489] : memref<2x128x128xf32, #tpu.memory_space<vmem>> -> memref<1x128x128xf32, #tpu.memory_space<vmem>>
    %gather3A_491 = tpu.memref_squeeze %gather3A_490 : memref<1x128x128xf32, #tpu.memory_space<vmem>> -> memref<128x128xf32, #tpu.memory_space<vmem>>
    %gather3A_492 = tpu.vector_load_idx %gather3A_491[%add3A_486, %broadcast_in_dim3A_1] : memref<128x128xf32, #tpu.memory_space<vmem>>[vector<16xi32>, vector<16xi32>], vector<16xf32>,
    tpu.vector_store_idx %arg5[%add3A_486, %broadcast_in_dim3A_438], %gather3A_492 : memref<128x16xf32, #tpu.memory_space<vmem>>[vector<16xi32>, vector<16xi32>], vector<16xf32>,
    %add3A_493 = arith.constant 96 : i32
    %add3A_494 = vector.broadcast %add3A_493 : i32 to vector<16xi32>
    %add3A_495 = arith.addi %add3A_494, %iota3A : vector<16xi32>
    %gather3A_496 = arith.constant 0 : i32
    %gather3A_497 = arith.constant 0 : i32
    %gather3A_498 = arith.constant 0 : i32
    %gather3A_499 = tpu.memref_slice %arg4[%gather3A_496, %gather3A_497, %gather3A_498] : memref<2x128x128xf32, #tpu.memory_space<vmem>> -> memref<1x128x128xf32, #tpu.memory_space<vmem>>
    %gather3A_500 = tpu.memref_squeeze %gather3A_499 : memref<1x128x128xf32, #tpu.memory_space<vmem>> -> memref<128x128xf32, #tpu.memory_space<vmem>>
    %gather3A_501 = tpu.vector_load_idx %gather3A_500[%add3A_495, %broadcast_in_dim3A_1] : memref<128x128xf32, #tpu.memory_space<vmem>>[vector<16xi32>, vector<16xi32>], vector<16xf32>,
    tpu.vector_store_idx %arg5[%add3A_495, %broadcast_in_dim3A_438], %gather3A_501 : memref<128x16xf32, #tpu.memory_space<vmem>>[vector<16xi32>, vector<16xi32>], vector<16xf32>,
    %add3A_502 = arith.constant 112 : i32
    %add3A_503 = vector.broadcast %add3A_502 : i32 to vector<16xi32>
    %add3A_504 = arith.addi %add3A_503, %iota3A : vector<16xi32>
    %gather3A_505 = arith.constant 0 : i32
    %gather3A_506 = arith.constant 0 : i32
    %gather3A_507 = arith.constant 0 : i32
    %gather3A_508 = tpu.memref_slice %arg4[%gather3A_505, %gather3A_506, %gather3A_507] : memref<2x128x128xf32, #tpu.memory_space<vmem>> -> memref<1x128x128xf32, #tpu.memory_space<vmem>>
    %gather3A_509 = tpu.memref_squeeze %gather3A_508 : memref<1x128x128xf32, #tpu.memory_space<vmem>> -> memref<128x128xf32, #tpu.memory_space<vmem>>
    %gather3A_510 = tpu.vector_load_idx %gather3A_509[%add3A_504, %broadcast_in_dim3A_1] : memref<128x128xf32, #tpu.memory_space<vmem>>[vector<16xi32>, vector<16xi32>], vector<16xf32>,
    tpu.vector_store_idx %arg5[%add3A_504, %broadcast_in_dim3A_438], %gather3A_510 : memref<128x16xf32, #tpu.memory_space<vmem>>[vector<16xi32>, vector<16xi32>], vector<16xf32>,
    %dma_start3A_511 = arith.constant 0 : i32
    %dma_start3A_512 = arith.constant 0 : i32
    %dma_start3A_513 = arith.constant 0 : i32
    %dma_start3A_514 = tpu.memref_slice %arg4[%dma_start3A_511, %dma_start3A_512, %dma_start3A_513] : memref<2x128x128xf32, #tpu.memory_space<vmem>> -> memref<1x128x128xf32, #tpu.memory_space<vmem>>
    %dma_start3A_515 = tpu.memref_squeeze %dma_start3A_514 : memref<1x128x128xf32, #tpu.memory_space<vmem>> -> memref<128x128xf32, #tpu.memory_space<vmem>>
    %dma_start3A_516 = arith.constant 1536 : i32
    %dma_start3A_517 = tpu.memref_slice %arg2[%mul3A_0, %dma_start3A_516] : memref<8192x4096xf32, #tpu.memory_space<hbm>> -> memref<128x128xf32, #tpu.memory_space<hbm>>
    %dma_start3A_518 = arith.constant 0 : i32
    %dma_start3A_519 = arith.constant 0 : i32
    %dma_start3A_520 = tpu.memref_slice %arg4[%dma_start3A_511, %dma_start3A_518, %dma_start3A_519] : memref<2x128x128xf32, #tpu.memory_space<vmem>> -> memref<1x128x128xf32, #tpu.memory_space<vmem>>
    %dma_start3A_521 = tpu.memref_squeeze %dma_start3A_520 : memref<1x128x128xf32, #tpu.memory_space<vmem>> -> memref<128x128xf32, #tpu.memory_space<vmem>>
    %dma_start3A_522 = arith.constant 1536 : i32
    %dma_start3A_523 = tpu.memref_slice %arg2[%mul3A_0, %dma_start3A_522] : memref<8192x4096xf32, #tpu.memory_space<hbm>> -> memref<128x128xf32, #tpu.memory_space<hbm>>
    tpu.enqueue_dma source(%dma_start3A_523 : memref<128x128xf32, #tpu.memory_space<hbm>>) target(%dma_start3A_521 : memref<128x128xf32, #tpu.memory_space<vmem>>) target_semaphore(%arg6 : memref<!tpu.dma_semaphore, #tpu.memory_space<semaphore_mem>>)
    %dma_wait3A_524 = arith.constant 1 : i32
    %dma_wait3A_525 = arith.constant 0 : i32
    %dma_wait3A_526 = arith.constant 0 : i32
    %dma_wait3A_527 = tpu.memref_slice %arg4[%dma_wait3A_524, %dma_wait3A_525, %dma_wait3A_526] : memref<2x128x128xf32, #tpu.memory_space<vmem>> -> memref<1x128x128xf32, #tpu.memory_space<vmem>>
    %dma_wait3A_528 = tpu.memref_squeeze %dma_wait3A_527 : memref<1x128x128xf32, #tpu.memory_space<vmem>> -> memref<128x128xf32, #tpu.memory_space<vmem>>
    %dma_wait3A_529 = arith.constant 1280 : i32
    %dma_wait3A_530 = tpu.memref_slice %arg2[%mul3A_0, %dma_wait3A_529] : memref<8192x4096xf32, #tpu.memory_space<hbm>> -> memref<128x128xf32, #tpu.memory_space<hbm>>
    %dma_wait3A_531 = arith.constant 0 : i32
    %dma_wait3A_532 = arith.constant 0 : i32
    %dma_wait3A_533 = tpu.memref_slice %arg4[%dma_wait3A_524, %dma_wait3A_531, %dma_wait3A_532] : memref<2x128x128xf32, #tpu.memory_space<vmem>> -> memref<1x128x128xf32, #tpu.memory_space<vmem>>
    %dma_wait3A_534 = tpu.memref_squeeze %dma_wait3A_533 : memref<1x128x128xf32, #tpu.memory_space<vmem>> -> memref<128x128xf32, #tpu.memory_space<vmem>>
    %dma_wait3A_535 = arith.constant 1280 : i32
    %dma_wait3A_536 = tpu.memref_slice %arg2[%mul3A_0, %dma_wait3A_535] : memref<8192x4096xf32, #tpu.memory_space<hbm>> -> memref<128x128xf32, #tpu.memory_space<hbm>>
    tpu.wait_dma2 semaphore(%arg7 : memref<!tpu.dma_semaphore, #tpu.memory_space<semaphore_mem>>) src(%dma_wait3A_536 : memref<128x128xf32, #tpu.memory_space<hbm>>) dst(%dma_wait3A_534 : memref<128x128xf32, #tpu.memory_space<vmem>>)
    %broadcast_in_dim3A_537 = arith.constant 5 : i32
    %broadcast_in_dim3A_538 = vector.broadcast %broadcast_in_dim3A_537 : i32 to vector<16xi32>
    %add3A_539 = arith.constant 0 : i32
    %add3A_540 = vector.broadcast %add3A_539 : i32 to vector<16xi32>
    %add3A_541 = arith.addi %add3A_540, %iota3A : vector<16xi32>
    %gather3A_542 = arith.constant 1 : i32
    %gather3A_543 = arith.constant 0 : i32
    %gather3A_544 = arith.constant 0 : i32
    %gather3A_545 = tpu.memref_slice %arg4[%gather3A_542, %gather3A_543, %gather3A_544] : memref<2x128x128xf32, #tpu.memory_space<vmem>> -> memref<1x128x128xf32, #tpu.memory_space<vmem>>
    %gather3A_546 = tpu.memref_squeeze %gather3A_545 : memref<1x128x128xf32, #tpu.memory_space<vmem>> -> memref<128x128xf32, #tpu.memory_space<vmem>>
    %gather3A_547 = tpu.vector_load_idx %gather3A_546[%add3A_541, %broadcast_in_dim3A_1] : memref<128x128xf32, #tpu.memory_space<vmem>>[vector<16xi32>, vector<16xi32>], vector<16xf32>,
    tpu.vector_store_idx %arg5[%add3A_541, %broadcast_in_dim3A_538], %gather3A_547 : memref<128x16xf32, #tpu.memory_space<vmem>>[vector<16xi32>, vector<16xi32>], vector<16xf32>,
    %add3A_548 = arith.constant 16 : i32
    %add3A_549 = vector.broadcast %add3A_548 : i32 to vector<16xi32>
    %add3A_550 = arith.addi %add3A_549, %iota3A : vector<16xi32>
    %gather3A_551 = arith.constant 1 : i32
    %gather3A_552 = arith.constant 0 : i32
    %gather3A_553 = arith.constant 0 : i32
    %gather3A_554 = tpu.memref_slice %arg4[%gather3A_551, %gather3A_552, %gather3A_553] : memref<2x128x128xf32, #tpu.memory_space<vmem>> -> memref<1x128x128xf32, #tpu.memory_space<vmem>>
    %gather3A_555 = tpu.memref_squeeze %gather3A_554 : memref<1x128x128xf32, #tpu.memory_space<vmem>> -> memref<128x128xf32, #tpu.memory_space<vmem>>
    %gather3A_556 = tpu.vector_load_idx %gather3A_555[%add3A_550, %broadcast_in_dim3A_1] : memref<128x128xf32, #tpu.memory_space<vmem>>[vector<16xi32>, vector<16xi32>], vector<16xf32>,
    tpu.vector_store_idx %arg5[%add3A_550, %broadcast_in_dim3A_538], %gather3A_556 : memref<128x16xf32, #tpu.memory_space<vmem>>[vector<16xi32>, vector<16xi32>], vector<16xf32>,
    %add3A_557 = arith.constant 32 : i32
    %add3A_558 = vector.broadcast %add3A_557 : i32 to vector<16xi32>
    %add3A_559 = arith.addi %add3A_558, %iota3A : vector<16xi32>
    %gather3A_560 = arith.constant 1 : i32
    %gather3A_561 = arith.constant 0 : i32
    %gather3A_562 = arith.constant 0 : i32
    %gather3A_563 = tpu.memref_slice %arg4[%gather3A_560, %gather3A_561, %gather3A_562] : memref<2x128x128xf32, #tpu.memory_space<vmem>> -> memref<1x128x128xf32, #tpu.memory_space<vmem>>
    %gather3A_564 = tpu.memref_squeeze %gather3A_563 : memref<1x128x128xf32, #tpu.memory_space<vmem>> -> memref<128x128xf32, #tpu.memory_space<vmem>>
    %gather3A_565 = tpu.vector_load_idx %gather3A_564[%add3A_559, %broadcast_in_dim3A_1] : memref<128x128xf32, #tpu.memory_space<vmem>>[vector<16xi32>, vector<16xi32>], vector<16xf32>,
    tpu.vector_store_idx %arg5[%add3A_559, %broadcast_in_dim3A_538], %gather3A_565 : memref<128x16xf32, #tpu.memory_space<vmem>>[vector<16xi32>, vector<16xi32>], vector<16xf32>,
    %add3A_566 = arith.constant 48 : i32
    %add3A_567 = vector.broadcast %add3A_566 : i32 to vector<16xi32>
    %add3A_568 = arith.addi %add3A_567, %iota3A : vector<16xi32>
    %gather3A_569 = arith.constant 1 : i32
    %gather3A_570 = arith.constant 0 : i32
    %gather3A_571 = arith.constant 0 : i32
    %gather3A_572 = tpu.memref_slice %arg4[%gather3A_569, %gather3A_570, %gather3A_571] : memref<2x128x128xf32, #tpu.memory_space<vmem>> -> memref<1x128x128xf32, #tpu.memory_space<vmem>>
    %gather3A_573 = tpu.memref_squeeze %gather3A_572 : memref<1x128x128xf32, #tpu.memory_space<vmem>> -> memref<128x128xf32, #tpu.memory_space<vmem>>
    %gather3A_574 = tpu.vector_load_idx %gather3A_573[%add3A_568, %broadcast_in_dim3A_1] : memref<128x128xf32, #tpu.memory_space<vmem>>[vector<16xi32>, vector<16xi32>], vector<16xf32>,
    tpu.vector_store_idx %arg5[%add3A_568, %broadcast_in_dim3A_538], %gather3A_574 : memref<128x16xf32, #tpu.memory_space<vmem>>[vector<16xi32>, vector<16xi32>], vector<16xf32>,
    %add3A_575 = arith.constant 64 : i32
    %add3A_576 = vector.broadcast %add3A_575 : i32 to vector<16xi32>
    %add3A_577 = arith.addi %add3A_576, %iota3A : vector<16xi32>
    %gather3A_578 = arith.constant 1 : i32
    %gather3A_579 = arith.constant 0 : i32
    %gather3A_580 = arith.constant 0 : i32
    %gather3A_581 = tpu.memref_slice %arg4[%gather3A_578, %gather3A_579, %gather3A_580] : memref<2x128x128xf32, #tpu.memory_space<vmem>> -> memref<1x128x128xf32, #tpu.memory_space<vmem>>
    %gather3A_582 = tpu.memref_squeeze %gather3A_581 : memref<1x128x128xf32, #tpu.memory_space<vmem>> -> memref<128x128xf32, #tpu.memory_space<vmem>>
    %gather3A_583 = tpu.vector_load_idx %gather3A_582[%add3A_577, %broadcast_in_dim3A_1] : memref<128x128xf32, #tpu.memory_space<vmem>>[vector<16xi32>, vector<16xi32>], vector<16xf32>,
    tpu.vector_store_idx %arg5[%add3A_577, %broadcast_in_dim3A_538], %gather3A_583 : memref<128x16xf32, #tpu.memory_space<vmem>>[vector<16xi32>, vector<16xi32>], vector<16xf32>,
    %add3A_584 = arith.constant 80 : i32
    %add3A_585 = vector.broadcast %add3A_584 : i32 to vector<16xi32>
    %add3A_586 = arith.addi %add3A_585, %iota3A : vector<16xi32>
    %gather3A_587 = arith.constant 1 : i32
    %gather3A_588 = arith.constant 0 : i32
    %gather3A_589 = arith.constant 0 : i32
    %gather3A_590 = tpu.memref_slice %arg4[%gather3A_587, %gather3A_588, %gather3A_589] : memref<2x128x128xf32, #tpu.memory_space<vmem>> -> memref<1x128x128xf32, #tpu.memory_space<vmem>>
    %gather3A_591 = tpu.memref_squeeze %gather3A_590 : memref<1x128x128xf32, #tpu.memory_space<vmem>> -> memref<128x128xf32, #tpu.memory_space<vmem>>
    %gather3A_592 = tpu.vector_load_idx %gather3A_591[%add3A_586, %broadcast_in_dim3A_1] : memref<128x128xf32, #tpu.memory_space<vmem>>[vector<16xi32>, vector<16xi32>], vector<16xf32>,
    tpu.vector_store_idx %arg5[%add3A_586, %broadcast_in_dim3A_538], %gather3A_592 : memref<128x16xf32, #tpu.memory_space<vmem>>[vector<16xi32>, vector<16xi32>], vector<16xf32>,
    %add3A_593 = arith.constant 96 : i32
    %add3A_594 = vector.broadcast %add3A_593 : i32 to vector<16xi32>
    %add3A_595 = arith.addi %add3A_594, %iota3A : vector<16xi32>
    %gather3A_596 = arith.constant 1 : i32
    %gather3A_597 = arith.constant 0 : i32
    %gather3A_598 = arith.constant 0 : i32
    %gather3A_599 = tpu.memref_slice %arg4[%gather3A_596, %gather3A_597, %gather3A_598] : memref<2x128x128xf32, #tpu.memory_space<vmem>> -> memref<1x128x128xf32, #tpu.memory_space<vmem>>
    %gather3A_600 = tpu.memref_squeeze %gather3A_599 : memref<1x128x128xf32, #tpu.memory_space<vmem>> -> memref<128x128xf32, #tpu.memory_space<vmem>>
    %gather3A_601 = tpu.vector_load_idx %gather3A_600[%add3A_595, %broadcast_in_dim3A_1] : memref<128x128xf32, #tpu.memory_space<vmem>>[vector<16xi32>, vector<16xi32>], vector<16xf32>,
    tpu.vector_store_idx %arg5[%add3A_595, %broadcast_in_dim3A_538], %gather3A_601 : memref<128x16xf32, #tpu.memory_space<vmem>>[vector<16xi32>, vector<16xi32>], vector<16xf32>,
    %add3A_602 = arith.constant 112 : i32
    %add3A_603 = vector.broadcast %add3A_602 : i32 to vector<16xi32>
    %add3A_604 = arith.addi %add3A_603, %iota3A : vector<16xi32>
    %gather3A_605 = arith.constant 1 : i32
    %gather3A_606 = arith.constant 0 : i32
    %gather3A_607 = arith.constant 0 : i32
    %gather3A_608 = tpu.memref_slice %arg4[%gather3A_605, %gather3A_606, %gather3A_607] : memref<2x128x128xf32, #tpu.memory_space<vmem>> -> memref<1x128x128xf32, #tpu.memory_space<vmem>>
    %gather3A_609 = tpu.memref_squeeze %gather3A_608 : memref<1x128x128xf32, #tpu.memory_space<vmem>> -> memref<128x128xf32, #tpu.memory_space<vmem>>
    %gather3A_610 = tpu.vector_load_idx %gather3A_609[%add3A_604, %broadcast_in_dim3A_1] : memref<128x128xf32, #tpu.memory_space<vmem>>[vector<16xi32>, vector<16xi32>], vector<16xf32>,
    tpu.vector_store_idx %arg5[%add3A_604, %broadcast_in_dim3A_538], %gather3A_610 : memref<128x16xf32, #tpu.memory_space<vmem>>[vector<16xi32>, vector<16xi32>], vector<16xf32>,
    %dma_start3A_611 = arith.constant 1 : i32
    %dma_start3A_612 = arith.constant 0 : i32
    %dma_start3A_613 = arith.constant 0 : i32
    %dma_start3A_614 = tpu.memref_slice %arg4[%dma_start3A_611, %dma_start3A_612, %dma_start3A_613] : memref<2x128x128xf32, #tpu.memory_space<vmem>> -> memref<1x128x128xf32, #tpu.memory_space<vmem>>
    %dma_start3A_615 = tpu.memref_squeeze %dma_start3A_614 : memref<1x128x128xf32, #tpu.memory_space<vmem>> -> memref<128x128xf32, #tpu.memory_space<vmem>>
    %dma_start3A_616 = arith.constant 1792 : i32
    %dma_start3A_617 = tpu.memref_slice %arg2[%mul3A_0, %dma_start3A_616] : memref<8192x4096xf32, #tpu.memory_space<hbm>> -> memref<128x128xf32, #tpu.memory_space<hbm>>
    %dma_start3A_618 = arith.constant 0 : i32
    %dma_start3A_619 = arith.constant 0 : i32
    %dma_start3A_620 = tpu.memref_slice %arg4[%dma_start3A_611, %dma_start3A_618, %dma_start3A_619] : memref<2x128x128xf32, #tpu.memory_space<vmem>> -> memref<1x128x128xf32, #tpu.memory_space<vmem>>
    %dma_start3A_621 = tpu.memref_squeeze %dma_start3A_620 : memref<1x128x128xf32, #tpu.memory_space<vmem>> -> memref<128x128xf32, #tpu.memory_space<vmem>>
    %dma_start3A_622 = arith.constant 1792 : i32
    %dma_start3A_623 = tpu.memref_slice %arg2[%mul3A_0, %dma_start3A_622] : memref<8192x4096xf32, #tpu.memory_space<hbm>> -> memref<128x128xf32, #tpu.memory_space<hbm>>
    tpu.enqueue_dma source(%dma_start3A_623 : memref<128x128xf32, #tpu.memory_space<hbm>>) target(%dma_start3A_621 : memref<128x128xf32, #tpu.memory_space<vmem>>) target_semaphore(%arg7 : memref<!tpu.dma_semaphore, #tpu.memory_space<semaphore_mem>>)
    %dma_wait3A_624 = arith.constant 0 : i32
    %dma_wait3A_625 = arith.constant 0 : i32
    %dma_wait3A_626 = arith.constant 0 : i32
    %dma_wait3A_627 = tpu.memref_slice %arg4[%dma_wait3A_624, %dma_wait3A_625, %dma_wait3A_626] : memref<2x128x128xf32, #tpu.memory_space<vmem>> -> memref<1x128x128xf32, #tpu.memory_space<vmem>>
    %dma_wait3A_628 = tpu.memref_squeeze %dma_wait3A_627 : memref<1x128x128xf32, #tpu.memory_space<vmem>> -> memref<128x128xf32, #tpu.memory_space<vmem>>
    %dma_wait3A_629 = arith.constant 1536 : i32
    %dma_wait3A_630 = tpu.memref_slice %arg2[%mul3A_0, %dma_wait3A_629] : memref<8192x4096xf32, #tpu.memory_space<hbm>> -> memref<128x128xf32, #tpu.memory_space<hbm>>
    %dma_wait3A_631 = arith.constant 0 : i32
    %dma_wait3A_632 = arith.constant 0 : i32
    %dma_wait3A_633 = tpu.memref_slice %arg4[%dma_wait3A_624, %dma_wait3A_631, %dma_wait3A_632] : memref<2x128x128xf32, #tpu.memory_space<vmem>> -> memref<1x128x128xf32, #tpu.memory_space<vmem>>
    %dma_wait3A_634 = tpu.memref_squeeze %dma_wait3A_633 : memref<1x128x128xf32, #tpu.memory_space<vmem>> -> memref<128x128xf32, #tpu.memory_space<vmem>>
    %dma_wait3A_635 = arith.constant 1536 : i32
    %dma_wait3A_636 = tpu.memref_slice %arg2[%mul3A_0, %dma_wait3A_635] : memref<8192x4096xf32, #tpu.memory_space<hbm>> -> memref<128x128xf32, #tpu.memory_space<hbm>>
    tpu.wait_dma2 semaphore(%arg6 : memref<!tpu.dma_semaphore, #tpu.memory_space<semaphore_mem>>) src(%dma_wait3A_636 : memref<128x128xf32, #tpu.memory_space<hbm>>) dst(%dma_wait3A_634 : memref<128x128xf32, #tpu.memory_space<vmem>>)
    %broadcast_in_dim3A_637 = arith.constant 6 : i32
    %broadcast_in_dim3A_638 = vector.broadcast %broadcast_in_dim3A_637 : i32 to vector<16xi32>
    %add3A_639 = arith.constant 0 : i32
    %add3A_640 = vector.broadcast %add3A_639 : i32 to vector<16xi32>
    %add3A_641 = arith.addi %add3A_640, %iota3A : vector<16xi32>
    %gather3A_642 = arith.constant 0 : i32
    %gather3A_643 = arith.constant 0 : i32
    %gather3A_644 = arith.constant 0 : i32
    %gather3A_645 = tpu.memref_slice %arg4[%gather3A_642, %gather3A_643, %gather3A_644] : memref<2x128x128xf32, #tpu.memory_space<vmem>> -> memref<1x128x128xf32, #tpu.memory_space<vmem>>
    %gather3A_646 = tpu.memref_squeeze %gather3A_645 : memref<1x128x128xf32, #tpu.memory_space<vmem>> -> memref<128x128xf32, #tpu.memory_space<vmem>>
    %gather3A_647 = tpu.vector_load_idx %gather3A_646[%add3A_641, %broadcast_in_dim3A_1] : memref<128x128xf32, #tpu.memory_space<vmem>>[vector<16xi32>, vector<16xi32>], vector<16xf32>,
    tpu.vector_store_idx %arg5[%add3A_641, %broadcast_in_dim3A_638], %gather3A_647 : memref<128x16xf32, #tpu.memory_space<vmem>>[vector<16xi32>, vector<16xi32>], vector<16xf32>,
    %add3A_648 = arith.constant 16 : i32
    %add3A_649 = vector.broadcast %add3A_648 : i32 to vector<16xi32>
    %add3A_650 = arith.addi %add3A_649, %iota3A : vector<16xi32>
    %gather3A_651 = arith.constant 0 : i32
    %gather3A_652 = arith.constant 0 : i32
    %gather3A_653 = arith.constant 0 : i32
    %gather3A_654 = tpu.memref_slice %arg4[%gather3A_651, %gather3A_652, %gather3A_653] : memref<2x128x128xf32, #tpu.memory_space<vmem>> -> memref<1x128x128xf32, #tpu.memory_space<vmem>>
    %gather3A_655 = tpu.memref_squeeze %gather3A_654 : memref<1x128x128xf32, #tpu.memory_space<vmem>> -> memref<128x128xf32, #tpu.memory_space<vmem>>
    %gather3A_656 = tpu.vector_load_idx %gather3A_655[%add3A_650, %broadcast_in_dim3A_1] : memref<128x128xf32, #tpu.memory_space<vmem>>[vector<16xi32>, vector<16xi32>], vector<16xf32>,
    tpu.vector_store_idx %arg5[%add3A_650, %broadcast_in_dim3A_638], %gather3A_656 : memref<128x16xf32, #tpu.memory_space<vmem>>[vector<16xi32>, vector<16xi32>], vector<16xf32>,
    %add3A_657 = arith.constant 32 : i32
    %add3A_658 = vector.broadcast %add3A_657 : i32 to vector<16xi32>
    %add3A_659 = arith.addi %add3A_658, %iota3A : vector<16xi32>
    %gather3A_660 = arith.constant 0 : i32
    %gather3A_661 = arith.constant 0 : i32
    %gather3A_662 = arith.constant 0 : i32
    %gather3A_663 = tpu.memref_slice %arg4[%gather3A_660, %gather3A_661, %gather3A_662] : memref<2x128x128xf32, #tpu.memory_space<vmem>> -> memref<1x128x128xf32, #tpu.memory_space<vmem>>
    %gather3A_664 = tpu.memref_squeeze %gather3A_663 : memref<1x128x128xf32, #tpu.memory_space<vmem>> -> memref<128x128xf32, #tpu.memory_space<vmem>>
    %gather3A_665 = tpu.vector_load_idx %gather3A_664[%add3A_659, %broadcast_in_dim3A_1] : memref<128x128xf32, #tpu.memory_space<vmem>>[vector<16xi32>, vector<16xi32>], vector<16xf32>,
    tpu.vector_store_idx %arg5[%add3A_659, %broadcast_in_dim3A_638], %gather3A_665 : memref<128x16xf32, #tpu.memory_space<vmem>>[vector<16xi32>, vector<16xi32>], vector<16xf32>,
    %add3A_666 = arith.constant 48 : i32
    %add3A_667 = vector.broadcast %add3A_666 : i32 to vector<16xi32>
    %add3A_668 = arith.addi %add3A_667, %iota3A : vector<16xi32>
    %gather3A_669 = arith.constant 0 : i32
    %gather3A_670 = arith.constant 0 : i32
    %gather3A_671 = arith.constant 0 : i32
    %gather3A_672 = tpu.memref_slice %arg4[%gather3A_669, %gather3A_670, %gather3A_671] : memref<2x128x128xf32, #tpu.memory_space<vmem>> -> memref<1x128x128xf32, #tpu.memory_space<vmem>>
    %gather3A_673 = tpu.memref_squeeze %gather3A_672 : memref<1x128x128xf32, #tpu.memory_space<vmem>> -> memref<128x128xf32, #tpu.memory_space<vmem>>
    %gather3A_674 = tpu.vector_load_idx %gather3A_673[%add3A_668, %broadcast_in_dim3A_1] : memref<128x128xf32, #tpu.memory_space<vmem>>[vector<16xi32>, vector<16xi32>], vector<16xf32>,
    tpu.vector_store_idx %arg5[%add3A_668, %broadcast_in_dim3A_638], %gather3A_674 : memref<128x16xf32, #tpu.memory_space<vmem>>[vector<16xi32>, vector<16xi32>], vector<16xf32>,
    %add3A_675 = arith.constant 64 : i32
    %add3A_676 = vector.broadcast %add3A_675 : i32 to vector<16xi32>
    %add3A_677 = arith.addi %add3A_676, %iota3A : vector<16xi32>
    %gather3A_678 = arith.constant 0 : i32
    %gather3A_679 = arith.constant 0 : i32
    %gather3A_680 = arith.constant 0 : i32
    %gather3A_681 = tpu.memref_slice %arg4[%gather3A_678, %gather3A_679, %gather3A_680] : memref<2x128x128xf32, #tpu.memory_space<vmem>> -> memref<1x128x128xf32, #tpu.memory_space<vmem>>
    %gather3A_682 = tpu.memref_squeeze %gather3A_681 : memref<1x128x128xf32, #tpu.memory_space<vmem>> -> memref<128x128xf32, #tpu.memory_space<vmem>>
    %gather3A_683 = tpu.vector_load_idx %gather3A_682[%add3A_677, %broadcast_in_dim3A_1] : memref<128x128xf32, #tpu.memory_space<vmem>>[vector<16xi32>, vector<16xi32>], vector<16xf32>,
    tpu.vector_store_idx %arg5[%add3A_677, %broadcast_in_dim3A_638], %gather3A_683 : memref<128x16xf32, #tpu.memory_space<vmem>>[vector<16xi32>, vector<16xi32>], vector<16xf32>,
    %add3A_684 = arith.constant 80 : i32
    %add3A_685 = vector.broadcast %add3A_684 : i32 to vector<16xi32>
    %add3A_686 = arith.addi %add3A_685, %iota3A : vector<16xi32>
    %gather3A_687 = arith.constant 0 : i32
    %gather3A_688 = arith.constant 0 : i32
    %gather3A_689 = arith.constant 0 : i32
    %gather3A_690 = tpu.memref_slice %arg4[%gather3A_687, %gather3A_688, %gather3A_689] : memref<2x128x128xf32, #tpu.memory_space<vmem>> -> memref<1x128x128xf32, #tpu.memory_space<vmem>>
    %gather3A_691 = tpu.memref_squeeze %gather3A_690 : memref<1x128x128xf32, #tpu.memory_space<vmem>> -> memref<128x128xf32, #tpu.memory_space<vmem>>
    %gather3A_692 = tpu.vector_load_idx %gather3A_691[%add3A_686, %broadcast_in_dim3A_1] : memref<128x128xf32, #tpu.memory_space<vmem>>[vector<16xi32>, vector<16xi32>], vector<16xf32>,
    tpu.vector_store_idx %arg5[%add3A_686, %broadcast_in_dim3A_638], %gather3A_692 : memref<128x16xf32, #tpu.memory_space<vmem>>[vector<16xi32>, vector<16xi32>], vector<16xf32>,
    %add3A_693 = arith.constant 96 : i32
    %add3A_694 = vector.broadcast %add3A_693 : i32 to vector<16xi32>
    %add3A_695 = arith.addi %add3A_694, %iota3A : vector<16xi32>
    %gather3A_696 = arith.constant 0 : i32
    %gather3A_697 = arith.constant 0 : i32
    %gather3A_698 = arith.constant 0 : i32
    %gather3A_699 = tpu.memref_slice %arg4[%gather3A_696, %gather3A_697, %gather3A_698] : memref<2x128x128xf32, #tpu.memory_space<vmem>> -> memref<1x128x128xf32, #tpu.memory_space<vmem>>
    %gather3A_700 = tpu.memref_squeeze %gather3A_699 : memref<1x128x128xf32, #tpu.memory_space<vmem>> -> memref<128x128xf32, #tpu.memory_space<vmem>>
    %gather3A_701 = tpu.vector_load_idx %gather3A_700[%add3A_695, %broadcast_in_dim3A_1] : memref<128x128xf32, #tpu.memory_space<vmem>>[vector<16xi32>, vector<16xi32>], vector<16xf32>,
    tpu.vector_store_idx %arg5[%add3A_695, %broadcast_in_dim3A_638], %gather3A_701 : memref<128x16xf32, #tpu.memory_space<vmem>>[vector<16xi32>, vector<16xi32>], vector<16xf32>,
    %add3A_702 = arith.constant 112 : i32
    %add3A_703 = vector.broadcast %add3A_702 : i32 to vector<16xi32>
    %add3A_704 = arith.addi %add3A_703, %iota3A : vector<16xi32>
    %gather3A_705 = arith.constant 0 : i32
    %gather3A_706 = arith.constant 0 : i32
    %gather3A_707 = arith.constant 0 : i32
    %gather3A_708 = tpu.memref_slice %arg4[%gather3A_705, %gather3A_706, %gather3A_707] : memref<2x128x128xf32, #tpu.memory_space<vmem>> -> memref<1x128x128xf32, #tpu.memory_space<vmem>>
    %gather3A_709 = tpu.memref_squeeze %gather3A_708 : memref<1x128x128xf32, #tpu.memory_space<vmem>> -> memref<128x128xf32, #tpu.memory_space<vmem>>
    %gather3A_710 = tpu.vector_load_idx %gather3A_709[%add3A_704, %broadcast_in_dim3A_1] : memref<128x128xf32, #tpu.memory_space<vmem>>[vector<16xi32>, vector<16xi32>], vector<16xf32>,
    tpu.vector_store_idx %arg5[%add3A_704, %broadcast_in_dim3A_638], %gather3A_710 : memref<128x16xf32, #tpu.memory_space<vmem>>[vector<16xi32>, vector<16xi32>], vector<16xf32>,
    %dma_start3A_711 = arith.constant 0 : i32
    %dma_start3A_712 = arith.constant 0 : i32
    %dma_start3A_713 = arith.constant 0 : i32
    %dma_start3A_714 = tpu.memref_slice %arg4[%dma_start3A_711, %dma_start3A_712, %dma_start3A_713] : memref<2x128x128xf32, #tpu.memory_space<vmem>> -> memref<1x128x128xf32, #tpu.memory_space<vmem>>
    %dma_start3A_715 = tpu.memref_squeeze %dma_start3A_714 : memref<1x128x128xf32, #tpu.memory_space<vmem>> -> memref<128x128xf32, #tpu.memory_space<vmem>>
    %dma_start3A_716 = arith.constant 2048 : i32
    %dma_start3A_717 = tpu.memref_slice %arg2[%mul3A_0, %dma_start3A_716] : memref<8192x4096xf32, #tpu.memory_space<hbm>> -> memref<128x128xf32, #tpu.memory_space<hbm>>
    %dma_start3A_718 = arith.constant 0 : i32
    %dma_start3A_719 = arith.constant 0 : i32
    %dma_start3A_720 = tpu.memref_slice %arg4[%dma_start3A_711, %dma_start3A_718, %dma_start3A_719] : memref<2x128x128xf32, #tpu.memory_space<vmem>> -> memref<1x128x128xf32, #tpu.memory_space<vmem>>
    %dma_start3A_721 = tpu.memref_squeeze %dma_start3A_720 : memref<1x128x128xf32, #tpu.memory_space<vmem>> -> memref<128x128xf32, #tpu.memory_space<vmem>>
    %dma_start3A_722 = arith.constant 2048 : i32
    %dma_start3A_723 = tpu.memref_slice %arg2[%mul3A_0, %dma_start3A_722] : memref<8192x4096xf32, #tpu.memory_space<hbm>> -> memref<128x128xf32, #tpu.memory_space<hbm>>
    tpu.enqueue_dma source(%dma_start3A_723 : memref<128x128xf32, #tpu.memory_space<hbm>>) target(%dma_start3A_721 : memref<128x128xf32, #tpu.memory_space<vmem>>) target_semaphore(%arg6 : memref<!tpu.dma_semaphore, #tpu.memory_space<semaphore_mem>>)
    %dma_wait3A_724 = arith.constant 1 : i32
    %dma_wait3A_725 = arith.constant 0 : i32
    %dma_wait3A_726 = arith.constant 0 : i32
    %dma_wait3A_727 = tpu.memref_slice %arg4[%dma_wait3A_724, %dma_wait3A_725, %dma_wait3A_726] : memref<2x128x128xf32, #tpu.memory_space<vmem>> -> memref<1x128x128xf32, #tpu.memory_space<vmem>>
    %dma_wait3A_728 = tpu.memref_squeeze %dma_wait3A_727 : memref<1x128x128xf32, #tpu.memory_space<vmem>> -> memref<128x128xf32, #tpu.memory_space<vmem>>
    %dma_wait3A_729 = arith.constant 1792 : i32
    %dma_wait3A_730 = tpu.memref_slice %arg2[%mul3A_0, %dma_wait3A_729] : memref<8192x4096xf32, #tpu.memory_space<hbm>> -> memref<128x128xf32, #tpu.memory_space<hbm>>
    %dma_wait3A_731 = arith.constant 0 : i32
    %dma_wait3A_732 = arith.constant 0 : i32
    %dma_wait3A_733 = tpu.memref_slice %arg4[%dma_wait3A_724, %dma_wait3A_731, %dma_wait3A_732] : memref<2x128x128xf32, #tpu.memory_space<vmem>> -> memref<1x128x128xf32, #tpu.memory_space<vmem>>
    %dma_wait3A_734 = tpu.memref_squeeze %dma_wait3A_733 : memref<1x128x128xf32, #tpu.memory_space<vmem>> -> memref<128x128xf32, #tpu.memory_space<vmem>>
    %dma_wait3A_735 = arith.constant 1792 : i32
    %dma_wait3A_736 = tpu.memref_slice %arg2[%mul3A_0, %dma_wait3A_735] : memref<8192x4096xf32, #tpu.memory_space<hbm>> -> memref<128x128xf32, #tpu.memory_space<hbm>>
    tpu.wait_dma2 semaphore(%arg7 : memref<!tpu.dma_semaphore, #tpu.memory_space<semaphore_mem>>) src(%dma_wait3A_736 : memref<128x128xf32, #tpu.memory_space<hbm>>) dst(%dma_wait3A_734 : memref<128x128xf32, #tpu.memory_space<vmem>>)
    %broadcast_in_dim3A_737 = arith.constant 7 : i32
    %broadcast_in_dim3A_738 = vector.broadcast %broadcast_in_dim3A_737 : i32 to vector<16xi32>
    %add3A_739 = arith.constant 0 : i32
    %add3A_740 = vector.broadcast %add3A_739 : i32 to vector<16xi32>
    %add3A_741 = arith.addi %add3A_740, %iota3A : vector<16xi32>
    %gather3A_742 = arith.constant 1 : i32
    %gather3A_743 = arith.constant 0 : i32
    %gather3A_744 = arith.constant 0 : i32
    %gather3A_745 = tpu.memref_slice %arg4[%gather3A_742, %gather3A_743, %gather3A_744] : memref<2x128x128xf32, #tpu.memory_space<vmem>> -> memref<1x128x128xf32, #tpu.memory_space<vmem>>
    %gather3A_746 = tpu.memref_squeeze %gather3A_745 : memref<1x128x128xf32, #tpu.memory_space<vmem>> -> memref<128x128xf32, #tpu.memory_space<vmem>>
    %gather3A_747 = tpu.vector_load_idx %gather3A_746[%add3A_741, %broadcast_in_dim3A_1] : memref<128x128xf32, #tpu.memory_space<vmem>>[vector<16xi32>, vector<16xi32>], vector<16xf32>,
    tpu.vector_store_idx %arg5[%add3A_741, %broadcast_in_dim3A_738], %gather3A_747 : memref<128x16xf32, #tpu.memory_space<vmem>>[vector<16xi32>, vector<16xi32>], vector<16xf32>,
    %add3A_748 = arith.constant 16 : i32
    %add3A_749 = vector.broadcast %add3A_748 : i32 to vector<16xi32>
    %add3A_750 = arith.addi %add3A_749, %iota3A : vector<16xi32>
    %gather3A_751 = arith.constant 1 : i32
    %gather3A_752 = arith.constant 0 : i32
    %gather3A_753 = arith.constant 0 : i32
    %gather3A_754 = tpu.memref_slice %arg4[%gather3A_751, %gather3A_752, %gather3A_753] : memref<2x128x128xf32, #tpu.memory_space<vmem>> -> memref<1x128x128xf32, #tpu.memory_space<vmem>>
    %gather3A_755 = tpu.memref_squeeze %gather3A_754 : memref<1x128x128xf32, #tpu.memory_space<vmem>> -> memref<128x128xf32, #tpu.memory_space<vmem>>
    %gather3A_756 = tpu.vector_load_idx %gather3A_755[%add3A_750, %broadcast_in_dim3A_1] : memref<128x128xf32, #tpu.memory_space<vmem>>[vector<16xi32>, vector<16xi32>], vector<16xf32>,
    tpu.vector_store_idx %arg5[%add3A_750, %broadcast_in_dim3A_738], %gather3A_756 : memref<128x16xf32, #tpu.memory_space<vmem>>[vector<16xi32>, vector<16xi32>], vector<16xf32>,
    %add3A_757 = arith.constant 32 : i32
    %add3A_758 = vector.broadcast %add3A_757 : i32 to vector<16xi32>
    %add3A_759 = arith.addi %add3A_758, %iota3A : vector<16xi32>
    %gather3A_760 = arith.constant 1 : i32
    %gather3A_761 = arith.constant 0 : i32
    %gather3A_762 = arith.constant 0 : i32
    %gather3A_763 = tpu.memref_slice %arg4[%gather3A_760, %gather3A_761, %gather3A_762] : memref<2x128x128xf32, #tpu.memory_space<vmem>> -> memref<1x128x128xf32, #tpu.memory_space<vmem>>
    %gather3A_764 = tpu.memref_squeeze %gather3A_763 : memref<1x128x128xf32, #tpu.memory_space<vmem>> -> memref<128x128xf32, #tpu.memory_space<vmem>>
    %gather3A_765 = tpu.vector_load_idx %gather3A_764[%add3A_759, %broadcast_in_dim3A_1] : memref<128x128xf32, #tpu.memory_space<vmem>>[vector<16xi32>, vector<16xi32>], vector<16xf32>,
    tpu.vector_store_idx %arg5[%add3A_759, %broadcast_in_dim3A_738], %gather3A_765 : memref<128x16xf32, #tpu.memory_space<vmem>>[vector<16xi32>, vector<16xi32>], vector<16xf32>,
    %add3A_766 = arith.constant 48 : i32
    %add3A_767 = vector.broadcast %add3A_766 : i32 to vector<16xi32>
    %add3A_768 = arith.addi %add3A_767, %iota3A : vector<16xi32>
    %gather3A_769 = arith.constant 1 : i32
    %gather3A_770 = arith.constant 0 : i32
    %gather3A_771 = arith.constant 0 : i32
    %gather3A_772 = tpu.memref_slice %arg4[%gather3A_769, %gather3A_770, %gather3A_771] : memref<2x128x128xf32, #tpu.memory_space<vmem>> -> memref<1x128x128xf32, #tpu.memory_space<vmem>>
    %gather3A_773 = tpu.memref_squeeze %gather3A_772 : memref<1x128x128xf32, #tpu.memory_space<vmem>> -> memref<128x128xf32, #tpu.memory_space<vmem>>
    %gather3A_774 = tpu.vector_load_idx %gather3A_773[%add3A_768, %broadcast_in_dim3A_1] : memref<128x128xf32, #tpu.memory_space<vmem>>[vector<16xi32>, vector<16xi32>], vector<16xf32>,
    tpu.vector_store_idx %arg5[%add3A_768, %broadcast_in_dim3A_738], %gather3A_774 : memref<128x16xf32, #tpu.memory_space<vmem>>[vector<16xi32>, vector<16xi32>], vector<16xf32>,
    %add3A_775 = arith.constant 64 : i32
    %add3A_776 = vector.broadcast %add3A_775 : i32 to vector<16xi32>
    %add3A_777 = arith.addi %add3A_776, %iota3A : vector<16xi32>
    %gather3A_778 = arith.constant 1 : i32
    %gather3A_779 = arith.constant 0 : i32
    %gather3A_780 = arith.constant 0 : i32
    %gather3A_781 = tpu.memref_slice %arg4[%gather3A_778, %gather3A_779, %gather3A_780] : memref<2x128x128xf32, #tpu.memory_space<vmem>> -> memref<1x128x128xf32, #tpu.memory_space<vmem>>
    %gather3A_782 = tpu.memref_squeeze %gather3A_781 : memref<1x128x128xf32, #tpu.memory_space<vmem>> -> memref<128x128xf32, #tpu.memory_space<vmem>>
    %gather3A_783 = tpu.vector_load_idx %gather3A_782[%add3A_777, %broadcast_in_dim3A_1] : memref<128x128xf32, #tpu.memory_space<vmem>>[vector<16xi32>, vector<16xi32>], vector<16xf32>,
    tpu.vector_store_idx %arg5[%add3A_777, %broadcast_in_dim3A_738], %gather3A_783 : memref<128x16xf32, #tpu.memory_space<vmem>>[vector<16xi32>, vector<16xi32>], vector<16xf32>,
    %add3A_784 = arith.constant 80 : i32
    %add3A_785 = vector.broadcast %add3A_784 : i32 to vector<16xi32>
    %add3A_786 = arith.addi %add3A_785, %iota3A : vector<16xi32>
    %gather3A_787 = arith.constant 1 : i32
    %gather3A_788 = arith.constant 0 : i32
    %gather3A_789 = arith.constant 0 : i32
    %gather3A_790 = tpu.memref_slice %arg4[%gather3A_787, %gather3A_788, %gather3A_789] : memref<2x128x128xf32, #tpu.memory_space<vmem>> -> memref<1x128x128xf32, #tpu.memory_space<vmem>>
    %gather3A_791 = tpu.memref_squeeze %gather3A_790 : memref<1x128x128xf32, #tpu.memory_space<vmem>> -> memref<128x128xf32, #tpu.memory_space<vmem>>
    %gather3A_792 = tpu.vector_load_idx %gather3A_791[%add3A_786, %broadcast_in_dim3A_1] : memref<128x128xf32, #tpu.memory_space<vmem>>[vector<16xi32>, vector<16xi32>], vector<16xf32>,
    tpu.vector_store_idx %arg5[%add3A_786, %broadcast_in_dim3A_738], %gather3A_792 : memref<128x16xf32, #tpu.memory_space<vmem>>[vector<16xi32>, vector<16xi32>], vector<16xf32>,
    %add3A_793 = arith.constant 96 : i32
    %add3A_794 = vector.broadcast %add3A_793 : i32 to vector<16xi32>
    %add3A_795 = arith.addi %add3A_794, %iota3A : vector<16xi32>
    %gather3A_796 = arith.constant 1 : i32
    %gather3A_797 = arith.constant 0 : i32
    %gather3A_798 = arith.constant 0 : i32
    %gather3A_799 = tpu.memref_slice %arg4[%gather3A_796, %gather3A_797, %gather3A_798] : memref<2x128x128xf32, #tpu.memory_space<vmem>> -> memref<1x128x128xf32, #tpu.memory_space<vmem>>
    %gather3A_800 = tpu.memref_squeeze %gather3A_799 : memref<1x128x128xf32, #tpu.memory_space<vmem>> -> memref<128x128xf32, #tpu.memory_space<vmem>>
    %gather3A_801 = tpu.vector_load_idx %gather3A_800[%add3A_795, %broadcast_in_dim3A_1] : memref<128x128xf32, #tpu.memory_space<vmem>>[vector<16xi32>, vector<16xi32>], vector<16xf32>,
    tpu.vector_store_idx %arg5[%add3A_795, %broadcast_in_dim3A_738], %gather3A_801 : memref<128x16xf32, #tpu.memory_space<vmem>>[vector<16xi32>, vector<16xi32>], vector<16xf32>,
    %add3A_802 = arith.constant 112 : i32
    %add3A_803 = vector.broadcast %add3A_802 : i32 to vector<16xi32>
    %add3A_804 = arith.addi %add3A_803, %iota3A : vector<16xi32>
    %gather3A_805 = arith.constant 1 : i32
    %gather3A_806 = arith.constant 0 : i32
    %gather3A_807 = arith.constant 0 : i32
    %gather3A_808 = tpu.memref_slice %arg4[%gather3A_805, %gather3A_806, %gather3A_807] : memref<2x128x128xf32, #tpu.memory_space<vmem>> -> memref<1x128x128xf32, #tpu.memory_space<vmem>>
    %gather3A_809 = tpu.memref_squeeze %gather3A_808 : memref<1x128x128xf32, #tpu.memory_space<vmem>> -> memref<128x128xf32, #tpu.memory_space<vmem>>
    %gather3A_810 = tpu.vector_load_idx %gather3A_809[%add3A_804, %broadcast_in_dim3A_1] : memref<128x128xf32, #tpu.memory_space<vmem>>[vector<16xi32>, vector<16xi32>], vector<16xf32>,
    tpu.vector_store_idx %arg5[%add3A_804, %broadcast_in_dim3A_738], %gather3A_810 : memref<128x16xf32, #tpu.memory_space<vmem>>[vector<16xi32>, vector<16xi32>], vector<16xf32>,
    %dma_start3A_811 = arith.constant 1 : i32
    %dma_start3A_812 = arith.constant 0 : i32
    %dma_start3A_813 = arith.constant 0 : i32
    %dma_start3A_814 = tpu.memref_slice %arg4[%dma_start3A_811, %dma_start3A_812, %dma_start3A_813] : memref<2x128x128xf32, #tpu.memory_space<vmem>> -> memref<1x128x128xf32, #tpu.memory_space<vmem>>
    %dma_start3A_815 = tpu.memref_squeeze %dma_start3A_814 : memref<1x128x128xf32, #tpu.memory_space<vmem>> -> memref<128x128xf32, #tpu.memory_space<vmem>>
    %dma_start3A_816 = arith.constant 2304 : i32
    %dma_start3A_817 = tpu.memref_slice %arg2[%mul3A_0, %dma_start3A_816] : memref<8192x4096xf32, #tpu.memory_space<hbm>> -> memref<128x128xf32, #tpu.memory_space<hbm>>
    %dma_start3A_818 = arith.constant 0 : i32
    %dma_start3A_819 = arith.constant 0 : i32
    %dma_start3A_820 = tpu.memref_slice %arg4[%dma_start3A_811, %dma_start3A_818, %dma_start3A_819] : memref<2x128x128xf32, #tpu.memory_space<vmem>> -> memref<1x128x128xf32, #tpu.memory_space<vmem>>
    %dma_start3A_821 = tpu.memref_squeeze %dma_start3A_820 : memref<1x128x128xf32, #tpu.memory_space<vmem>> -> memref<128x128xf32, #tpu.memory_space<vmem>>
    %dma_start3A_822 = arith.constant 2304 : i32
    %dma_start3A_823 = tpu.memref_slice %arg2[%mul3A_0, %dma_start3A_822] : memref<8192x4096xf32, #tpu.memory_space<hbm>> -> memref<128x128xf32, #tpu.memory_space<hbm>>
    tpu.enqueue_dma source(%dma_start3A_823 : memref<128x128xf32, #tpu.memory_space<hbm>>) target(%dma_start3A_821 : memref<128x128xf32, #tpu.memory_space<vmem>>) target_semaphore(%arg7 : memref<!tpu.dma_semaphore, #tpu.memory_space<semaphore_mem>>)
    %dma_wait3A_824 = arith.constant 0 : i32
    %dma_wait3A_825 = arith.constant 0 : i32
    %dma_wait3A_826 = arith.constant 0 : i32
    %dma_wait3A_827 = tpu.memref_slice %arg4[%dma_wait3A_824, %dma_wait3A_825, %dma_wait3A_826] : memref<2x128x128xf32, #tpu.memory_space<vmem>> -> memref<1x128x128xf32, #tpu.memory_space<vmem>>
    %dma_wait3A_828 = tpu.memref_squeeze %dma_wait3A_827 : memref<1x128x128xf32, #tpu.memory_space<vmem>> -> memref<128x128xf32, #tpu.memory_space<vmem>>
    %dma_wait3A_829 = arith.constant 2048 : i32
    %dma_wait3A_830 = tpu.memref_slice %arg2[%mul3A_0, %dma_wait3A_829] : memref<8192x4096xf32, #tpu.memory_space<hbm>> -> memref<128x128xf32, #tpu.memory_space<hbm>>
    %dma_wait3A_831 = arith.constant 0 : i32
    %dma_wait3A_832 = arith.constant 0 : i32
    %dma_wait3A_833 = tpu.memref_slice %arg4[%dma_wait3A_824, %dma_wait3A_831, %dma_wait3A_832] : memref<2x128x128xf32, #tpu.memory_space<vmem>> -> memref<1x128x128xf32, #tpu.memory_space<vmem>>
    %dma_wait3A_834 = tpu.memref_squeeze %dma_wait3A_833 : memref<1x128x128xf32, #tpu.memory_space<vmem>> -> memref<128x128xf32, #tpu.memory_space<vmem>>
    %dma_wait3A_835 = arith.constant 2048 : i32
    %dma_wait3A_836 = tpu.memref_slice %arg2[%mul3A_0, %dma_wait3A_835] : memref<8192x4096xf32, #tpu.memory_space<hbm>> -> memref<128x128xf32, #tpu.memory_space<hbm>>
    tpu.wait_dma2 semaphore(%arg6 : memref<!tpu.dma_semaphore, #tpu.memory_space<semaphore_mem>>) src(%dma_wait3A_836 : memref<128x128xf32, #tpu.memory_space<hbm>>) dst(%dma_wait3A_834 : memref<128x128xf32, #tpu.memory_space<vmem>>)
    %broadcast_in_dim3A_837 = arith.constant 8 : i32
    %broadcast_in_dim3A_838 = vector.broadcast %broadcast_in_dim3A_837 : i32 to vector<16xi32>
    %add3A_839 = arith.constant 0 : i32
    %add3A_840 = vector.broadcast %add3A_839 : i32 to vector<16xi32>
    %add3A_841 = arith.addi %add3A_840, %iota3A : vector<16xi32>
    %gather3A_842 = arith.constant 0 : i32
    %gather3A_843 = arith.constant 0 : i32
    %gather3A_844 = arith.constant 0 : i32
    %gather3A_845 = tpu.memref_slice %arg4[%gather3A_842, %gather3A_843, %gather3A_844] : memref<2x128x128xf32, #tpu.memory_space<vmem>> -> memref<1x128x128xf32, #tpu.memory_space<vmem>>
    %gather3A_846 = tpu.memref_squeeze %gather3A_845 : memref<1x128x128xf32, #tpu.memory_space<vmem>> -> memref<128x128xf32, #tpu.memory_space<vmem>>
    %gather3A_847 = tpu.vector_load_idx %gather3A_846[%add3A_841, %broadcast_in_dim3A_1] : memref<128x128xf32, #tpu.memory_space<vmem>>[vector<16xi32>, vector<16xi32>], vector<16xf32>,
    tpu.vector_store_idx %arg5[%add3A_841, %broadcast_in_dim3A_838], %gather3A_847 : memref<128x16xf32, #tpu.memory_space<vmem>>[vector<16xi32>, vector<16xi32>], vector<16xf32>,
    %add3A_848 = arith.constant 16 : i32
    %add3A_849 = vector.broadcast %add3A_848 : i32 to vector<16xi32>
    %add3A_850 = arith.addi %add3A_849, %iota3A : vector<16xi32>
    %gather3A_851 = arith.constant 0 : i32
    %gather3A_852 = arith.constant 0 : i32
    %gather3A_853 = arith.constant 0 : i32
    %gather3A_854 = tpu.memref_slice %arg4[%gather3A_851, %gather3A_852, %gather3A_853] : memref<2x128x128xf32, #tpu.memory_space<vmem>> -> memref<1x128x128xf32, #tpu.memory_space<vmem>>
    %gather3A_855 = tpu.memref_squeeze %gather3A_854 : memref<1x128x128xf32, #tpu.memory_space<vmem>> -> memref<128x128xf32, #tpu.memory_space<vmem>>
    %gather3A_856 = tpu.vector_load_idx %gather3A_855[%add3A_850, %broadcast_in_dim3A_1] : memref<128x128xf32, #tpu.memory_space<vmem>>[vector<16xi32>, vector<16xi32>], vector<16xf32>,
    tpu.vector_store_idx %arg5[%add3A_850, %broadcast_in_dim3A_838], %gather3A_856 : memref<128x16xf32, #tpu.memory_space<vmem>>[vector<16xi32>, vector<16xi32>], vector<16xf32>,
    %add3A_857 = arith.constant 32 : i32
    %add3A_858 = vector.broadcast %add3A_857 : i32 to vector<16xi32>
    %add3A_859 = arith.addi %add3A_858, %iota3A : vector<16xi32>
    %gather3A_860 = arith.constant 0 : i32
    %gather3A_861 = arith.constant 0 : i32
    %gather3A_862 = arith.constant 0 : i32
    %gather3A_863 = tpu.memref_slice %arg4[%gather3A_860, %gather3A_861, %gather3A_862] : memref<2x128x128xf32, #tpu.memory_space<vmem>> -> memref<1x128x128xf32, #tpu.memory_space<vmem>>
    %gather3A_864 = tpu.memref_squeeze %gather3A_863 : memref<1x128x128xf32, #tpu.memory_space<vmem>> -> memref<128x128xf32, #tpu.memory_space<vmem>>
    %gather3A_865 = tpu.vector_load_idx %gather3A_864[%add3A_859, %broadcast_in_dim3A_1] : memref<128x128xf32, #tpu.memory_space<vmem>>[vector<16xi32>, vector<16xi32>], vector<16xf32>,
    tpu.vector_store_idx %arg5[%add3A_859, %broadcast_in_dim3A_838], %gather3A_865 : memref<128x16xf32, #tpu.memory_space<vmem>>[vector<16xi32>, vector<16xi32>], vector<16xf32>,
    %add3A_866 = arith.constant 48 : i32
    %add3A_867 = vector.broadcast %add3A_866 : i32 to vector<16xi32>
    %add3A_868 = arith.addi %add3A_867, %iota3A : vector<16xi32>
    %gather3A_869 = arith.constant 0 : i32
    %gather3A_870 = arith.constant 0 : i32
    %gather3A_871 = arith.constant 0 : i32
    %gather3A_872 = tpu.memref_slice %arg4[%gather3A_869, %gather3A_870, %gather3A_871] : memref<2x128x128xf32, #tpu.memory_space<vmem>> -> memref<1x128x128xf32, #tpu.memory_space<vmem>>
    %gather3A_873 = tpu.memref_squeeze %gather3A_872 : memref<1x128x128xf32, #tpu.memory_space<vmem>> -> memref<128x128xf32, #tpu.memory_space<vmem>>
    %gather3A_874 = tpu.vector_load_idx %gather3A_873[%add3A_868, %broadcast_in_dim3A_1] : memref<128x128xf32, #tpu.memory_space<vmem>>[vector<16xi32>, vector<16xi32>], vector<16xf32>,
    tpu.vector_store_idx %arg5[%add3A_868, %broadcast_in_dim3A_838], %gather3A_874 : memref<128x16xf32, #tpu.memory_space<vmem>>[vector<16xi32>, vector<16xi32>], vector<16xf32>,
    %add3A_875 = arith.constant 64 : i32
    %add3A_876 = vector.broadcast %add3A_875 : i32 to vector<16xi32>
    %add3A_877 = arith.addi %add3A_876, %iota3A : vector<16xi32>
    %gather3A_878 = arith.constant 0 : i32
    %gather3A_879 = arith.constant 0 : i32
    %gather3A_880 = arith.constant 0 : i32
    %gather3A_881 = tpu.memref_slice %arg4[%gather3A_878, %gather3A_879, %gather3A_880] : memref<2x128x128xf32, #tpu.memory_space<vmem>> -> memref<1x128x128xf32, #tpu.memory_space<vmem>>
    %gather3A_882 = tpu.memref_squeeze %gather3A_881 : memref<1x128x128xf32, #tpu.memory_space<vmem>> -> memref<128x128xf32, #tpu.memory_space<vmem>>
    %gather3A_883 = tpu.vector_load_idx %gather3A_882[%add3A_877, %broadcast_in_dim3A_1] : memref<128x128xf32, #tpu.memory_space<vmem>>[vector<16xi32>, vector<16xi32>], vector<16xf32>,
    tpu.vector_store_idx %arg5[%add3A_877, %broadcast_in_dim3A_838], %gather3A_883 : memref<128x16xf32, #tpu.memory_space<vmem>>[vector<16xi32>, vector<16xi32>], vector<16xf32>,
    %add3A_884 = arith.constant 80 : i32
    %add3A_885 = vector.broadcast %add3A_884 : i32 to vector<16xi32>
    %add3A_886 = arith.addi %add3A_885, %iota3A : vector<16xi32>
    %gather3A_887 = arith.constant 0 : i32
    %gather3A_888 = arith.constant 0 : i32
    %gather3A_889 = arith.constant 0 : i32
    %gather3A_890 = tpu.memref_slice %arg4[%gather3A_887, %gather3A_888, %gather3A_889] : memref<2x128x128xf32, #tpu.memory_space<vmem>> -> memref<1x128x128xf32, #tpu.memory_space<vmem>>
    %gather3A_891 = tpu.memref_squeeze %gather3A_890 : memref<1x128x128xf32, #tpu.memory_space<vmem>> -> memref<128x128xf32, #tpu.memory_space<vmem>>
    %gather3A_892 = tpu.vector_load_idx %gather3A_891[%add3A_886, %broadcast_in_dim3A_1] : memref<128x128xf32, #tpu.memory_space<vmem>>[vector<16xi32>, vector<16xi32>], vector<16xf32>,
    tpu.vector_store_idx %arg5[%add3A_886, %broadcast_in_dim3A_838], %gather3A_892 : memref<128x16xf32, #tpu.memory_space<vmem>>[vector<16xi32>, vector<16xi32>], vector<16xf32>,
    %add3A_893 = arith.constant 96 : i32
    %add3A_894 = vector.broadcast %add3A_893 : i32 to vector<16xi32>
    %add3A_895 = arith.addi %add3A_894, %iota3A : vector<16xi32>
    %gather3A_896 = arith.constant 0 : i32
    %gather3A_897 = arith.constant 0 : i32
    %gather3A_898 = arith.constant 0 : i32
    %gather3A_899 = tpu.memref_slice %arg4[%gather3A_896, %gather3A_897, %gather3A_898] : memref<2x128x128xf32, #tpu.memory_space<vmem>> -> memref<1x128x128xf32, #tpu.memory_space<vmem>>
    %gather3A_900 = tpu.memref_squeeze %gather3A_899 : memref<1x128x128xf32, #tpu.memory_space<vmem>> -> memref<128x128xf32, #tpu.memory_space<vmem>>
    %gather3A_901 = tpu.vector_load_idx %gather3A_900[%add3A_895, %broadcast_in_dim3A_1] : memref<128x128xf32, #tpu.memory_space<vmem>>[vector<16xi32>, vector<16xi32>], vector<16xf32>,
    tpu.vector_store_idx %arg5[%add3A_895, %broadcast_in_dim3A_838], %gather3A_901 : memref<128x16xf32, #tpu.memory_space<vmem>>[vector<16xi32>, vector<16xi32>], vector<16xf32>,
    %add3A_902 = arith.constant 112 : i32
    %add3A_903 = vector.broadcast %add3A_902 : i32 to vector<16xi32>
    %add3A_904 = arith.addi %add3A_903, %iota3A : vector<16xi32>
    %gather3A_905 = arith.constant 0 : i32
    %gather3A_906 = arith.constant 0 : i32
    %gather3A_907 = arith.constant 0 : i32
    %gather3A_908 = tpu.memref_slice %arg4[%gather3A_905, %gather3A_906, %gather3A_907] : memref<2x128x128xf32, #tpu.memory_space<vmem>> -> memref<1x128x128xf32, #tpu.memory_space<vmem>>
    %gather3A_909 = tpu.memref_squeeze %gather3A_908 : memref<1x128x128xf32, #tpu.memory_space<vmem>> -> memref<128x128xf32, #tpu.memory_space<vmem>>
    %gather3A_910 = tpu.vector_load_idx %gather3A_909[%add3A_904, %broadcast_in_dim3A_1] : memref<128x128xf32, #tpu.memory_space<vmem>>[vector<16xi32>, vector<16xi32>], vector<16xf32>,
    tpu.vector_store_idx %arg5[%add3A_904, %broadcast_in_dim3A_838], %gather3A_910 : memref<128x16xf32, #tpu.memory_space<vmem>>[vector<16xi32>, vector<16xi32>], vector<16xf32>,
    %dma_start3A_911 = arith.constant 0 : i32
    %dma_start3A_912 = arith.constant 0 : i32
    %dma_start3A_913 = arith.constant 0 : i32
    %dma_start3A_914 = tpu.memref_slice %arg4[%dma_start3A_911, %dma_start3A_912, %dma_start3A_913] : memref<2x128x128xf32, #tpu.memory_space<vmem>> -> memref<1x128x128xf32, #tpu.memory_space<vmem>>
    %dma_start3A_915 = tpu.memref_squeeze %dma_start3A_914 : memref<1x128x128xf32, #tpu.memory_space<vmem>> -> memref<128x128xf32, #tpu.memory_space<vmem>>
    %dma_start3A_916 = arith.constant 2560 : i32
    %dma_start3A_917 = tpu.memref_slice %arg2[%mul3A_0, %dma_start3A_916] : memref<8192x4096xf32, #tpu.memory_space<hbm>> -> memref<128x128xf32, #tpu.memory_space<hbm>>
    %dma_start3A_918 = arith.constant 0 : i32
    %dma_start3A_919 = arith.constant 0 : i32
    %dma_start3A_920 = tpu.memref_slice %arg4[%dma_start3A_911, %dma_start3A_918, %dma_start3A_919] : memref<2x128x128xf32, #tpu.memory_space<vmem>> -> memref<1x128x128xf32, #tpu.memory_space<vmem>>
    %dma_start3A_921 = tpu.memref_squeeze %dma_start3A_920 : memref<1x128x128xf32, #tpu.memory_space<vmem>> -> memref<128x128xf32, #tpu.memory_space<vmem>>
    %dma_start3A_922 = arith.constant 2560 : i32
    %dma_start3A_923 = tpu.memref_slice %arg2[%mul3A_0, %dma_start3A_922] : memref<8192x4096xf32, #tpu.memory_space<hbm>> -> memref<128x128xf32, #tpu.memory_space<hbm>>
    tpu.enqueue_dma source(%dma_start3A_923 : memref<128x128xf32, #tpu.memory_space<hbm>>) target(%dma_start3A_921 : memref<128x128xf32, #tpu.memory_space<vmem>>) target_semaphore(%arg6 : memref<!tpu.dma_semaphore, #tpu.memory_space<semaphore_mem>>)
    %dma_wait3A_924 = arith.constant 1 : i32
    %dma_wait3A_925 = arith.constant 0 : i32
    %dma_wait3A_926 = arith.constant 0 : i32
    %dma_wait3A_927 = tpu.memref_slice %arg4[%dma_wait3A_924, %dma_wait3A_925, %dma_wait3A_926] : memref<2x128x128xf32, #tpu.memory_space<vmem>> -> memref<1x128x128xf32, #tpu.memory_space<vmem>>
    %dma_wait3A_928 = tpu.memref_squeeze %dma_wait3A_927 : memref<1x128x128xf32, #tpu.memory_space<vmem>> -> memref<128x128xf32, #tpu.memory_space<vmem>>
    %dma_wait3A_929 = arith.constant 2304 : i32
    %dma_wait3A_930 = tpu.memref_slice %arg2[%mul3A_0, %dma_wait3A_929] : memref<8192x4096xf32, #tpu.memory_space<hbm>> -> memref<128x128xf32, #tpu.memory_space<hbm>>
    %dma_wait3A_931 = arith.constant 0 : i32
    %dma_wait3A_932 = arith.constant 0 : i32
    %dma_wait3A_933 = tpu.memref_slice %arg4[%dma_wait3A_924, %dma_wait3A_931, %dma_wait3A_932] : memref<2x128x128xf32, #tpu.memory_space<vmem>> -> memref<1x128x128xf32, #tpu.memory_space<vmem>>
    %dma_wait3A_934 = tpu.memref_squeeze %dma_wait3A_933 : memref<1x128x128xf32, #tpu.memory_space<vmem>> -> memref<128x128xf32, #tpu.memory_space<vmem>>
    %dma_wait3A_935 = arith.constant 2304 : i32
    %dma_wait3A_936 = tpu.memref_slice %arg2[%mul3A_0, %dma_wait3A_935] : memref<8192x4096xf32, #tpu.memory_space<hbm>> -> memref<128x128xf32, #tpu.memory_space<hbm>>
    tpu.wait_dma2 semaphore(%arg7 : memref<!tpu.dma_semaphore, #tpu.memory_space<semaphore_mem>>) src(%dma_wait3A_936 : memref<128x128xf32, #tpu.memory_space<hbm>>) dst(%dma_wait3A_934 : memref<128x128xf32, #tpu.memory_space<vmem>>)
    %broadcast_in_dim3A_937 = arith.constant 9 : i32
    %broadcast_in_dim3A_938 = vector.broadcast %broadcast_in_dim3A_937 : i32 to vector<16xi32>
    %add3A_939 = arith.constant 0 : i32
    %add3A_940 = vector.broadcast %add3A_939 : i32 to vector<16xi32>
    %add3A_941 = arith.addi %add3A_940, %iota3A : vector<16xi32>
    %gather3A_942 = arith.constant 1 : i32
    %gather3A_943 = arith.constant 0 : i32
    %gather3A_944 = arith.constant 0 : i32
    %gather3A_945 = tpu.memref_slice %arg4[%gather3A_942, %gather3A_943, %gather3A_944] : memref<2x128x128xf32, #tpu.memory_space<vmem>> -> memref<1x128x128xf32, #tpu.memory_space<vmem>>
    %gather3A_946 = tpu.memref_squeeze %gather3A_945 : memref<1x128x128xf32, #tpu.memory_space<vmem>> -> memref<128x128xf32, #tpu.memory_space<vmem>>
    %gather3A_947 = tpu.vector_load_idx %gather3A_946[%add3A_941, %broadcast_in_dim3A_1] : memref<128x128xf32, #tpu.memory_space<vmem>>[vector<16xi32>, vector<16xi32>], vector<16xf32>,
    tpu.vector_store_idx %arg5[%add3A_941, %broadcast_in_dim3A_938], %gather3A_947 : memref<128x16xf32, #tpu.memory_space<vmem>>[vector<16xi32>, vector<16xi32>], vector<16xf32>,
    %add3A_948 = arith.constant 16 : i32
    %add3A_949 = vector.broadcast %add3A_948 : i32 to vector<16xi32>
    %add3A_950 = arith.addi %add3A_949, %iota3A : vector<16xi32>
    %gather3A_951 = arith.constant 1 : i32
    %gather3A_952 = arith.constant 0 : i32
    %gather3A_953 = arith.constant 0 : i32
    %gather3A_954 = tpu.memref_slice %arg4[%gather3A_951, %gather3A_952, %gather3A_953] : memref<2x128x128xf32, #tpu.memory_space<vmem>> -> memref<1x128x128xf32, #tpu.memory_space<vmem>>
    %gather3A_955 = tpu.memref_squeeze %gather3A_954 : memref<1x128x128xf32, #tpu.memory_space<vmem>> -> memref<128x128xf32, #tpu.memory_space<vmem>>
    %gather3A_956 = tpu.vector_load_idx %gather3A_955[%add3A_950, %broadcast_in_dim3A_1] : memref<128x128xf32, #tpu.memory_space<vmem>>[vector<16xi32>, vector<16xi32>], vector<16xf32>,
    tpu.vector_store_idx %arg5[%add3A_950, %broadcast_in_dim3A_938], %gather3A_956 : memref<128x16xf32, #tpu.memory_space<vmem>>[vector<16xi32>, vector<16xi32>], vector<16xf32>,
    %add3A_957 = arith.constant 32 : i32
    %add3A_958 = vector.broadcast %add3A_957 : i32 to vector<16xi32>
    %add3A_959 = arith.addi %add3A_958, %iota3A : vector<16xi32>
    %gather3A_960 = arith.constant 1 : i32
    %gather3A_961 = arith.constant 0 : i32
    %gather3A_962 = arith.constant 0 : i32
    %gather3A_963 = tpu.memref_slice %arg4[%gather3A_960, %gather3A_961, %gather3A_962] : memref<2x128x128xf32, #tpu.memory_space<vmem>> -> memref<1x128x128xf32, #tpu.memory_space<vmem>>
    %gather3A_964 = tpu.memref_squeeze %gather3A_963 : memref<1x128x128xf32, #tpu.memory_space<vmem>> -> memref<128x128xf32, #tpu.memory_space<vmem>>
    %gather3A_965 = tpu.vector_load_idx %gather3A_964[%add3A_959, %broadcast_in_dim3A_1] : memref<128x128xf32, #tpu.memory_space<vmem>>[vector<16xi32>, vector<16xi32>], vector<16xf32>,
    tpu.vector_store_idx %arg5[%add3A_959, %broadcast_in_dim3A_938], %gather3A_965 : memref<128x16xf32, #tpu.memory_space<vmem>>[vector<16xi32>, vector<16xi32>], vector<16xf32>,
    %add3A_966 = arith.constant 48 : i32
    %add3A_967 = vector.broadcast %add3A_966 : i32 to vector<16xi32>
    %add3A_968 = arith.addi %add3A_967, %iota3A : vector<16xi32>
    %gather3A_969 = arith.constant 1 : i32
    %gather3A_970 = arith.constant 0 : i32
    %gather3A_971 = arith.constant 0 : i32
    %gather3A_972 = tpu.memref_slice %arg4[%gather3A_969, %gather3A_970, %gather3A_971] : memref<2x128x128xf32, #tpu.memory_space<vmem>> -> memref<1x128x128xf32, #tpu.memory_space<vmem>>
    %gather3A_973 = tpu.memref_squeeze %gather3A_972 : memref<1x128x128xf32, #tpu.memory_space<vmem>> -> memref<128x128xf32, #tpu.memory_space<vmem>>
    %gather3A_974 = tpu.vector_load_idx %gather3A_973[%add3A_968, %broadcast_in_dim3A_1] : memref<128x128xf32, #tpu.memory_space<vmem>>[vector<16xi32>, vector<16xi32>], vector<16xf32>,
    tpu.vector_store_idx %arg5[%add3A_968, %broadcast_in_dim3A_938], %gather3A_974 : memref<128x16xf32, #tpu.memory_space<vmem>>[vector<16xi32>, vector<16xi32>], vector<16xf32>,
    %add3A_975 = arith.constant 64 : i32
    %add3A_976 = vector.broadcast %add3A_975 : i32 to vector<16xi32>
    %add3A_977 = arith.addi %add3A_976, %iota3A : vector<16xi32>
    %gather3A_978 = arith.constant 1 : i32
    %gather3A_979 = arith.constant 0 : i32
    %gather3A_980 = arith.constant 0 : i32
    %gather3A_981 = tpu.memref_slice %arg4[%gather3A_978, %gather3A_979, %gather3A_980] : memref<2x128x128xf32, #tpu.memory_space<vmem>> -> memref<1x128x128xf32, #tpu.memory_space<vmem>>
    %gather3A_982 = tpu.memref_squeeze %gather3A_981 : memref<1x128x128xf32, #tpu.memory_space<vmem>> -> memref<128x128xf32, #tpu.memory_space<vmem>>
    %gather3A_983 = tpu.vector_load_idx %gather3A_982[%add3A_977, %broadcast_in_dim3A_1] : memref<128x128xf32, #tpu.memory_space<vmem>>[vector<16xi32>, vector<16xi32>], vector<16xf32>,
    tpu.vector_store_idx %arg5[%add3A_977, %broadcast_in_dim3A_938], %gather3A_983 : memref<128x16xf32, #tpu.memory_space<vmem>>[vector<16xi32>, vector<16xi32>], vector<16xf32>,
    %add3A_984 = arith.constant 80 : i32
    %add3A_985 = vector.broadcast %add3A_984 : i32 to vector<16xi32>
    %add3A_986 = arith.addi %add3A_985, %iota3A : vector<16xi32>
    %gather3A_987 = arith.constant 1 : i32
    %gather3A_988 = arith.constant 0 : i32
    %gather3A_989 = arith.constant 0 : i32
    %gather3A_990 = tpu.memref_slice %arg4[%gather3A_987, %gather3A_988, %gather3A_989] : memref<2x128x128xf32, #tpu.memory_space<vmem>> -> memref<1x128x128xf32, #tpu.memory_space<vmem>>
    %gather3A_991 = tpu.memref_squeeze %gather3A_990 : memref<1x128x128xf32, #tpu.memory_space<vmem>> -> memref<128x128xf32, #tpu.memory_space<vmem>>
    %gather3A_992 = tpu.vector_load_idx %gather3A_991[%add3A_986, %broadcast_in_dim3A_1] : memref<128x128xf32, #tpu.memory_space<vmem>>[vector<16xi32>, vector<16xi32>], vector<16xf32>,
    tpu.vector_store_idx %arg5[%add3A_986, %broadcast_in_dim3A_938], %gather3A_992 : memref<128x16xf32, #tpu.memory_space<vmem>>[vector<16xi32>, vector<16xi32>], vector<16xf32>,
    %add3A_993 = arith.constant 96 : i32
    %add3A_994 = vector.broadcast %add3A_993 : i32 to vector<16xi32>
    %add3A_995 = arith.addi %add3A_994, %iota3A : vector<16xi32>
    %gather3A_996 = arith.constant 1 : i32
    %gather3A_997 = arith.constant 0 : i32
    %gather3A_998 = arith.constant 0 : i32
    %gather3A_999 = tpu.memref_slice %arg4[%gather3A_996, %gather3A_997, %gather3A_998] : memref<2x128x128xf32, #tpu.memory_space<vmem>> -> memref<1x128x128xf32, #tpu.memory_space<vmem>>
    %gather3A_1000 = tpu.memref_squeeze %gather3A_999 : memref<1x128x128xf32, #tpu.memory_space<vmem>> -> memref<128x128xf32, #tpu.memory_space<vmem>>
    %gather3A_1001 = tpu.vector_load_idx %gather3A_1000[%add3A_995, %broadcast_in_dim3A_1] : memref<128x128xf32, #tpu.memory_space<vmem>>[vector<16xi32>, vector<16xi32>], vector<16xf32>,
    tpu.vector_store_idx %arg5[%add3A_995, %broadcast_in_dim3A_938], %gather3A_1001 : memref<128x16xf32, #tpu.memory_space<vmem>>[vector<16xi32>, vector<16xi32>], vector<16xf32>,
    %add3A_1002 = arith.constant 112 : i32
    %add3A_1003 = vector.broadcast %add3A_1002 : i32 to vector<16xi32>
    %add3A_1004 = arith.addi %add3A_1003, %iota3A : vector<16xi32>
    %gather3A_1005 = arith.constant 1 : i32
    %gather3A_1006 = arith.constant 0 : i32
    %gather3A_1007 = arith.constant 0 : i32
    %gather3A_1008 = tpu.memref_slice %arg4[%gather3A_1005, %gather3A_1006, %gather3A_1007] : memref<2x128x128xf32, #tpu.memory_space<vmem>> -> memref<1x128x128xf32, #tpu.memory_space<vmem>>
    %gather3A_1009 = tpu.memref_squeeze %gather3A_1008 : memref<1x128x128xf32, #tpu.memory_space<vmem>> -> memref<128x128xf32, #tpu.memory_space<vmem>>
    %gather3A_1010 = tpu.vector_load_idx %gather3A_1009[%add3A_1004, %broadcast_in_dim3A_1] : memref<128x128xf32, #tpu.memory_space<vmem>>[vector<16xi32>, vector<16xi32>], vector<16xf32>,
    tpu.vector_store_idx %arg5[%add3A_1004, %broadcast_in_dim3A_938], %gather3A_1010 : memref<128x16xf32, #tpu.memory_space<vmem>>[vector<16xi32>, vector<16xi32>], vector<16xf32>,
    %dma_start3A_1011 = arith.constant 1 : i32
    %dma_start3A_1012 = arith.constant 0 : i32
    %dma_start3A_1013 = arith.constant 0 : i32
    %dma_start3A_1014 = tpu.memref_slice %arg4[%dma_start3A_1011, %dma_start3A_1012, %dma_start3A_1013] : memref<2x128x128xf32, #tpu.memory_space<vmem>> -> memref<1x128x128xf32, #tpu.memory_space<vmem>>
    %dma_start3A_1015 = tpu.memref_squeeze %dma_start3A_1014 : memref<1x128x128xf32, #tpu.memory_space<vmem>> -> memref<128x128xf32, #tpu.memory_space<vmem>>
    %dma_start3A_1016 = arith.constant 2816 : i32
    %dma_start3A_1017 = tpu.memref_slice %arg2[%mul3A_0, %dma_start3A_1016] : memref<8192x4096xf32, #tpu.memory_space<hbm>> -> memref<128x128xf32, #tpu.memory_space<hbm>>
    %dma_start3A_1018 = arith.constant 0 : i32
    %dma_start3A_1019 = arith.constant 0 : i32
    %dma_start3A_1020 = tpu.memref_slice %arg4[%dma_start3A_1011, %dma_start3A_1018, %dma_start3A_1019] : memref<2x128x128xf32, #tpu.memory_space<vmem>> -> memref<1x128x128xf32, #tpu.memory_space<vmem>>
    %dma_start3A_1021 = tpu.memref_squeeze %dma_start3A_1020 : memref<1x128x128xf32, #tpu.memory_space<vmem>> -> memref<128x128xf32, #tpu.memory_space<vmem>>
    %dma_start3A_1022 = arith.constant 2816 : i32
    %dma_start3A_1023 = tpu.memref_slice %arg2[%mul3A_0, %dma_start3A_1022] : memref<8192x4096xf32, #tpu.memory_space<hbm>> -> memref<128x128xf32, #tpu.memory_space<hbm>>
    tpu.enqueue_dma source(%dma_start3A_1023 : memref<128x128xf32, #tpu.memory_space<hbm>>) target(%dma_start3A_1021 : memref<128x128xf32, #tpu.memory_space<vmem>>) target_semaphore(%arg7 : memref<!tpu.dma_semaphore, #tpu.memory_space<semaphore_mem>>)
    %dma_wait3A_1024 = arith.constant 0 : i32
    %dma_wait3A_1025 = arith.constant 0 : i32
    %dma_wait3A_1026 = arith.constant 0 : i32
    %dma_wait3A_1027 = tpu.memref_slice %arg4[%dma_wait3A_1024, %dma_wait3A_1025, %dma_wait3A_1026] : memref<2x128x128xf32, #tpu.memory_space<vmem>> -> memref<1x128x128xf32, #tpu.memory_space<vmem>>
    %dma_wait3A_1028 = tpu.memref_squeeze %dma_wait3A_1027 : memref<1x128x128xf32, #tpu.memory_space<vmem>> -> memref<128x128xf32, #tpu.memory_space<vmem>>
    %dma_wait3A_1029 = arith.constant 2560 : i32
    %dma_wait3A_1030 = tpu.memref_slice %arg2[%mul3A_0, %dma_wait3A_1029] : memref<8192x4096xf32, #tpu.memory_space<hbm>> -> memref<128x128xf32, #tpu.memory_space<hbm>>
    %dma_wait3A_1031 = arith.constant 0 : i32
    %dma_wait3A_1032 = arith.constant 0 : i32
    %dma_wait3A_1033 = tpu.memref_slice %arg4[%dma_wait3A_1024, %dma_wait3A_1031, %dma_wait3A_1032] : memref<2x128x128xf32, #tpu.memory_space<vmem>> -> memref<1x128x128xf32, #tpu.memory_space<vmem>>
    %dma_wait3A_1034 = tpu.memref_squeeze %dma_wait3A_1033 : memref<1x128x128xf32, #tpu.memory_space<vmem>> -> memref<128x128xf32, #tpu.memory_space<vmem>>
    %dma_wait3A_1035 = arith.constant 2560 : i32
    %dma_wait3A_1036 = tpu.memref_slice %arg2[%mul3A_0, %dma_wait3A_1035] : memref<8192x4096xf32, #tpu.memory_space<hbm>> -> memref<128x128xf32, #tpu.memory_space<hbm>>
    tpu.wait_dma2 semaphore(%arg6 : memref<!tpu.dma_semaphore, #tpu.memory_space<semaphore_mem>>) src(%dma_wait3A_1036 : memref<128x128xf32, #tpu.memory_space<hbm>>) dst(%dma_wait3A_1034 : memref<128x128xf32, #tpu.memory_space<vmem>>)
    %broadcast_in_dim3A_1037 = arith.constant 10 : i32
    %broadcast_in_dim3A_1038 = vector.broadcast %broadcast_in_dim3A_1037 : i32 to vector<16xi32>
    %add3A_1039 = arith.constant 0 : i32
    %add3A_1040 = vector.broadcast %add3A_1039 : i32 to vector<16xi32>
    %add3A_1041 = arith.addi %add3A_1040, %iota3A : vector<16xi32>
    %gather3A_1042 = arith.constant 0 : i32
    %gather3A_1043 = arith.constant 0 : i32
    %gather3A_1044 = arith.constant 0 : i32
    %gather3A_1045 = tpu.memref_slice %arg4[%gather3A_1042, %gather3A_1043, %gather3A_1044] : memref<2x128x128xf32, #tpu.memory_space<vmem>> -> memref<1x128x128xf32, #tpu.memory_space<vmem>>
    %gather3A_1046 = tpu.memref_squeeze %gather3A_1045 : memref<1x128x128xf32, #tpu.memory_space<vmem>> -> memref<128x128xf32, #tpu.memory_space<vmem>>
    %gather3A_1047 = tpu.vector_load_idx %gather3A_1046[%add3A_1041, %broadcast_in_dim3A_1] : memref<128x128xf32, #tpu.memory_space<vmem>>[vector<16xi32>, vector<16xi32>], vector<16xf32>,
    tpu.vector_store_idx %arg5[%add3A_1041, %broadcast_in_dim3A_1038], %gather3A_1047 : memref<128x16xf32, #tpu.memory_space<vmem>>[vector<16xi32>, vector<16xi32>], vector<16xf32>,
    %add3A_1048 = arith.constant 16 : i32
    %add3A_1049 = vector.broadcast %add3A_1048 : i32 to vector<16xi32>
    %add3A_1050 = arith.addi %add3A_1049, %iota3A : vector<16xi32>
    %gather3A_1051 = arith.constant 0 : i32
    %gather3A_1052 = arith.constant 0 : i32
    %gather3A_1053 = arith.constant 0 : i32
    %gather3A_1054 = tpu.memref_slice %arg4[%gather3A_1051, %gather3A_1052, %gather3A_1053] : memref<2x128x128xf32, #tpu.memory_space<vmem>> -> memref<1x128x128xf32, #tpu.memory_space<vmem>>
    %gather3A_1055 = tpu.memref_squeeze %gather3A_1054 : memref<1x128x128xf32, #tpu.memory_space<vmem>> -> memref<128x128xf32, #tpu.memory_space<vmem>>
    %gather3A_1056 = tpu.vector_load_idx %gather3A_1055[%add3A_1050, %broadcast_in_dim3A_1] : memref<128x128xf32, #tpu.memory_space<vmem>>[vector<16xi32>, vector<16xi32>], vector<16xf32>,
    tpu.vector_store_idx %arg5[%add3A_1050, %broadcast_in_dim3A_1038], %gather3A_1056 : memref<128x16xf32, #tpu.memory_space<vmem>>[vector<16xi32>, vector<16xi32>], vector<16xf32>,
    %add3A_1057 = arith.constant 32 : i32
    %add3A_1058 = vector.broadcast %add3A_1057 : i32 to vector<16xi32>
    %add3A_1059 = arith.addi %add3A_1058, %iota3A : vector<16xi32>
    %gather3A_1060 = arith.constant 0 : i32
    %gather3A_1061 = arith.constant 0 : i32
    %gather3A_1062 = arith.constant 0 : i32
    %gather3A_1063 = tpu.memref_slice %arg4[%gather3A_1060, %gather3A_1061, %gather3A_1062] : memref<2x128x128xf32, #tpu.memory_space<vmem>> -> memref<1x128x128xf32, #tpu.memory_space<vmem>>
    %gather3A_1064 = tpu.memref_squeeze %gather3A_1063 : memref<1x128x128xf32, #tpu.memory_space<vmem>> -> memref<128x128xf32, #tpu.memory_space<vmem>>
    %gather3A_1065 = tpu.vector_load_idx %gather3A_1064[%add3A_1059, %broadcast_in_dim3A_1] : memref<128x128xf32, #tpu.memory_space<vmem>>[vector<16xi32>, vector<16xi32>], vector<16xf32>,
    tpu.vector_store_idx %arg5[%add3A_1059, %broadcast_in_dim3A_1038], %gather3A_1065 : memref<128x16xf32, #tpu.memory_space<vmem>>[vector<16xi32>, vector<16xi32>], vector<16xf32>,
    %add3A_1066 = arith.constant 48 : i32
    %add3A_1067 = vector.broadcast %add3A_1066 : i32 to vector<16xi32>
    %add3A_1068 = arith.addi %add3A_1067, %iota3A : vector<16xi32>
    %gather3A_1069 = arith.constant 0 : i32
    %gather3A_1070 = arith.constant 0 : i32
    %gather3A_1071 = arith.constant 0 : i32
    %gather3A_1072 = tpu.memref_slice %arg4[%gather3A_1069, %gather3A_1070, %gather3A_1071] : memref<2x128x128xf32, #tpu.memory_space<vmem>> -> memref<1x128x128xf32, #tpu.memory_space<vmem>>
    %gather3A_1073 = tpu.memref_squeeze %gather3A_1072 : memref<1x128x128xf32, #tpu.memory_space<vmem>> -> memref<128x128xf32, #tpu.memory_space<vmem>>
    %gather3A_1074 = tpu.vector_load_idx %gather3A_1073[%add3A_1068, %broadcast_in_dim3A_1] : memref<128x128xf32, #tpu.memory_space<vmem>>[vector<16xi32>, vector<16xi32>], vector<16xf32>,
    tpu.vector_store_idx %arg5[%add3A_1068, %broadcast_in_dim3A_1038], %gather3A_1074 : memref<128x16xf32, #tpu.memory_space<vmem>>[vector<16xi32>, vector<16xi32>], vector<16xf32>,
    %add3A_1075 = arith.constant 64 : i32
    %add3A_1076 = vector.broadcast %add3A_1075 : i32 to vector<16xi32>
    %add3A_1077 = arith.addi %add3A_1076, %iota3A : vector<16xi32>
    %gather3A_1078 = arith.constant 0 : i32
    %gather3A_1079 = arith.constant 0 : i32
    %gather3A_1080 = arith.constant 0 : i32
    %gather3A_1081 = tpu.memref_slice %arg4[%gather3A_1078, %gather3A_1079, %gather3A_1080] : memref<2x128x128xf32, #tpu.memory_space<vmem>> -> memref<1x128x128xf32, #tpu.memory_space<vmem>>
    %gather3A_1082 = tpu.memref_squeeze %gather3A_1081 : memref<1x128x128xf32, #tpu.memory_space<vmem>> -> memref<128x128xf32, #tpu.memory_space<vmem>>
    %gather3A_1083 = tpu.vector_load_idx %gather3A_1082[%add3A_1077, %broadcast_in_dim3A_1] : memref<128x128xf32, #tpu.memory_space<vmem>>[vector<16xi32>, vector<16xi32>], vector<16xf32>,
    tpu.vector_store_idx %arg5[%add3A_1077, %broadcast_in_dim3A_1038], %gather3A_1083 : memref<128x16xf32, #tpu.memory_space<vmem>>[vector<16xi32>, vector<16xi32>], vector<16xf32>,
    %add3A_1084 = arith.constant 80 : i32
    %add3A_1085 = vector.broadcast %add3A_1084 : i32 to vector<16xi32>
    %add3A_1086 = arith.addi %add3A_1085, %iota3A : vector<16xi32>
    %gather3A_1087 = arith.constant 0 : i32
    %gather3A_1088 = arith.constant 0 : i32
    %gather3A_1089 = arith.constant 0 : i32
    %gather3A_1090 = tpu.memref_slice %arg4[%gather3A_1087, %gather3A_1088, %gather3A_1089] : memref<2x128x128xf32, #tpu.memory_space<vmem>> -> memref<1x128x128xf32, #tpu.memory_space<vmem>>
    %gather3A_1091 = tpu.memref_squeeze %gather3A_1090 : memref<1x128x128xf32, #tpu.memory_space<vmem>> -> memref<128x128xf32, #tpu.memory_space<vmem>>
    %gather3A_1092 = tpu.vector_load_idx %gather3A_1091[%add3A_1086, %broadcast_in_dim3A_1] : memref<128x128xf32, #tpu.memory_space<vmem>>[vector<16xi32>, vector<16xi32>], vector<16xf32>,
    tpu.vector_store_idx %arg5[%add3A_1086, %broadcast_in_dim3A_1038], %gather3A_1092 : memref<128x16xf32, #tpu.memory_space<vmem>>[vector<16xi32>, vector<16xi32>], vector<16xf32>,
    %add3A_1093 = arith.constant 96 : i32
    %add3A_1094 = vector.broadcast %add3A_1093 : i32 to vector<16xi32>
    %add3A_1095 = arith.addi %add3A_1094, %iota3A : vector<16xi32>
    %gather3A_1096 = arith.constant 0 : i32
    %gather3A_1097 = arith.constant 0 : i32
    %gather3A_1098 = arith.constant 0 : i32
    %gather3A_1099 = tpu.memref_slice %arg4[%gather3A_1096, %gather3A_1097, %gather3A_1098] : memref<2x128x128xf32, #tpu.memory_space<vmem>> -> memref<1x128x128xf32, #tpu.memory_space<vmem>>
    %gather3A_1100 = tpu.memref_squeeze %gather3A_1099 : memref<1x128x128xf32, #tpu.memory_space<vmem>> -> memref<128x128xf32, #tpu.memory_space<vmem>>
    %gather3A_1101 = tpu.vector_load_idx %gather3A_1100[%add3A_1095, %broadcast_in_dim3A_1] : memref<128x128xf32, #tpu.memory_space<vmem>>[vector<16xi32>, vector<16xi32>], vector<16xf32>,
    tpu.vector_store_idx %arg5[%add3A_1095, %broadcast_in_dim3A_1038], %gather3A_1101 : memref<128x16xf32, #tpu.memory_space<vmem>>[vector<16xi32>, vector<16xi32>], vector<16xf32>,
    %add3A_1102 = arith.constant 112 : i32
    %add3A_1103 = vector.broadcast %add3A_1102 : i32 to vector<16xi32>
    %add3A_1104 = arith.addi %add3A_1103, %iota3A : vector<16xi32>
    %gather3A_1105 = arith.constant 0 : i32
    %gather3A_1106 = arith.constant 0 : i32
    %gather3A_1107 = arith.constant 0 : i32
    %gather3A_1108 = tpu.memref_slice %arg4[%gather3A_1105, %gather3A_1106, %gather3A_1107] : memref<2x128x128xf32, #tpu.memory_space<vmem>> -> memref<1x128x128xf32, #tpu.memory_space<vmem>>
    %gather3A_1109 = tpu.memref_squeeze %gather3A_1108 : memref<1x128x128xf32, #tpu.memory_space<vmem>> -> memref<128x128xf32, #tpu.memory_space<vmem>>
    %gather3A_1110 = tpu.vector_load_idx %gather3A_1109[%add3A_1104, %broadcast_in_dim3A_1] : memref<128x128xf32, #tpu.memory_space<vmem>>[vector<16xi32>, vector<16xi32>], vector<16xf32>,
    tpu.vector_store_idx %arg5[%add3A_1104, %broadcast_in_dim3A_1038], %gather3A_1110 : memref<128x16xf32, #tpu.memory_space<vmem>>[vector<16xi32>, vector<16xi32>], vector<16xf32>,
    %dma_start3A_1111 = arith.constant 0 : i32
    %dma_start3A_1112 = arith.constant 0 : i32
    %dma_start3A_1113 = arith.constant 0 : i32
    %dma_start3A_1114 = tpu.memref_slice %arg4[%dma_start3A_1111, %dma_start3A_1112, %dma_start3A_1113] : memref<2x128x128xf32, #tpu.memory_space<vmem>> -> memref<1x128x128xf32, #tpu.memory_space<vmem>>
    %dma_start3A_1115 = tpu.memref_squeeze %dma_start3A_1114 : memref<1x128x128xf32, #tpu.memory_space<vmem>> -> memref<128x128xf32, #tpu.memory_space<vmem>>
    %dma_start3A_1116 = arith.constant 3072 : i32
    %dma_start3A_1117 = tpu.memref_slice %arg2[%mul3A_0, %dma_start3A_1116] : memref<8192x4096xf32, #tpu.memory_space<hbm>> -> memref<128x128xf32, #tpu.memory_space<hbm>>
    %dma_start3A_1118 = arith.constant 0 : i32
    %dma_start3A_1119 = arith.constant 0 : i32
    %dma_start3A_1120 = tpu.memref_slice %arg4[%dma_start3A_1111, %dma_start3A_1118, %dma_start3A_1119] : memref<2x128x128xf32, #tpu.memory_space<vmem>> -> memref<1x128x128xf32, #tpu.memory_space<vmem>>
    %dma_start3A_1121 = tpu.memref_squeeze %dma_start3A_1120 : memref<1x128x128xf32, #tpu.memory_space<vmem>> -> memref<128x128xf32, #tpu.memory_space<vmem>>
    %dma_start3A_1122 = arith.constant 3072 : i32
    %dma_start3A_1123 = tpu.memref_slice %arg2[%mul3A_0, %dma_start3A_1122] : memref<8192x4096xf32, #tpu.memory_space<hbm>> -> memref<128x128xf32, #tpu.memory_space<hbm>>
    tpu.enqueue_dma source(%dma_start3A_1123 : memref<128x128xf32, #tpu.memory_space<hbm>>) target(%dma_start3A_1121 : memref<128x128xf32, #tpu.memory_space<vmem>>) target_semaphore(%arg6 : memref<!tpu.dma_semaphore, #tpu.memory_space<semaphore_mem>>)
    %dma_wait3A_1124 = arith.constant 1 : i32
    %dma_wait3A_1125 = arith.constant 0 : i32
    %dma_wait3A_1126 = arith.constant 0 : i32
    %dma_wait3A_1127 = tpu.memref_slice %arg4[%dma_wait3A_1124, %dma_wait3A_1125, %dma_wait3A_1126] : memref<2x128x128xf32, #tpu.memory_space<vmem>> -> memref<1x128x128xf32, #tpu.memory_space<vmem>>
    %dma_wait3A_1128 = tpu.memref_squeeze %dma_wait3A_1127 : memref<1x128x128xf32, #tpu.memory_space<vmem>> -> memref<128x128xf32, #tpu.memory_space<vmem>>
    %dma_wait3A_1129 = arith.constant 2816 : i32
    %dma_wait3A_1130 = tpu.memref_slice %arg2[%mul3A_0, %dma_wait3A_1129] : memref<8192x4096xf32, #tpu.memory_space<hbm>> -> memref<128x128xf32, #tpu.memory_space<hbm>>
    %dma_wait3A_1131 = arith.constant 0 : i32
    %dma_wait3A_1132 = arith.constant 0 : i32
    %dma_wait3A_1133 = tpu.memref_slice %arg4[%dma_wait3A_1124, %dma_wait3A_1131, %dma_wait3A_1132] : memref<2x128x128xf32, #tpu.memory_space<vmem>> -> memref<1x128x128xf32, #tpu.memory_space<vmem>>
    %dma_wait3A_1134 = tpu.memref_squeeze %dma_wait3A_1133 : memref<1x128x128xf32, #tpu.memory_space<vmem>> -> memref<128x128xf32, #tpu.memory_space<vmem>>
    %dma_wait3A_1135 = arith.constant 2816 : i32
    %dma_wait3A_1136 = tpu.memref_slice %arg2[%mul3A_0, %dma_wait3A_1135] : memref<8192x4096xf32, #tpu.memory_space<hbm>> -> memref<128x128xf32, #tpu.memory_space<hbm>>
    tpu.wait_dma2 semaphore(%arg7 : memref<!tpu.dma_semaphore, #tpu.memory_space<semaphore_mem>>) src(%dma_wait3A_1136 : memref<128x128xf32, #tpu.memory_space<hbm>>) dst(%dma_wait3A_1134 : memref<128x128xf32, #tpu.memory_space<vmem>>)
    %broadcast_in_dim3A_1137 = arith.constant 11 : i32
    %broadcast_in_dim3A_1138 = vector.broadcast %broadcast_in_dim3A_1137 : i32 to vector<16xi32>
    %add3A_1139 = arith.constant 0 : i32
    %add3A_1140 = vector.broadcast %add3A_1139 : i32 to vector<16xi32>
    %add3A_1141 = arith.addi %add3A_1140, %iota3A : vector<16xi32>
    %gather3A_1142 = arith.constant 1 : i32
    %gather3A_1143 = arith.constant 0 : i32
    %gather3A_1144 = arith.constant 0 : i32
    %gather3A_1145 = tpu.memref_slice %arg4[%gather3A_1142, %gather3A_1143, %gather3A_1144] : memref<2x128x128xf32, #tpu.memory_space<vmem>> -> memref<1x128x128xf32, #tpu.memory_space<vmem>>
    %gather3A_1146 = tpu.memref_squeeze %gather3A_1145 : memref<1x128x128xf32, #tpu.memory_space<vmem>> -> memref<128x128xf32, #tpu.memory_space<vmem>>
    %gather3A_1147 = tpu.vector_load_idx %gather3A_1146[%add3A_1141, %broadcast_in_dim3A_1] : memref<128x128xf32, #tpu.memory_space<vmem>>[vector<16xi32>, vector<16xi32>], vector<16xf32>,
    tpu.vector_store_idx %arg5[%add3A_1141, %broadcast_in_dim3A_1138], %gather3A_1147 : memref<128x16xf32, #tpu.memory_space<vmem>>[vector<16xi32>, vector<16xi32>], vector<16xf32>,
    %add3A_1148 = arith.constant 16 : i32
    %add3A_1149 = vector.broadcast %add3A_1148 : i32 to vector<16xi32>
    %add3A_1150 = arith.addi %add3A_1149, %iota3A : vector<16xi32>
    %gather3A_1151 = arith.constant 1 : i32
    %gather3A_1152 = arith.constant 0 : i32
    %gather3A_1153 = arith.constant 0 : i32
    %gather3A_1154 = tpu.memref_slice %arg4[%gather3A_1151, %gather3A_1152, %gather3A_1153] : memref<2x128x128xf32, #tpu.memory_space<vmem>> -> memref<1x128x128xf32, #tpu.memory_space<vmem>>
    %gather3A_1155 = tpu.memref_squeeze %gather3A_1154 : memref<1x128x128xf32, #tpu.memory_space<vmem>> -> memref<128x128xf32, #tpu.memory_space<vmem>>
    %gather3A_1156 = tpu.vector_load_idx %gather3A_1155[%add3A_1150, %broadcast_in_dim3A_1] : memref<128x128xf32, #tpu.memory_space<vmem>>[vector<16xi32>, vector<16xi32>], vector<16xf32>,
    tpu.vector_store_idx %arg5[%add3A_1150, %broadcast_in_dim3A_1138], %gather3A_1156 : memref<128x16xf32, #tpu.memory_space<vmem>>[vector<16xi32>, vector<16xi32>], vector<16xf32>,
    %add3A_1157 = arith.constant 32 : i32
    %add3A_1158 = vector.broadcast %add3A_1157 : i32 to vector<16xi32>
    %add3A_1159 = arith.addi %add3A_1158, %iota3A : vector<16xi32>
    %gather3A_1160 = arith.constant 1 : i32
    %gather3A_1161 = arith.constant 0 : i32
    %gather3A_1162 = arith.constant 0 : i32
    %gather3A_1163 = tpu.memref_slice %arg4[%gather3A_1160, %gather3A_1161, %gather3A_1162] : memref<2x128x128xf32, #tpu.memory_space<vmem>> -> memref<1x128x128xf32, #tpu.memory_space<vmem>>
    %gather3A_1164 = tpu.memref_squeeze %gather3A_1163 : memref<1x128x128xf32, #tpu.memory_space<vmem>> -> memref<128x128xf32, #tpu.memory_space<vmem>>
    %gather3A_1165 = tpu.vector_load_idx %gather3A_1164[%add3A_1159, %broadcast_in_dim3A_1] : memref<128x128xf32, #tpu.memory_space<vmem>>[vector<16xi32>, vector<16xi32>], vector<16xf32>,
    tpu.vector_store_idx %arg5[%add3A_1159, %broadcast_in_dim3A_1138], %gather3A_1165 : memref<128x16xf32, #tpu.memory_space<vmem>>[vector<16xi32>, vector<16xi32>], vector<16xf32>,
    %add3A_1166 = arith.constant 48 : i32
    %add3A_1167 = vector.broadcast %add3A_1166 : i32 to vector<16xi32>
    %add3A_1168 = arith.addi %add3A_1167, %iota3A : vector<16xi32>
    %gather3A_1169 = arith.constant 1 : i32
    %gather3A_1170 = arith.constant 0 : i32
    %gather3A_1171 = arith.constant 0 : i32
    %gather3A_1172 = tpu.memref_slice %arg4[%gather3A_1169, %gather3A_1170, %gather3A_1171] : memref<2x128x128xf32, #tpu.memory_space<vmem>> -> memref<1x128x128xf32, #tpu.memory_space<vmem>>
    %gather3A_1173 = tpu.memref_squeeze %gather3A_1172 : memref<1x128x128xf32, #tpu.memory_space<vmem>> -> memref<128x128xf32, #tpu.memory_space<vmem>>
    %gather3A_1174 = tpu.vector_load_idx %gather3A_1173[%add3A_1168, %broadcast_in_dim3A_1] : memref<128x128xf32, #tpu.memory_space<vmem>>[vector<16xi32>, vector<16xi32>], vector<16xf32>,
    tpu.vector_store_idx %arg5[%add3A_1168, %broadcast_in_dim3A_1138], %gather3A_1174 : memref<128x16xf32, #tpu.memory_space<vmem>>[vector<16xi32>, vector<16xi32>], vector<16xf32>,
    %add3A_1175 = arith.constant 64 : i32
    %add3A_1176 = vector.broadcast %add3A_1175 : i32 to vector<16xi32>
    %add3A_1177 = arith.addi %add3A_1176, %iota3A : vector<16xi32>
    %gather3A_1178 = arith.constant 1 : i32
    %gather3A_1179 = arith.constant 0 : i32
    %gather3A_1180 = arith.constant 0 : i32
    %gather3A_1181 = tpu.memref_slice %arg4[%gather3A_1178, %gather3A_1179, %gather3A_1180] : memref<2x128x128xf32, #tpu.memory_space<vmem>> -> memref<1x128x128xf32, #tpu.memory_space<vmem>>
    %gather3A_1182 = tpu.memref_squeeze %gather3A_1181 : memref<1x128x128xf32, #tpu.memory_space<vmem>> -> memref<128x128xf32, #tpu.memory_space<vmem>>
    %gather3A_1183 = tpu.vector_load_idx %gather3A_1182[%add3A_1177, %broadcast_in_dim3A_1] : memref<128x128xf32, #tpu.memory_space<vmem>>[vector<16xi32>, vector<16xi32>], vector<16xf32>,
    tpu.vector_store_idx %arg5[%add3A_1177, %broadcast_in_dim3A_1138], %gather3A_1183 : memref<128x16xf32, #tpu.memory_space<vmem>>[vector<16xi32>, vector<16xi32>], vector<16xf32>,
    %add3A_1184 = arith.constant 80 : i32
    %add3A_1185 = vector.broadcast %add3A_1184 : i32 to vector<16xi32>
    %add3A_1186 = arith.addi %add3A_1185, %iota3A : vector<16xi32>
    %gather3A_1187 = arith.constant 1 : i32
    %gather3A_1188 = arith.constant 0 : i32
    %gather3A_1189 = arith.constant 0 : i32
    %gather3A_1190 = tpu.memref_slice %arg4[%gather3A_1187, %gather3A_1188, %gather3A_1189] : memref<2x128x128xf32, #tpu.memory_space<vmem>> -> memref<1x128x128xf32, #tpu.memory_space<vmem>>
    %gather3A_1191 = tpu.memref_squeeze %gather3A_1190 : memref<1x128x128xf32, #tpu.memory_space<vmem>> -> memref<128x128xf32, #tpu.memory_space<vmem>>
    %gather3A_1192 = tpu.vector_load_idx %gather3A_1191[%add3A_1186, %broadcast_in_dim3A_1] : memref<128x128xf32, #tpu.memory_space<vmem>>[vector<16xi32>, vector<16xi32>], vector<16xf32>,
    tpu.vector_store_idx %arg5[%add3A_1186, %broadcast_in_dim3A_1138], %gather3A_1192 : memref<128x16xf32, #tpu.memory_space<vmem>>[vector<16xi32>, vector<16xi32>], vector<16xf32>,
    %add3A_1193 = arith.constant 96 : i32
    %add3A_1194 = vector.broadcast %add3A_1193 : i32 to vector<16xi32>
    %add3A_1195 = arith.addi %add3A_1194, %iota3A : vector<16xi32>
    %gather3A_1196 = arith.constant 1 : i32
    %gather3A_1197 = arith.constant 0 : i32
    %gather3A_1198 = arith.constant 0 : i32
    %gather3A_1199 = tpu.memref_slice %arg4[%gather3A_1196, %gather3A_1197, %gather3A_1198] : memref<2x128x128xf32, #tpu.memory_space<vmem>> -> memref<1x128x128xf32, #tpu.memory_space<vmem>>
    %gather3A_1200 = tpu.memref_squeeze %gather3A_1199 : memref<1x128x128xf32, #tpu.memory_space<vmem>> -> memref<128x128xf32, #tpu.memory_space<vmem>>
    %gather3A_1201 = tpu.vector_load_idx %gather3A_1200[%add3A_1195, %broadcast_in_dim3A_1] : memref<128x128xf32, #tpu.memory_space<vmem>>[vector<16xi32>, vector<16xi32>], vector<16xf32>,
    tpu.vector_store_idx %arg5[%add3A_1195, %broadcast_in_dim3A_1138], %gather3A_1201 : memref<128x16xf32, #tpu.memory_space<vmem>>[vector<16xi32>, vector<16xi32>], vector<16xf32>,
    %add3A_1202 = arith.constant 112 : i32
    %add3A_1203 = vector.broadcast %add3A_1202 : i32 to vector<16xi32>
    %add3A_1204 = arith.addi %add3A_1203, %iota3A : vector<16xi32>
    %gather3A_1205 = arith.constant 1 : i32
    %gather3A_1206 = arith.constant 0 : i32
    %gather3A_1207 = arith.constant 0 : i32
    %gather3A_1208 = tpu.memref_slice %arg4[%gather3A_1205, %gather3A_1206, %gather3A_1207] : memref<2x128x128xf32, #tpu.memory_space<vmem>> -> memref<1x128x128xf32, #tpu.memory_space<vmem>>
    %gather3A_1209 = tpu.memref_squeeze %gather3A_1208 : memref<1x128x128xf32, #tpu.memory_space<vmem>> -> memref<128x128xf32, #tpu.memory_space<vmem>>
    %gather3A_1210 = tpu.vector_load_idx %gather3A_1209[%add3A_1204, %broadcast_in_dim3A_1] : memref<128x128xf32, #tpu.memory_space<vmem>>[vector<16xi32>, vector<16xi32>], vector<16xf32>,
    tpu.vector_store_idx %arg5[%add3A_1204, %broadcast_in_dim3A_1138], %gather3A_1210 : memref<128x16xf32, #tpu.memory_space<vmem>>[vector<16xi32>, vector<16xi32>], vector<16xf32>,
    %dma_start3A_1211 = arith.constant 1 : i32
    %dma_start3A_1212 = arith.constant 0 : i32
    %dma_start3A_1213 = arith.constant 0 : i32
    %dma_start3A_1214 = tpu.memref_slice %arg4[%dma_start3A_1211, %dma_start3A_1212, %dma_start3A_1213] : memref<2x128x128xf32, #tpu.memory_space<vmem>> -> memref<1x128x128xf32, #tpu.memory_space<vmem>>
    %dma_start3A_1215 = tpu.memref_squeeze %dma_start3A_1214 : memref<1x128x128xf32, #tpu.memory_space<vmem>> -> memref<128x128xf32, #tpu.memory_space<vmem>>
    %dma_start3A_1216 = arith.constant 3328 : i32
    %dma_start3A_1217 = tpu.memref_slice %arg2[%mul3A_0, %dma_start3A_1216] : memref<8192x4096xf32, #tpu.memory_space<hbm>> -> memref<128x128xf32, #tpu.memory_space<hbm>>
    %dma_start3A_1218 = arith.constant 0 : i32
    %dma_start3A_1219 = arith.constant 0 : i32
    %dma_start3A_1220 = tpu.memref_slice %arg4[%dma_start3A_1211, %dma_start3A_1218, %dma_start3A_1219] : memref<2x128x128xf32, #tpu.memory_space<vmem>> -> memref<1x128x128xf32, #tpu.memory_space<vmem>>
    %dma_start3A_1221 = tpu.memref_squeeze %dma_start3A_1220 : memref<1x128x128xf32, #tpu.memory_space<vmem>> -> memref<128x128xf32, #tpu.memory_space<vmem>>
    %dma_start3A_1222 = arith.constant 3328 : i32
    %dma_start3A_1223 = tpu.memref_slice %arg2[%mul3A_0, %dma_start3A_1222] : memref<8192x4096xf32, #tpu.memory_space<hbm>> -> memref<128x128xf32, #tpu.memory_space<hbm>>
    tpu.enqueue_dma source(%dma_start3A_1223 : memref<128x128xf32, #tpu.memory_space<hbm>>) target(%dma_start3A_1221 : memref<128x128xf32, #tpu.memory_space<vmem>>) target_semaphore(%arg7 : memref<!tpu.dma_semaphore, #tpu.memory_space<semaphore_mem>>)
    %dma_wait3A_1224 = arith.constant 0 : i32
    %dma_wait3A_1225 = arith.constant 0 : i32
    %dma_wait3A_1226 = arith.constant 0 : i32
    %dma_wait3A_1227 = tpu.memref_slice %arg4[%dma_wait3A_1224, %dma_wait3A_1225, %dma_wait3A_1226] : memref<2x128x128xf32, #tpu.memory_space<vmem>> -> memref<1x128x128xf32, #tpu.memory_space<vmem>>
    %dma_wait3A_1228 = tpu.memref_squeeze %dma_wait3A_1227 : memref<1x128x128xf32, #tpu.memory_space<vmem>> -> memref<128x128xf32, #tpu.memory_space<vmem>>
    %dma_wait3A_1229 = arith.constant 3072 : i32
    %dma_wait3A_1230 = tpu.memref_slice %arg2[%mul3A_0, %dma_wait3A_1229] : memref<8192x4096xf32, #tpu.memory_space<hbm>> -> memref<128x128xf32, #tpu.memory_space<hbm>>
    %dma_wait3A_1231 = arith.constant 0 : i32
    %dma_wait3A_1232 = arith.constant 0 : i32
    %dma_wait3A_1233 = tpu.memref_slice %arg4[%dma_wait3A_1224, %dma_wait3A_1231, %dma_wait3A_1232] : memref<2x128x128xf32, #tpu.memory_space<vmem>> -> memref<1x128x128xf32, #tpu.memory_space<vmem>>
    %dma_wait3A_1234 = tpu.memref_squeeze %dma_wait3A_1233 : memref<1x128x128xf32, #tpu.memory_space<vmem>> -> memref<128x128xf32, #tpu.memory_space<vmem>>
    %dma_wait3A_1235 = arith.constant 3072 : i32
    %dma_wait3A_1236 = tpu.memref_slice %arg2[%mul3A_0, %dma_wait3A_1235] : memref<8192x4096xf32, #tpu.memory_space<hbm>> -> memref<128x128xf32, #tpu.memory_space<hbm>>
    tpu.wait_dma2 semaphore(%arg6 : memref<!tpu.dma_semaphore, #tpu.memory_space<semaphore_mem>>) src(%dma_wait3A_1236 : memref<128x128xf32, #tpu.memory_space<hbm>>) dst(%dma_wait3A_1234 : memref<128x128xf32, #tpu.memory_space<vmem>>)
    %broadcast_in_dim3A_1237 = arith.constant 12 : i32
    %broadcast_in_dim3A_1238 = vector.broadcast %broadcast_in_dim3A_1237 : i32 to vector<16xi32>
    %add3A_1239 = arith.constant 0 : i32
    %add3A_1240 = vector.broadcast %add3A_1239 : i32 to vector<16xi32>
    %add3A_1241 = arith.addi %add3A_1240, %iota3A : vector<16xi32>
    %gather3A_1242 = arith.constant 0 : i32
    %gather3A_1243 = arith.constant 0 : i32
    %gather3A_1244 = arith.constant 0 : i32
    %gather3A_1245 = tpu.memref_slice %arg4[%gather3A_1242, %gather3A_1243, %gather3A_1244] : memref<2x128x128xf32, #tpu.memory_space<vmem>> -> memref<1x128x128xf32, #tpu.memory_space<vmem>>
    %gather3A_1246 = tpu.memref_squeeze %gather3A_1245 : memref<1x128x128xf32, #tpu.memory_space<vmem>> -> memref<128x128xf32, #tpu.memory_space<vmem>>
    %gather3A_1247 = tpu.vector_load_idx %gather3A_1246[%add3A_1241, %broadcast_in_dim3A_1] : memref<128x128xf32, #tpu.memory_space<vmem>>[vector<16xi32>, vector<16xi32>], vector<16xf32>,
    tpu.vector_store_idx %arg5[%add3A_1241, %broadcast_in_dim3A_1238], %gather3A_1247 : memref<128x16xf32, #tpu.memory_space<vmem>>[vector<16xi32>, vector<16xi32>], vector<16xf32>,
    %add3A_1248 = arith.constant 16 : i32
    %add3A_1249 = vector.broadcast %add3A_1248 : i32 to vector<16xi32>
    %add3A_1250 = arith.addi %add3A_1249, %iota3A : vector<16xi32>
    %gather3A_1251 = arith.constant 0 : i32
    %gather3A_1252 = arith.constant 0 : i32
    %gather3A_1253 = arith.constant 0 : i32
    %gather3A_1254 = tpu.memref_slice %arg4[%gather3A_1251, %gather3A_1252, %gather3A_1253] : memref<2x128x128xf32, #tpu.memory_space<vmem>> -> memref<1x128x128xf32, #tpu.memory_space<vmem>>
    %gather3A_1255 = tpu.memref_squeeze %gather3A_1254 : memref<1x128x128xf32, #tpu.memory_space<vmem>> -> memref<128x128xf32, #tpu.memory_space<vmem>>
    %gather3A_1256 = tpu.vector_load_idx %gather3A_1255[%add3A_1250, %broadcast_in_dim3A_1] : memref<128x128xf32, #tpu.memory_space<vmem>>[vector<16xi32>, vector<16xi32>], vector<16xf32>,
    tpu.vector_store_idx %arg5[%add3A_1250, %broadcast_in_dim3A_1238], %gather3A_1256 : memref<128x16xf32, #tpu.memory_space<vmem>>[vector<16xi32>, vector<16xi32>], vector<16xf32>,
    %add3A_1257 = arith.constant 32 : i32
    %add3A_1258 = vector.broadcast %add3A_1257 : i32 to vector<16xi32>
    %add3A_1259 = arith.addi %add3A_1258, %iota3A : vector<16xi32>
    %gather3A_1260 = arith.constant 0 : i32
    %gather3A_1261 = arith.constant 0 : i32
    %gather3A_1262 = arith.constant 0 : i32
    %gather3A_1263 = tpu.memref_slice %arg4[%gather3A_1260, %gather3A_1261, %gather3A_1262] : memref<2x128x128xf32, #tpu.memory_space<vmem>> -> memref<1x128x128xf32, #tpu.memory_space<vmem>>
    %gather3A_1264 = tpu.memref_squeeze %gather3A_1263 : memref<1x128x128xf32, #tpu.memory_space<vmem>> -> memref<128x128xf32, #tpu.memory_space<vmem>>
    %gather3A_1265 = tpu.vector_load_idx %gather3A_1264[%add3A_1259, %broadcast_in_dim3A_1] : memref<128x128xf32, #tpu.memory_space<vmem>>[vector<16xi32>, vector<16xi32>], vector<16xf32>,
    tpu.vector_store_idx %arg5[%add3A_1259, %broadcast_in_dim3A_1238], %gather3A_1265 : memref<128x16xf32, #tpu.memory_space<vmem>>[vector<16xi32>, vector<16xi32>], vector<16xf32>,
    %add3A_1266 = arith.constant 48 : i32
    %add3A_1267 = vector.broadcast %add3A_1266 : i32 to vector<16xi32>
    %add3A_1268 = arith.addi %add3A_1267, %iota3A : vector<16xi32>
    %gather3A_1269 = arith.constant 0 : i32
    %gather3A_1270 = arith.constant 0 : i32
    %gather3A_1271 = arith.constant 0 : i32
    %gather3A_1272 = tpu.memref_slice %arg4[%gather3A_1269, %gather3A_1270, %gather3A_1271] : memref<2x128x128xf32, #tpu.memory_space<vmem>> -> memref<1x128x128xf32, #tpu.memory_space<vmem>>
    %gather3A_1273 = tpu.memref_squeeze %gather3A_1272 : memref<1x128x128xf32, #tpu.memory_space<vmem>> -> memref<128x128xf32, #tpu.memory_space<vmem>>
    %gather3A_1274 = tpu.vector_load_idx %gather3A_1273[%add3A_1268, %broadcast_in_dim3A_1] : memref<128x128xf32, #tpu.memory_space<vmem>>[vector<16xi32>, vector<16xi32>], vector<16xf32>,
    tpu.vector_store_idx %arg5[%add3A_1268, %broadcast_in_dim3A_1238], %gather3A_1274 : memref<128x16xf32, #tpu.memory_space<vmem>>[vector<16xi32>, vector<16xi32>], vector<16xf32>,
    %add3A_1275 = arith.constant 64 : i32
    %add3A_1276 = vector.broadcast %add3A_1275 : i32 to vector<16xi32>
    %add3A_1277 = arith.addi %add3A_1276, %iota3A : vector<16xi32>
    %gather3A_1278 = arith.constant 0 : i32
    %gather3A_1279 = arith.constant 0 : i32
    %gather3A_1280 = arith.constant 0 : i32
    %gather3A_1281 = tpu.memref_slice %arg4[%gather3A_1278, %gather3A_1279, %gather3A_1280] : memref<2x128x128xf32, #tpu.memory_space<vmem>> -> memref<1x128x128xf32, #tpu.memory_space<vmem>>
    %gather3A_1282 = tpu.memref_squeeze %gather3A_1281 : memref<1x128x128xf32, #tpu.memory_space<vmem>> -> memref<128x128xf32, #tpu.memory_space<vmem>>
    %gather3A_1283 = tpu.vector_load_idx %gather3A_1282[%add3A_1277, %broadcast_in_dim3A_1] : memref<128x128xf32, #tpu.memory_space<vmem>>[vector<16xi32>, vector<16xi32>], vector<16xf32>,
    tpu.vector_store_idx %arg5[%add3A_1277, %broadcast_in_dim3A_1238], %gather3A_1283 : memref<128x16xf32, #tpu.memory_space<vmem>>[vector<16xi32>, vector<16xi32>], vector<16xf32>,
    %add3A_1284 = arith.constant 80 : i32
    %add3A_1285 = vector.broadcast %add3A_1284 : i32 to vector<16xi32>
    %add3A_1286 = arith.addi %add3A_1285, %iota3A : vector<16xi32>
    %gather3A_1287 = arith.constant 0 : i32
    %gather3A_1288 = arith.constant 0 : i32
    %gather3A_1289 = arith.constant 0 : i32
    %gather3A_1290 = tpu.memref_slice %arg4[%gather3A_1287, %gather3A_1288, %gather3A_1289] : memref<2x128x128xf32, #tpu.memory_space<vmem>> -> memref<1x128x128xf32, #tpu.memory_space<vmem>>
    %gather3A_1291 = tpu.memref_squeeze %gather3A_1290 : memref<1x128x128xf32, #tpu.memory_space<vmem>> -> memref<128x128xf32, #tpu.memory_space<vmem>>
    %gather3A_1292 = tpu.vector_load_idx %gather3A_1291[%add3A_1286, %broadcast_in_dim3A_1] : memref<128x128xf32, #tpu.memory_space<vmem>>[vector<16xi32>, vector<16xi32>], vector<16xf32>,
    tpu.vector_store_idx %arg5[%add3A_1286, %broadcast_in_dim3A_1238], %gather3A_1292 : memref<128x16xf32, #tpu.memory_space<vmem>>[vector<16xi32>, vector<16xi32>], vector<16xf32>,
    %add3A_1293 = arith.constant 96 : i32
    %add3A_1294 = vector.broadcast %add3A_1293 : i32 to vector<16xi32>
    %add3A_1295 = arith.addi %add3A_1294, %iota3A : vector<16xi32>
    %gather3A_1296 = arith.constant 0 : i32
    %gather3A_1297 = arith.constant 0 : i32
    %gather3A_1298 = arith.constant 0 : i32
    %gather3A_1299 = tpu.memref_slice %arg4[%gather3A_1296, %gather3A_1297, %gather3A_1298] : memref<2x128x128xf32, #tpu.memory_space<vmem>> -> memref<1x128x128xf32, #tpu.memory_space<vmem>>
    %gather3A_1300 = tpu.memref_squeeze %gather3A_1299 : memref<1x128x128xf32, #tpu.memory_space<vmem>> -> memref<128x128xf32, #tpu.memory_space<vmem>>
    %gather3A_1301 = tpu.vector_load_idx %gather3A_1300[%add3A_1295, %broadcast_in_dim3A_1] : memref<128x128xf32, #tpu.memory_space<vmem>>[vector<16xi32>, vector<16xi32>], vector<16xf32>,
    tpu.vector_store_idx %arg5[%add3A_1295, %broadcast_in_dim3A_1238], %gather3A_1301 : memref<128x16xf32, #tpu.memory_space<vmem>>[vector<16xi32>, vector<16xi32>], vector<16xf32>,
    %add3A_1302 = arith.constant 112 : i32
    %add3A_1303 = vector.broadcast %add3A_1302 : i32 to vector<16xi32>
    %add3A_1304 = arith.addi %add3A_1303, %iota3A : vector<16xi32>
    %gather3A_1305 = arith.constant 0 : i32
    %gather3A_1306 = arith.constant 0 : i32
    %gather3A_1307 = arith.constant 0 : i32
    %gather3A_1308 = tpu.memref_slice %arg4[%gather3A_1305, %gather3A_1306, %gather3A_1307] : memref<2x128x128xf32, #tpu.memory_space<vmem>> -> memref<1x128x128xf32, #tpu.memory_space<vmem>>
    %gather3A_1309 = tpu.memref_squeeze %gather3A_1308 : memref<1x128x128xf32, #tpu.memory_space<vmem>> -> memref<128x128xf32, #tpu.memory_space<vmem>>
    %gather3A_1310 = tpu.vector_load_idx %gather3A_1309[%add3A_1304, %broadcast_in_dim3A_1] : memref<128x128xf32, #tpu.memory_space<vmem>>[vector<16xi32>, vector<16xi32>], vector<16xf32>,
    tpu.vector_store_idx %arg5[%add3A_1304, %broadcast_in_dim3A_1238], %gather3A_1310 : memref<128x16xf32, #tpu.memory_space<vmem>>[vector<16xi32>, vector<16xi32>], vector<16xf32>,
    %dma_start3A_1311 = arith.constant 0 : i32
    %dma_start3A_1312 = arith.constant 0 : i32
    %dma_start3A_1313 = arith.constant 0 : i32
    %dma_start3A_1314 = tpu.memref_slice %arg4[%dma_start3A_1311, %dma_start3A_1312, %dma_start3A_1313] : memref<2x128x128xf32, #tpu.memory_space<vmem>> -> memref<1x128x128xf32, #tpu.memory_space<vmem>>
    %dma_start3A_1315 = tpu.memref_squeeze %dma_start3A_1314 : memref<1x128x128xf32, #tpu.memory_space<vmem>> -> memref<128x128xf32, #tpu.memory_space<vmem>>
    %dma_start3A_1316 = arith.constant 3584 : i32
    %dma_start3A_1317 = tpu.memref_slice %arg2[%mul3A_0, %dma_start3A_1316] : memref<8192x4096xf32, #tpu.memory_space<hbm>> -> memref<128x128xf32, #tpu.memory_space<hbm>>
    %dma_start3A_1318 = arith.constant 0 : i32
    %dma_start3A_1319 = arith.constant 0 : i32
    %dma_start3A_1320 = tpu.memref_slice %arg4[%dma_start3A_1311, %dma_start3A_1318, %dma_start3A_1319] : memref<2x128x128xf32, #tpu.memory_space<vmem>> -> memref<1x128x128xf32, #tpu.memory_space<vmem>>
    %dma_start3A_1321 = tpu.memref_squeeze %dma_start3A_1320 : memref<1x128x128xf32, #tpu.memory_space<vmem>> -> memref<128x128xf32, #tpu.memory_space<vmem>>
    %dma_start3A_1322 = arith.constant 3584 : i32
    %dma_start3A_1323 = tpu.memref_slice %arg2[%mul3A_0, %dma_start3A_1322] : memref<8192x4096xf32, #tpu.memory_space<hbm>> -> memref<128x128xf32, #tpu.memory_space<hbm>>
    tpu.enqueue_dma source(%dma_start3A_1323 : memref<128x128xf32, #tpu.memory_space<hbm>>) target(%dma_start3A_1321 : memref<128x128xf32, #tpu.memory_space<vmem>>) target_semaphore(%arg6 : memref<!tpu.dma_semaphore, #tpu.memory_space<semaphore_mem>>)
    %dma_wait3A_1324 = arith.constant 1 : i32
    %dma_wait3A_1325 = arith.constant 0 : i32
    %dma_wait3A_1326 = arith.constant 0 : i32
    %dma_wait3A_1327 = tpu.memref_slice %arg4[%dma_wait3A_1324, %dma_wait3A_1325, %dma_wait3A_1326] : memref<2x128x128xf32, #tpu.memory_space<vmem>> -> memref<1x128x128xf32, #tpu.memory_space<vmem>>
    %dma_wait3A_1328 = tpu.memref_squeeze %dma_wait3A_1327 : memref<1x128x128xf32, #tpu.memory_space<vmem>> -> memref<128x128xf32, #tpu.memory_space<vmem>>
    %dma_wait3A_1329 = arith.constant 3328 : i32
    %dma_wait3A_1330 = tpu.memref_slice %arg2[%mul3A_0, %dma_wait3A_1329] : memref<8192x4096xf32, #tpu.memory_space<hbm>> -> memref<128x128xf32, #tpu.memory_space<hbm>>
    %dma_wait3A_1331 = arith.constant 0 : i32
    %dma_wait3A_1332 = arith.constant 0 : i32
    %dma_wait3A_1333 = tpu.memref_slice %arg4[%dma_wait3A_1324, %dma_wait3A_1331, %dma_wait3A_1332] : memref<2x128x128xf32, #tpu.memory_space<vmem>> -> memref<1x128x128xf32, #tpu.memory_space<vmem>>
    %dma_wait3A_1334 = tpu.memref_squeeze %dma_wait3A_1333 : memref<1x128x128xf32, #tpu.memory_space<vmem>> -> memref<128x128xf32, #tpu.memory_space<vmem>>
    %dma_wait3A_1335 = arith.constant 3328 : i32
    %dma_wait3A_1336 = tpu.memref_slice %arg2[%mul3A_0, %dma_wait3A_1335] : memref<8192x4096xf32, #tpu.memory_space<hbm>> -> memref<128x128xf32, #tpu.memory_space<hbm>>
    tpu.wait_dma2 semaphore(%arg7 : memref<!tpu.dma_semaphore, #tpu.memory_space<semaphore_mem>>) src(%dma_wait3A_1336 : memref<128x128xf32, #tpu.memory_space<hbm>>) dst(%dma_wait3A_1334 : memref<128x128xf32, #tpu.memory_space<vmem>>)
    %broadcast_in_dim3A_1337 = arith.constant 13 : i32
    %broadcast_in_dim3A_1338 = vector.broadcast %broadcast_in_dim3A_1337 : i32 to vector<16xi32>
    %add3A_1339 = arith.constant 0 : i32
    %add3A_1340 = vector.broadcast %add3A_1339 : i32 to vector<16xi32>
    %add3A_1341 = arith.addi %add3A_1340, %iota3A : vector<16xi32>
    %gather3A_1342 = arith.constant 1 : i32
    %gather3A_1343 = arith.constant 0 : i32
    %gather3A_1344 = arith.constant 0 : i32
    %gather3A_1345 = tpu.memref_slice %arg4[%gather3A_1342, %gather3A_1343, %gather3A_1344] : memref<2x128x128xf32, #tpu.memory_space<vmem>> -> memref<1x128x128xf32, #tpu.memory_space<vmem>>
    %gather3A_1346 = tpu.memref_squeeze %gather3A_1345 : memref<1x128x128xf32, #tpu.memory_space<vmem>> -> memref<128x128xf32, #tpu.memory_space<vmem>>
    %gather3A_1347 = tpu.vector_load_idx %gather3A_1346[%add3A_1341, %broadcast_in_dim3A_1] : memref<128x128xf32, #tpu.memory_space<vmem>>[vector<16xi32>, vector<16xi32>], vector<16xf32>,
    tpu.vector_store_idx %arg5[%add3A_1341, %broadcast_in_dim3A_1338], %gather3A_1347 : memref<128x16xf32, #tpu.memory_space<vmem>>[vector<16xi32>, vector<16xi32>], vector<16xf32>,
    %add3A_1348 = arith.constant 16 : i32
    %add3A_1349 = vector.broadcast %add3A_1348 : i32 to vector<16xi32>
    %add3A_1350 = arith.addi %add3A_1349, %iota3A : vector<16xi32>
    %gather3A_1351 = arith.constant 1 : i32
    %gather3A_1352 = arith.constant 0 : i32
    %gather3A_1353 = arith.constant 0 : i32
    %gather3A_1354 = tpu.memref_slice %arg4[%gather3A_1351, %gather3A_1352, %gather3A_1353] : memref<2x128x128xf32, #tpu.memory_space<vmem>> -> memref<1x128x128xf32, #tpu.memory_space<vmem>>
    %gather3A_1355 = tpu.memref_squeeze %gather3A_1354 : memref<1x128x128xf32, #tpu.memory_space<vmem>> -> memref<128x128xf32, #tpu.memory_space<vmem>>
    %gather3A_1356 = tpu.vector_load_idx %gather3A_1355[%add3A_1350, %broadcast_in_dim3A_1] : memref<128x128xf32, #tpu.memory_space<vmem>>[vector<16xi32>, vector<16xi32>], vector<16xf32>,
    tpu.vector_store_idx %arg5[%add3A_1350, %broadcast_in_dim3A_1338], %gather3A_1356 : memref<128x16xf32, #tpu.memory_space<vmem>>[vector<16xi32>, vector<16xi32>], vector<16xf32>,
    %add3A_1357 = arith.constant 32 : i32
    %add3A_1358 = vector.broadcast %add3A_1357 : i32 to vector<16xi32>
    %add3A_1359 = arith.addi %add3A_1358, %iota3A : vector<16xi32>
    %gather3A_1360 = arith.constant 1 : i32
    %gather3A_1361 = arith.constant 0 : i32
    %gather3A_1362 = arith.constant 0 : i32
    %gather3A_1363 = tpu.memref_slice %arg4[%gather3A_1360, %gather3A_1361, %gather3A_1362] : memref<2x128x128xf32, #tpu.memory_space<vmem>> -> memref<1x128x128xf32, #tpu.memory_space<vmem>>
    %gather3A_1364 = tpu.memref_squeeze %gather3A_1363 : memref<1x128x128xf32, #tpu.memory_space<vmem>> -> memref<128x128xf32, #tpu.memory_space<vmem>>
    %gather3A_1365 = tpu.vector_load_idx %gather3A_1364[%add3A_1359, %broadcast_in_dim3A_1] : memref<128x128xf32, #tpu.memory_space<vmem>>[vector<16xi32>, vector<16xi32>], vector<16xf32>,
    tpu.vector_store_idx %arg5[%add3A_1359, %broadcast_in_dim3A_1338], %gather3A_1365 : memref<128x16xf32, #tpu.memory_space<vmem>>[vector<16xi32>, vector<16xi32>], vector<16xf32>,
    %add3A_1366 = arith.constant 48 : i32
    %add3A_1367 = vector.broadcast %add3A_1366 : i32 to vector<16xi32>
    %add3A_1368 = arith.addi %add3A_1367, %iota3A : vector<16xi32>
    %gather3A_1369 = arith.constant 1 : i32
    %gather3A_1370 = arith.constant 0 : i32
    %gather3A_1371 = arith.constant 0 : i32
    %gather3A_1372 = tpu.memref_slice %arg4[%gather3A_1369, %gather3A_1370, %gather3A_1371] : memref<2x128x128xf32, #tpu.memory_space<vmem>> -> memref<1x128x128xf32, #tpu.memory_space<vmem>>
    %gather3A_1373 = tpu.memref_squeeze %gather3A_1372 : memref<1x128x128xf32, #tpu.memory_space<vmem>> -> memref<128x128xf32, #tpu.memory_space<vmem>>
    %gather3A_1374 = tpu.vector_load_idx %gather3A_1373[%add3A_1368, %broadcast_in_dim3A_1] : memref<128x128xf32, #tpu.memory_space<vmem>>[vector<16xi32>, vector<16xi32>], vector<16xf32>,
    tpu.vector_store_idx %arg5[%add3A_1368, %broadcast_in_dim3A_1338], %gather3A_1374 : memref<128x16xf32, #tpu.memory_space<vmem>>[vector<16xi32>, vector<16xi32>], vector<16xf32>,
    %add3A_1375 = arith.constant 64 : i32
    %add3A_1376 = vector.broadcast %add3A_1375 : i32 to vector<16xi32>
    %add3A_1377 = arith.addi %add3A_1376, %iota3A : vector<16xi32>
    %gather3A_1378 = arith.constant 1 : i32
    %gather3A_1379 = arith.constant 0 : i32
    %gather3A_1380 = arith.constant 0 : i32
    %gather3A_1381 = tpu.memref_slice %arg4[%gather3A_1378, %gather3A_1379, %gather3A_1380] : memref<2x128x128xf32, #tpu.memory_space<vmem>> -> memref<1x128x128xf32, #tpu.memory_space<vmem>>
    %gather3A_1382 = tpu.memref_squeeze %gather3A_1381 : memref<1x128x128xf32, #tpu.memory_space<vmem>> -> memref<128x128xf32, #tpu.memory_space<vmem>>
    %gather3A_1383 = tpu.vector_load_idx %gather3A_1382[%add3A_1377, %broadcast_in_dim3A_1] : memref<128x128xf32, #tpu.memory_space<vmem>>[vector<16xi32>, vector<16xi32>], vector<16xf32>,
    tpu.vector_store_idx %arg5[%add3A_1377, %broadcast_in_dim3A_1338], %gather3A_1383 : memref<128x16xf32, #tpu.memory_space<vmem>>[vector<16xi32>, vector<16xi32>], vector<16xf32>,
    %add3A_1384 = arith.constant 80 : i32
    %add3A_1385 = vector.broadcast %add3A_1384 : i32 to vector<16xi32>
    %add3A_1386 = arith.addi %add3A_1385, %iota3A : vector<16xi32>
    %gather3A_1387 = arith.constant 1 : i32
    %gather3A_1388 = arith.constant 0 : i32
    %gather3A_1389 = arith.constant 0 : i32
    %gather3A_1390 = tpu.memref_slice %arg4[%gather3A_1387, %gather3A_1388, %gather3A_1389] : memref<2x128x128xf32, #tpu.memory_space<vmem>> -> memref<1x128x128xf32, #tpu.memory_space<vmem>>
    %gather3A_1391 = tpu.memref_squeeze %gather3A_1390 : memref<1x128x128xf32, #tpu.memory_space<vmem>> -> memref<128x128xf32, #tpu.memory_space<vmem>>
    %gather3A_1392 = tpu.vector_load_idx %gather3A_1391[%add3A_1386, %broadcast_in_dim3A_1] : memref<128x128xf32, #tpu.memory_space<vmem>>[vector<16xi32>, vector<16xi32>], vector<16xf32>,
    tpu.vector_store_idx %arg5[%add3A_1386, %broadcast_in_dim3A_1338], %gather3A_1392 : memref<128x16xf32, #tpu.memory_space<vmem>>[vector<16xi32>, vector<16xi32>], vector<16xf32>,
    %add3A_1393 = arith.constant 96 : i32
    %add3A_1394 = vector.broadcast %add3A_1393 : i32 to vector<16xi32>
    %add3A_1395 = arith.addi %add3A_1394, %iota3A : vector<16xi32>
    %gather3A_1396 = arith.constant 1 : i32
    %gather3A_1397 = arith.constant 0 : i32
    %gather3A_1398 = arith.constant 0 : i32
    %gather3A_1399 = tpu.memref_slice %arg4[%gather3A_1396, %gather3A_1397, %gather3A_1398] : memref<2x128x128xf32, #tpu.memory_space<vmem>> -> memref<1x128x128xf32, #tpu.memory_space<vmem>>
    %gather3A_1400 = tpu.memref_squeeze %gather3A_1399 : memref<1x128x128xf32, #tpu.memory_space<vmem>> -> memref<128x128xf32, #tpu.memory_space<vmem>>
    %gather3A_1401 = tpu.vector_load_idx %gather3A_1400[%add3A_1395, %broadcast_in_dim3A_1] : memref<128x128xf32, #tpu.memory_space<vmem>>[vector<16xi32>, vector<16xi32>], vector<16xf32>,
    tpu.vector_store_idx %arg5[%add3A_1395, %broadcast_in_dim3A_1338], %gather3A_1401 : memref<128x16xf32, #tpu.memory_space<vmem>>[vector<16xi32>, vector<16xi32>], vector<16xf32>,
    %add3A_1402 = arith.constant 112 : i32
    %add3A_1403 = vector.broadcast %add3A_1402 : i32 to vector<16xi32>
    %add3A_1404 = arith.addi %add3A_1403, %iota3A : vector<16xi32>
    %gather3A_1405 = arith.constant 1 : i32
    %gather3A_1406 = arith.constant 0 : i32
    %gather3A_1407 = arith.constant 0 : i32
    %gather3A_1408 = tpu.memref_slice %arg4[%gather3A_1405, %gather3A_1406, %gather3A_1407] : memref<2x128x128xf32, #tpu.memory_space<vmem>> -> memref<1x128x128xf32, #tpu.memory_space<vmem>>
    %gather3A_1409 = tpu.memref_squeeze %gather3A_1408 : memref<1x128x128xf32, #tpu.memory_space<vmem>> -> memref<128x128xf32, #tpu.memory_space<vmem>>
    %gather3A_1410 = tpu.vector_load_idx %gather3A_1409[%add3A_1404, %broadcast_in_dim3A_1] : memref<128x128xf32, #tpu.memory_space<vmem>>[vector<16xi32>, vector<16xi32>], vector<16xf32>,
    tpu.vector_store_idx %arg5[%add3A_1404, %broadcast_in_dim3A_1338], %gather3A_1410 : memref<128x16xf32, #tpu.memory_space<vmem>>[vector<16xi32>, vector<16xi32>], vector<16xf32>,
    %dma_start3A_1411 = arith.constant 1 : i32
    %dma_start3A_1412 = arith.constant 0 : i32
    %dma_start3A_1413 = arith.constant 0 : i32
    %dma_start3A_1414 = tpu.memref_slice %arg4[%dma_start3A_1411, %dma_start3A_1412, %dma_start3A_1413] : memref<2x128x128xf32, #tpu.memory_space<vmem>> -> memref<1x128x128xf32, #tpu.memory_space<vmem>>
    %dma_start3A_1415 = tpu.memref_squeeze %dma_start3A_1414 : memref<1x128x128xf32, #tpu.memory_space<vmem>> -> memref<128x128xf32, #tpu.memory_space<vmem>>
    %dma_start3A_1416 = arith.constant 3840 : i32
    %dma_start3A_1417 = tpu.memref_slice %arg2[%mul3A_0, %dma_start3A_1416] : memref<8192x4096xf32, #tpu.memory_space<hbm>> -> memref<128x128xf32, #tpu.memory_space<hbm>>
    %dma_start3A_1418 = arith.constant 0 : i32
    %dma_start3A_1419 = arith.constant 0 : i32
    %dma_start3A_1420 = tpu.memref_slice %arg4[%dma_start3A_1411, %dma_start3A_1418, %dma_start3A_1419] : memref<2x128x128xf32, #tpu.memory_space<vmem>> -> memref<1x128x128xf32, #tpu.memory_space<vmem>>
    %dma_start3A_1421 = tpu.memref_squeeze %dma_start3A_1420 : memref<1x128x128xf32, #tpu.memory_space<vmem>> -> memref<128x128xf32, #tpu.memory_space<vmem>>
    %dma_start3A_1422 = arith.constant 3840 : i32
    %dma_start3A_1423 = tpu.memref_slice %arg2[%mul3A_0, %dma_start3A_1422] : memref<8192x4096xf32, #tpu.memory_space<hbm>> -> memref<128x128xf32, #tpu.memory_space<hbm>>
    tpu.enqueue_dma source(%dma_start3A_1423 : memref<128x128xf32, #tpu.memory_space<hbm>>) target(%dma_start3A_1421 : memref<128x128xf32, #tpu.memory_space<vmem>>) target_semaphore(%arg7 : memref<!tpu.dma_semaphore, #tpu.memory_space<semaphore_mem>>)
    %dma_wait3A_1424 = arith.constant 0 : i32
    %dma_wait3A_1425 = arith.constant 0 : i32
    %dma_wait3A_1426 = arith.constant 0 : i32
    %dma_wait3A_1427 = tpu.memref_slice %arg4[%dma_wait3A_1424, %dma_wait3A_1425, %dma_wait3A_1426] : memref<2x128x128xf32, #tpu.memory_space<vmem>> -> memref<1x128x128xf32, #tpu.memory_space<vmem>>
    %dma_wait3A_1428 = tpu.memref_squeeze %dma_wait3A_1427 : memref<1x128x128xf32, #tpu.memory_space<vmem>> -> memref<128x128xf32, #tpu.memory_space<vmem>>
    %dma_wait3A_1429 = arith.constant 3584 : i32
    %dma_wait3A_1430 = tpu.memref_slice %arg2[%mul3A_0, %dma_wait3A_1429] : memref<8192x4096xf32, #tpu.memory_space<hbm>> -> memref<128x128xf32, #tpu.memory_space<hbm>>
    %dma_wait3A_1431 = arith.constant 0 : i32
    %dma_wait3A_1432 = arith.constant 0 : i32
    %dma_wait3A_1433 = tpu.memref_slice %arg4[%dma_wait3A_1424, %dma_wait3A_1431, %dma_wait3A_1432] : memref<2x128x128xf32, #tpu.memory_space<vmem>> -> memref<1x128x128xf32, #tpu.memory_space<vmem>>
    %dma_wait3A_1434 = tpu.memref_squeeze %dma_wait3A_1433 : memref<1x128x128xf32, #tpu.memory_space<vmem>> -> memref<128x128xf32, #tpu.memory_space<vmem>>
    %dma_wait3A_1435 = arith.constant 3584 : i32
    %dma_wait3A_1436 = tpu.memref_slice %arg2[%mul3A_0, %dma_wait3A_1435] : memref<8192x4096xf32, #tpu.memory_space<hbm>> -> memref<128x128xf32, #tpu.memory_space<hbm>>
    tpu.wait_dma2 semaphore(%arg6 : memref<!tpu.dma_semaphore, #tpu.memory_space<semaphore_mem>>) src(%dma_wait3A_1436 : memref<128x128xf32, #tpu.memory_space<hbm>>) dst(%dma_wait3A_1434 : memref<128x128xf32, #tpu.memory_space<vmem>>)
    %broadcast_in_dim3A_1437 = arith.constant 14 : i32
    %broadcast_in_dim3A_1438 = vector.broadcast %broadcast_in_dim3A_1437 : i32 to vector<16xi32>
    %add3A_1439 = arith.constant 0 : i32
    %add3A_1440 = vector.broadcast %add3A_1439 : i32 to vector<16xi32>
    %add3A_1441 = arith.addi %add3A_1440, %iota3A : vector<16xi32>
    %gather3A_1442 = arith.constant 0 : i32
    %gather3A_1443 = arith.constant 0 : i32
    %gather3A_1444 = arith.constant 0 : i32
    %gather3A_1445 = tpu.memref_slice %arg4[%gather3A_1442, %gather3A_1443, %gather3A_1444] : memref<2x128x128xf32, #tpu.memory_space<vmem>> -> memref<1x128x128xf32, #tpu.memory_space<vmem>>
    %gather3A_1446 = tpu.memref_squeeze %gather3A_1445 : memref<1x128x128xf32, #tpu.memory_space<vmem>> -> memref<128x128xf32, #tpu.memory_space<vmem>>
    %gather3A_1447 = tpu.vector_load_idx %gather3A_1446[%add3A_1441, %broadcast_in_dim3A_1] : memref<128x128xf32, #tpu.memory_space<vmem>>[vector<16xi32>, vector<16xi32>], vector<16xf32>,
    tpu.vector_store_idx %arg5[%add3A_1441, %broadcast_in_dim3A_1438], %gather3A_1447 : memref<128x16xf32, #tpu.memory_space<vmem>>[vector<16xi32>, vector<16xi32>], vector<16xf32>,
    %add3A_1448 = arith.constant 16 : i32
    %add3A_1449 = vector.broadcast %add3A_1448 : i32 to vector<16xi32>
    %add3A_1450 = arith.addi %add3A_1449, %iota3A : vector<16xi32>
    %gather3A_1451 = arith.constant 0 : i32
    %gather3A_1452 = arith.constant 0 : i32
    %gather3A_1453 = arith.constant 0 : i32
    %gather3A_1454 = tpu.memref_slice %arg4[%gather3A_1451, %gather3A_1452, %gather3A_1453] : memref<2x128x128xf32, #tpu.memory_space<vmem>> -> memref<1x128x128xf32, #tpu.memory_space<vmem>>
    %gather3A_1455 = tpu.memref_squeeze %gather3A_1454 : memref<1x128x128xf32, #tpu.memory_space<vmem>> -> memref<128x128xf32, #tpu.memory_space<vmem>>
    %gather3A_1456 = tpu.vector_load_idx %gather3A_1455[%add3A_1450, %broadcast_in_dim3A_1] : memref<128x128xf32, #tpu.memory_space<vmem>>[vector<16xi32>, vector<16xi32>], vector<16xf32>,
    tpu.vector_store_idx %arg5[%add3A_1450, %broadcast_in_dim3A_1438], %gather3A_1456 : memref<128x16xf32, #tpu.memory_space<vmem>>[vector<16xi32>, vector<16xi32>], vector<16xf32>,
    %add3A_1457 = arith.constant 32 : i32
    %add3A_1458 = vector.broadcast %add3A_1457 : i32 to vector<16xi32>
    %add3A_1459 = arith.addi %add3A_1458, %iota3A : vector<16xi32>
    %gather3A_1460 = arith.constant 0 : i32
    %gather3A_1461 = arith.constant 0 : i32
    %gather3A_1462 = arith.constant 0 : i32
    %gather3A_1463 = tpu.memref_slice %arg4[%gather3A_1460, %gather3A_1461, %gather3A_1462] : memref<2x128x128xf32, #tpu.memory_space<vmem>> -> memref<1x128x128xf32, #tpu.memory_space<vmem>>
    %gather3A_1464 = tpu.memref_squeeze %gather3A_1463 : memref<1x128x128xf32, #tpu.memory_space<vmem>> -> memref<128x128xf32, #tpu.memory_space<vmem>>
    %gather3A_1465 = tpu.vector_load_idx %gather3A_1464[%add3A_1459, %broadcast_in_dim3A_1] : memref<128x128xf32, #tpu.memory_space<vmem>>[vector<16xi32>, vector<16xi32>], vector<16xf32>,
    tpu.vector_store_idx %arg5[%add3A_1459, %broadcast_in_dim3A_1438], %gather3A_1465 : memref<128x16xf32, #tpu.memory_space<vmem>>[vector<16xi32>, vector<16xi32>], vector<16xf32>,
    %add3A_1466 = arith.constant 48 : i32
    %add3A_1467 = vector.broadcast %add3A_1466 : i32 to vector<16xi32>
    %add3A_1468 = arith.addi %add3A_1467, %iota3A : vector<16xi32>
    %gather3A_1469 = arith.constant 0 : i32
    %gather3A_1470 = arith.constant 0 : i32
    %gather3A_1471 = arith.constant 0 : i32
    %gather3A_1472 = tpu.memref_slice %arg4[%gather3A_1469, %gather3A_1470, %gather3A_1471] : memref<2x128x128xf32, #tpu.memory_space<vmem>> -> memref<1x128x128xf32, #tpu.memory_space<vmem>>
    %gather3A_1473 = tpu.memref_squeeze %gather3A_1472 : memref<1x128x128xf32, #tpu.memory_space<vmem>> -> memref<128x128xf32, #tpu.memory_space<vmem>>
    %gather3A_1474 = tpu.vector_load_idx %gather3A_1473[%add3A_1468, %broadcast_in_dim3A_1] : memref<128x128xf32, #tpu.memory_space<vmem>>[vector<16xi32>, vector<16xi32>], vector<16xf32>,
    tpu.vector_store_idx %arg5[%add3A_1468, %broadcast_in_dim3A_1438], %gather3A_1474 : memref<128x16xf32, #tpu.memory_space<vmem>>[vector<16xi32>, vector<16xi32>], vector<16xf32>,
    %add3A_1475 = arith.constant 64 : i32
    %add3A_1476 = vector.broadcast %add3A_1475 : i32 to vector<16xi32>
    %add3A_1477 = arith.addi %add3A_1476, %iota3A : vector<16xi32>
    %gather3A_1478 = arith.constant 0 : i32
    %gather3A_1479 = arith.constant 0 : i32
    %gather3A_1480 = arith.constant 0 : i32
    %gather3A_1481 = tpu.memref_slice %arg4[%gather3A_1478, %gather3A_1479, %gather3A_1480] : memref<2x128x128xf32, #tpu.memory_space<vmem>> -> memref<1x128x128xf32, #tpu.memory_space<vmem>>
    %gather3A_1482 = tpu.memref_squeeze %gather3A_1481 : memref<1x128x128xf32, #tpu.memory_space<vmem>> -> memref<128x128xf32, #tpu.memory_space<vmem>>
    %gather3A_1483 = tpu.vector_load_idx %gather3A_1482[%add3A_1477, %broadcast_in_dim3A_1] : memref<128x128xf32, #tpu.memory_space<vmem>>[vector<16xi32>, vector<16xi32>], vector<16xf32>,
    tpu.vector_store_idx %arg5[%add3A_1477, %broadcast_in_dim3A_1438], %gather3A_1483 : memref<128x16xf32, #tpu.memory_space<vmem>>[vector<16xi32>, vector<16xi32>], vector<16xf32>,
    %add3A_1484 = arith.constant 80 : i32
    %add3A_1485 = vector.broadcast %add3A_1484 : i32 to vector<16xi32>
    %add3A_1486 = arith.addi %add3A_1485, %iota3A : vector<16xi32>
    %gather3A_1487 = arith.constant 0 : i32
    %gather3A_1488 = arith.constant 0 : i32
    %gather3A_1489 = arith.constant 0 : i32
    %gather3A_1490 = tpu.memref_slice %arg4[%gather3A_1487, %gather3A_1488, %gather3A_1489] : memref<2x128x128xf32, #tpu.memory_space<vmem>> -> memref<1x128x128xf32, #tpu.memory_space<vmem>>
    %gather3A_1491 = tpu.memref_squeeze %gather3A_1490 : memref<1x128x128xf32, #tpu.memory_space<vmem>> -> memref<128x128xf32, #tpu.memory_space<vmem>>
    %gather3A_1492 = tpu.vector_load_idx %gather3A_1491[%add3A_1486, %broadcast_in_dim3A_1] : memref<128x128xf32, #tpu.memory_space<vmem>>[vector<16xi32>, vector<16xi32>], vector<16xf32>,
    tpu.vector_store_idx %arg5[%add3A_1486, %broadcast_in_dim3A_1438], %gather3A_1492 : memref<128x16xf32, #tpu.memory_space<vmem>>[vector<16xi32>, vector<16xi32>], vector<16xf32>,
    %add3A_1493 = arith.constant 96 : i32
    %add3A_1494 = vector.broadcast %add3A_1493 : i32 to vector<16xi32>
    %add3A_1495 = arith.addi %add3A_1494, %iota3A : vector<16xi32>
    %gather3A_1496 = arith.constant 0 : i32
    %gather3A_1497 = arith.constant 0 : i32
    %gather3A_1498 = arith.constant 0 : i32
    %gather3A_1499 = tpu.memref_slice %arg4[%gather3A_1496, %gather3A_1497, %gather3A_1498] : memref<2x128x128xf32, #tpu.memory_space<vmem>> -> memref<1x128x128xf32, #tpu.memory_space<vmem>>
    %gather3A_1500 = tpu.memref_squeeze %gather3A_1499 : memref<1x128x128xf32, #tpu.memory_space<vmem>> -> memref<128x128xf32, #tpu.memory_space<vmem>>
    %gather3A_1501 = tpu.vector_load_idx %gather3A_1500[%add3A_1495, %broadcast_in_dim3A_1] : memref<128x128xf32, #tpu.memory_space<vmem>>[vector<16xi32>, vector<16xi32>], vector<16xf32>,
    tpu.vector_store_idx %arg5[%add3A_1495, %broadcast_in_dim3A_1438], %gather3A_1501 : memref<128x16xf32, #tpu.memory_space<vmem>>[vector<16xi32>, vector<16xi32>], vector<16xf32>,
    %add3A_1502 = arith.constant 112 : i32
    %add3A_1503 = vector.broadcast %add3A_1502 : i32 to vector<16xi32>
    %add3A_1504 = arith.addi %add3A_1503, %iota3A : vector<16xi32>
    %gather3A_1505 = arith.constant 0 : i32
    %gather3A_1506 = arith.constant 0 : i32
    %gather3A_1507 = arith.constant 0 : i32
    %gather3A_1508 = tpu.memref_slice %arg4[%gather3A_1505, %gather3A_1506, %gather3A_1507] : memref<2x128x128xf32, #tpu.memory_space<vmem>> -> memref<1x128x128xf32, #tpu.memory_space<vmem>>
    %gather3A_1509 = tpu.memref_squeeze %gather3A_1508 : memref<1x128x128xf32, #tpu.memory_space<vmem>> -> memref<128x128xf32, #tpu.memory_space<vmem>>
    %gather3A_1510 = tpu.vector_load_idx %gather3A_1509[%add3A_1504, %broadcast_in_dim3A_1] : memref<128x128xf32, #tpu.memory_space<vmem>>[vector<16xi32>, vector<16xi32>], vector<16xf32>,
    tpu.vector_store_idx %arg5[%add3A_1504, %broadcast_in_dim3A_1438], %gather3A_1510 : memref<128x16xf32, #tpu.memory_space<vmem>>[vector<16xi32>, vector<16xi32>], vector<16xf32>,
    %dma_wait3A_1511 = arith.constant 1 : i32
    %dma_wait3A_1512 = arith.constant 0 : i32
    %dma_wait3A_1513 = arith.constant 0 : i32
    %dma_wait3A_1514 = tpu.memref_slice %arg4[%dma_wait3A_1511, %dma_wait3A_1512, %dma_wait3A_1513] : memref<2x128x128xf32, #tpu.memory_space<vmem>> -> memref<1x128x128xf32, #tpu.memory_space<vmem>>
    %dma_wait3A_1515 = tpu.memref_squeeze %dma_wait3A_1514 : memref<1x128x128xf32, #tpu.memory_space<vmem>> -> memref<128x128xf32, #tpu.memory_space<vmem>>
    %dma_wait3A_1516 = arith.constant 3840 : i32
    %dma_wait3A_1517 = tpu.memref_slice %arg2[%mul3A_0, %dma_wait3A_1516] : memref<8192x4096xf32, #tpu.memory_space<hbm>> -> memref<128x128xf32, #tpu.memory_space<hbm>>
    %dma_wait3A_1518 = arith.constant 0 : i32
    %dma_wait3A_1519 = arith.constant 0 : i32
    %dma_wait3A_1520 = tpu.memref_slice %arg4[%dma_wait3A_1511, %dma_wait3A_1518, %dma_wait3A_1519] : memref<2x128x128xf32, #tpu.memory_space<vmem>> -> memref<1x128x128xf32, #tpu.memory_space<vmem>>
    %dma_wait3A_1521 = tpu.memref_squeeze %dma_wait3A_1520 : memref<1x128x128xf32, #tpu.memory_space<vmem>> -> memref<128x128xf32, #tpu.memory_space<vmem>>
    %dma_wait3A_1522 = arith.constant 3840 : i32
    %dma_wait3A_1523 = tpu.memref_slice %arg2[%mul3A_0, %dma_wait3A_1522] : memref<8192x4096xf32, #tpu.memory_space<hbm>> -> memref<128x128xf32, #tpu.memory_space<hbm>>
    tpu.wait_dma2 semaphore(%arg7 : memref<!tpu.dma_semaphore, #tpu.memory_space<semaphore_mem>>) src(%dma_wait3A_1523 : memref<128x128xf32, #tpu.memory_space<hbm>>) dst(%dma_wait3A_1521 : memref<128x128xf32, #tpu.memory_space<vmem>>)
    %broadcast_in_dim3A_1524 = arith.constant 15 : i32
    %broadcast_in_dim3A_1525 = vector.broadcast %broadcast_in_dim3A_1524 : i32 to vector<16xi32>
    %add3A_1526 = arith.constant 0 : i32
    %add3A_1527 = vector.broadcast %add3A_1526 : i32 to vector<16xi32>
    %add3A_1528 = arith.addi %add3A_1527, %iota3A : vector<16xi32>
    %gather3A_1529 = arith.constant 1 : i32
    %gather3A_1530 = arith.constant 0 : i32
    %gather3A_1531 = arith.constant 0 : i32
    %gather3A_1532 = tpu.memref_slice %arg4[%gather3A_1529, %gather3A_1530, %gather3A_1531] : memref<2x128x128xf32, #tpu.memory_space<vmem>> -> memref<1x128x128xf32, #tpu.memory_space<vmem>>
    %gather3A_1533 = tpu.memref_squeeze %gather3A_1532 : memref<1x128x128xf32, #tpu.memory_space<vmem>> -> memref<128x128xf32, #tpu.memory_space<vmem>>
    %gather3A_1534 = tpu.vector_load_idx %gather3A_1533[%add3A_1528, %broadcast_in_dim3A_1] : memref<128x128xf32, #tpu.memory_space<vmem>>[vector<16xi32>, vector<16xi32>], vector<16xf32>,
    tpu.vector_store_idx %arg5[%add3A_1528, %broadcast_in_dim3A_1525], %gather3A_1534 : memref<128x16xf32, #tpu.memory_space<vmem>>[vector<16xi32>, vector<16xi32>], vector<16xf32>,
    %add3A_1535 = arith.constant 16 : i32
    %add3A_1536 = vector.broadcast %add3A_1535 : i32 to vector<16xi32>
    %add3A_1537 = arith.addi %add3A_1536, %iota3A : vector<16xi32>
    %gather3A_1538 = arith.constant 1 : i32
    %gather3A_1539 = arith.constant 0 : i32
    %gather3A_1540 = arith.constant 0 : i32
    %gather3A_1541 = tpu.memref_slice %arg4[%gather3A_1538, %gather3A_1539, %gather3A_1540] : memref<2x128x128xf32, #tpu.memory_space<vmem>> -> memref<1x128x128xf32, #tpu.memory_space<vmem>>
    %gather3A_1542 = tpu.memref_squeeze %gather3A_1541 : memref<1x128x128xf32, #tpu.memory_space<vmem>> -> memref<128x128xf32, #tpu.memory_space<vmem>>
    %gather3A_1543 = tpu.vector_load_idx %gather3A_1542[%add3A_1537, %broadcast_in_dim3A_1] : memref<128x128xf32, #tpu.memory_space<vmem>>[vector<16xi32>, vector<16xi32>], vector<16xf32>,
    tpu.vector_store_idx %arg5[%add3A_1537, %broadcast_in_dim3A_1525], %gather3A_1543 : memref<128x16xf32, #tpu.memory_space<vmem>>[vector<16xi32>, vector<16xi32>], vector<16xf32>,
    %add3A_1544 = arith.constant 32 : i32
    %add3A_1545 = vector.broadcast %add3A_1544 : i32 to vector<16xi32>
    %add3A_1546 = arith.addi %add3A_1545, %iota3A : vector<16xi32>
    %gather3A_1547 = arith.constant 1 : i32
    %gather3A_1548 = arith.constant 0 : i32
    %gather3A_1549 = arith.constant 0 : i32
    %gather3A_1550 = tpu.memref_slice %arg4[%gather3A_1547, %gather3A_1548, %gather3A_1549] : memref<2x128x128xf32, #tpu.memory_space<vmem>> -> memref<1x128x128xf32, #tpu.memory_space<vmem>>
    %gather3A_1551 = tpu.memref_squeeze %gather3A_1550 : memref<1x128x128xf32, #tpu.memory_space<vmem>> -> memref<128x128xf32, #tpu.memory_space<vmem>>
    %gather3A_1552 = tpu.vector_load_idx %gather3A_1551[%add3A_1546, %broadcast_in_dim3A_1] : memref<128x128xf32, #tpu.memory_space<vmem>>[vector<16xi32>, vector<16xi32>], vector<16xf32>,
    tpu.vector_store_idx %arg5[%add3A_1546, %broadcast_in_dim3A_1525], %gather3A_1552 : memref<128x16xf32, #tpu.memory_space<vmem>>[vector<16xi32>, vector<16xi32>], vector<16xf32>,
    %add3A_1553 = arith.constant 48 : i32
    %add3A_1554 = vector.broadcast %add3A_1553 : i32 to vector<16xi32>
    %add3A_1555 = arith.addi %add3A_1554, %iota3A : vector<16xi32>
    %gather3A_1556 = arith.constant 1 : i32
    %gather3A_1557 = arith.constant 0 : i32
    %gather3A_1558 = arith.constant 0 : i32
    %gather3A_1559 = tpu.memref_slice %arg4[%gather3A_1556, %gather3A_1557, %gather3A_1558] : memref<2x128x128xf32, #tpu.memory_space<vmem>> -> memref<1x128x128xf32, #tpu.memory_space<vmem>>
    %gather3A_1560 = tpu.memref_squeeze %gather3A_1559 : memref<1x128x128xf32, #tpu.memory_space<vmem>> -> memref<128x128xf32, #tpu.memory_space<vmem>>
    %gather3A_1561 = tpu.vector_load_idx %gather3A_1560[%add3A_1555, %broadcast_in_dim3A_1] : memref<128x128xf32, #tpu.memory_space<vmem>>[vector<16xi32>, vector<16xi32>], vector<16xf32>,
    tpu.vector_store_idx %arg5[%add3A_1555, %broadcast_in_dim3A_1525], %gather3A_1561 : memref<128x16xf32, #tpu.memory_space<vmem>>[vector<16xi32>, vector<16xi32>], vector<16xf32>,
    %add3A_1562 = arith.constant 64 : i32
    %add3A_1563 = vector.broadcast %add3A_1562 : i32 to vector<16xi32>
    %add3A_1564 = arith.addi %add3A_1563, %iota3A : vector<16xi32>
    %gather3A_1565 = arith.constant 1 : i32
    %gather3A_1566 = arith.constant 0 : i32
    %gather3A_1567 = arith.constant 0 : i32
    %gather3A_1568 = tpu.memref_slice %arg4[%gather3A_1565, %gather3A_1566, %gather3A_1567] : memref<2x128x128xf32, #tpu.memory_space<vmem>> -> memref<1x128x128xf32, #tpu.memory_space<vmem>>
    %gather3A_1569 = tpu.memref_squeeze %gather3A_1568 : memref<1x128x128xf32, #tpu.memory_space<vmem>> -> memref<128x128xf32, #tpu.memory_space<vmem>>
    %gather3A_1570 = tpu.vector_load_idx %gather3A_1569[%add3A_1564, %broadcast_in_dim3A_1] : memref<128x128xf32, #tpu.memory_space<vmem>>[vector<16xi32>, vector<16xi32>], vector<16xf32>,
    tpu.vector_store_idx %arg5[%add3A_1564, %broadcast_in_dim3A_1525], %gather3A_1570 : memref<128x16xf32, #tpu.memory_space<vmem>>[vector<16xi32>, vector<16xi32>], vector<16xf32>,
    %add3A_1571 = arith.constant 80 : i32
    %add3A_1572 = vector.broadcast %add3A_1571 : i32 to vector<16xi32>
    %add3A_1573 = arith.addi %add3A_1572, %iota3A : vector<16xi32>
    %gather3A_1574 = arith.constant 1 : i32
    %gather3A_1575 = arith.constant 0 : i32
    %gather3A_1576 = arith.constant 0 : i32
    %gather3A_1577 = tpu.memref_slice %arg4[%gather3A_1574, %gather3A_1575, %gather3A_1576] : memref<2x128x128xf32, #tpu.memory_space<vmem>> -> memref<1x128x128xf32, #tpu.memory_space<vmem>>
    %gather3A_1578 = tpu.memref_squeeze %gather3A_1577 : memref<1x128x128xf32, #tpu.memory_space<vmem>> -> memref<128x128xf32, #tpu.memory_space<vmem>>
    %gather3A_1579 = tpu.vector_load_idx %gather3A_1578[%add3A_1573, %broadcast_in_dim3A_1] : memref<128x128xf32, #tpu.memory_space<vmem>>[vector<16xi32>, vector<16xi32>], vector<16xf32>,
    tpu.vector_store_idx %arg5[%add3A_1573, %broadcast_in_dim3A_1525], %gather3A_1579 : memref<128x16xf32, #tpu.memory_space<vmem>>[vector<16xi32>, vector<16xi32>], vector<16xf32>,
    %add3A_1580 = arith.constant 96 : i32
    %add3A_1581 = vector.broadcast %add3A_1580 : i32 to vector<16xi32>
    %add3A_1582 = arith.addi %add3A_1581, %iota3A : vector<16xi32>
    %gather3A_1583 = arith.constant 1 : i32
    %gather3A_1584 = arith.constant 0 : i32
    %gather3A_1585 = arith.constant 0 : i32
    %gather3A_1586 = tpu.memref_slice %arg4[%gather3A_1583, %gather3A_1584, %gather3A_1585] : memref<2x128x128xf32, #tpu.memory_space<vmem>> -> memref<1x128x128xf32, #tpu.memory_space<vmem>>
    %gather3A_1587 = tpu.memref_squeeze %gather3A_1586 : memref<1x128x128xf32, #tpu.memory_space<vmem>> -> memref<128x128xf32, #tpu.memory_space<vmem>>
    %gather3A_1588 = tpu.vector_load_idx %gather3A_1587[%add3A_1582, %broadcast_in_dim3A_1] : memref<128x128xf32, #tpu.memory_space<vmem>>[vector<16xi32>, vector<16xi32>], vector<16xf32>,
    tpu.vector_store_idx %arg5[%add3A_1582, %broadcast_in_dim3A_1525], %gather3A_1588 : memref<128x16xf32, #tpu.memory_space<vmem>>[vector<16xi32>, vector<16xi32>], vector<16xf32>,
    %add3A_1589 = arith.constant 112 : i32
    %add3A_1590 = vector.broadcast %add3A_1589 : i32 to vector<16xi32>
    %add3A_1591 = arith.addi %add3A_1590, %iota3A : vector<16xi32>
    %gather3A_1592 = arith.constant 1 : i32
    %gather3A_1593 = arith.constant 0 : i32
    %gather3A_1594 = arith.constant 0 : i32
    %gather3A_1595 = tpu.memref_slice %arg4[%gather3A_1592, %gather3A_1593, %gather3A_1594] : memref<2x128x128xf32, #tpu.memory_space<vmem>> -> memref<1x128x128xf32, #tpu.memory_space<vmem>>
    %gather3A_1596 = tpu.memref_squeeze %gather3A_1595 : memref<1x128x128xf32, #tpu.memory_space<vmem>> -> memref<128x128xf32, #tpu.memory_space<vmem>>
    %gather3A_1597 = tpu.vector_load_idx %gather3A_1596[%add3A_1591, %broadcast_in_dim3A_1] : memref<128x128xf32, #tpu.memory_space<vmem>>[vector<16xi32>, vector<16xi32>], vector<16xf32>,
    tpu.vector_store_idx %arg5[%add3A_1591, %broadcast_in_dim3A_1525], %gather3A_1597 : memref<128x16xf32, #tpu.memory_space<vmem>>[vector<16xi32>, vector<16xi32>], vector<16xf32>,
    "tpu.region"() ({
      %run_scoped3A = tpu.sem_alloc : memref<!tpu.dma_semaphore, #tpu.memory_space<semaphore_mem>>
      %dma_start3A_1598 = arith.constant 0 : i32
      %dma_start3A_1599 = tpu.memref_slice %arg3[%mul3A_0, %dma_start3A_1598] : memref<2048x16xf32, #tpu.memory_space<hbm>> -> memref<128x16xf32, #tpu.memory_space<hbm>>
      %dma_start3A_1600 = arith.constant 0 : i32
      %dma_start3A_1601 = tpu.memref_slice %arg3[%mul3A_0, %dma_start3A_1600] : memref<2048x16xf32, #tpu.memory_space<hbm>> -> memref<128x16xf32, #tpu.memory_space<hbm>>
      tpu.enqueue_dma source(%arg5 : memref<128x16xf32, #tpu.memory_space<vmem>>) target(%dma_start3A_1601 : memref<128x16xf32, #tpu.memory_space<hbm>>) target_semaphore(%run_scoped3A : memref<!tpu.dma_semaphore, #tpu.memory_space<semaphore_mem>>)
      %dma_wait3A_1602 = arith.constant 0 : i32
      %dma_wait3A_1603 = tpu.memref_slice %arg3[%mul3A_0, %dma_wait3A_1602] : memref<2048x16xf32, #tpu.memory_space<hbm>> -> memref<128x16xf32, #tpu.memory_space<hbm>>
      %dma_wait3A_1604 = arith.constant 0 : i32
      %dma_wait3A_1605 = tpu.memref_slice %arg3[%mul3A_0, %dma_wait3A_1604] : memref<2048x16xf32, #tpu.memory_space<hbm>> -> memref<128x16xf32, #tpu.memory_space<hbm>>
      tpu.wait_dma2 semaphore(%run_scoped3A : memref<!tpu.dma_semaphore, #tpu.memory_space<semaphore_mem>>) src(%arg5 : memref<128x16xf32, #tpu.memory_space<vmem>>) dst(%dma_wait3A_1605 : memref<128x16xf32, #tpu.memory_space<hbm>>)
      tpu.yield
    }) : () -> ()
    return
  }
}

module attributes {stable_mosaic.version = 14 : i64} {
  func.func @_tc_body(%arg0: i32, %arg1: memref<512x128xf32, #tpu.memory_space<vmem>>, %arg2: memref<512x128xf32, #tpu.memory_space<vmem>>, %arg3: memref<512x128xf32, #tpu.memory_space<vmem>>, %arg4: memref<512x128xf32, #tpu.memory_space<vmem>>, %arg5: memref<512x128xf32, #tpu.memory_space<vmem>>, %arg6: memref<512x128xf32, #tpu.memory_space<vmem>>, %arg7: memref<512x128xf32, #tpu.memory_space<vmem>>, %arg8: memref<512x128xf32, #tpu.memory_space<vmem>>, %arg9: memref<512x128xf32, #tpu.memory_space<vmem>>, %arg10: memref<512x128xf32, #tpu.memory_space<vmem>>, %arg11: memref<512x128xf32, #tpu.memory_space<vmem>>, %arg12: memref<512x128xf32, #tpu.memory_space<vmem>>, %arg13: memref<512x128xf32, #tpu.memory_space<vmem>>, %arg14: memref<512x128xf32, #tpu.memory_space<vmem>>, %arg15: memref<512x128xf32, #tpu.memory_space<vmem>>, %arg16: memref<512x128xf32, #tpu.memory_space<vmem>>, %arg17: memref<512x16xf32, #tpu.memory_space<vmem>>) attributes {dimension_semantics = [#tpu.dimension_semantics<arbitrary>], iteration_bounds = array<i64: 12>, scalar_prefetch = 0 : i64, scratch_operands = 0 : i64, tpu.core_type = #tpu.core_type<tc>, window_params = [{transform_indices = @transform_0, window_bounds = array<i64: 512, 128>}, {transform_indices = @transform_1, window_bounds = array<i64: 512, 128>}, {transform_indices = @transform_2, window_bounds = array<i64: 512, 128>}, {transform_indices = @transform_3, window_bounds = array<i64: 512, 128>}, {transform_indices = @transform_4, window_bounds = array<i64: 512, 128>}, {transform_indices = @transform_5, window_bounds = array<i64: 512, 128>}, {transform_indices = @transform_6, window_bounds = array<i64: 512, 128>}, {transform_indices = @transform_7, window_bounds = array<i64: 512, 128>}, {transform_indices = @transform_8, window_bounds = array<i64: 512, 128>}, {transform_indices = @transform_9, window_bounds = array<i64: 512, 128>}, {transform_indices = @transform_10, window_bounds = array<i64: 512, 128>}, {transform_indices = @transform_11, window_bounds = array<i64: 512, 128>}, {transform_indices = @transform_12, window_bounds = array<i64: 512, 128>}, {transform_indices = @transform_13, window_bounds = array<i64: 512, 128>}, {transform_indices = @transform_14, window_bounds = array<i64: 512, 128>}, {transform_indices = @transform_15, window_bounds = array<i64: 512, 128>}, {transform_indices = @transform_16, window_bounds = array<i64: 512, 16>}]} {
    %get3A = arith.constant 0 : index
    %get3A_0 = arith.constant 0 : index
    %get3A_1 = vector.load %arg1[%get3A, %get3A_0] : memref<512x128xf32, #tpu.memory_space<vmem>>, vector<512x128xf32>
    %slice3A = vector.extract_strided_slice %get3A_1 {offsets = [0, 0], sizes = [512, 1], strides = [1, 1]} : vector<512x128xf32> to vector<512x1xf32>
    %get3A_2 = arith.constant 0 : index
    %get3A_3 = arith.constant 0 : index
    %get3A_4 = vector.load %arg2[%get3A_2, %get3A_3] : memref<512x128xf32, #tpu.memory_space<vmem>>, vector<512x128xf32>
    %slice3A_5 = vector.extract_strided_slice %get3A_4 {offsets = [0, 0], sizes = [512, 1], strides = [1, 1]} : vector<512x128xf32> to vector<512x1xf32>
    %get3A_6 = arith.constant 0 : index
    %get3A_7 = arith.constant 0 : index
    %get3A_8 = vector.load %arg3[%get3A_6, %get3A_7] : memref<512x128xf32, #tpu.memory_space<vmem>>, vector<512x128xf32>
    %slice3A_9 = vector.extract_strided_slice %get3A_8 {offsets = [0, 0], sizes = [512, 1], strides = [1, 1]} : vector<512x128xf32> to vector<512x1xf32>
    %get3A_10 = arith.constant 0 : index
    %get3A_11 = arith.constant 0 : index
    %get3A_12 = vector.load %arg4[%get3A_10, %get3A_11] : memref<512x128xf32, #tpu.memory_space<vmem>>, vector<512x128xf32>
    %slice3A_13 = vector.extract_strided_slice %get3A_12 {offsets = [0, 0], sizes = [512, 1], strides = [1, 1]} : vector<512x128xf32> to vector<512x1xf32>
    %get3A_14 = arith.constant 0 : index
    %get3A_15 = arith.constant 0 : index
    %get3A_16 = vector.load %arg5[%get3A_14, %get3A_15] : memref<512x128xf32, #tpu.memory_space<vmem>>, vector<512x128xf32>
    %slice3A_17 = vector.extract_strided_slice %get3A_16 {offsets = [0, 0], sizes = [512, 1], strides = [1, 1]} : vector<512x128xf32> to vector<512x1xf32>
    %get3A_18 = arith.constant 0 : index
    %get3A_19 = arith.constant 0 : index
    %get3A_20 = vector.load %arg6[%get3A_18, %get3A_19] : memref<512x128xf32, #tpu.memory_space<vmem>>, vector<512x128xf32>
    %slice3A_21 = vector.extract_strided_slice %get3A_20 {offsets = [0, 0], sizes = [512, 1], strides = [1, 1]} : vector<512x128xf32> to vector<512x1xf32>
    %get3A_22 = arith.constant 0 : index
    %get3A_23 = arith.constant 0 : index
    %get3A_24 = vector.load %arg7[%get3A_22, %get3A_23] : memref<512x128xf32, #tpu.memory_space<vmem>>, vector<512x128xf32>
    %slice3A_25 = vector.extract_strided_slice %get3A_24 {offsets = [0, 0], sizes = [512, 1], strides = [1, 1]} : vector<512x128xf32> to vector<512x1xf32>
    %get3A_26 = arith.constant 0 : index
    %get3A_27 = arith.constant 0 : index
    %get3A_28 = vector.load %arg8[%get3A_26, %get3A_27] : memref<512x128xf32, #tpu.memory_space<vmem>>, vector<512x128xf32>
    %slice3A_29 = vector.extract_strided_slice %get3A_28 {offsets = [0, 0], sizes = [512, 1], strides = [1, 1]} : vector<512x128xf32> to vector<512x1xf32>
    %get3A_30 = arith.constant 0 : index
    %get3A_31 = arith.constant 0 : index
    %get3A_32 = vector.load %arg9[%get3A_30, %get3A_31] : memref<512x128xf32, #tpu.memory_space<vmem>>, vector<512x128xf32>
    %slice3A_33 = vector.extract_strided_slice %get3A_32 {offsets = [0, 0], sizes = [512, 1], strides = [1, 1]} : vector<512x128xf32> to vector<512x1xf32>
    %get3A_34 = arith.constant 0 : index
    %get3A_35 = arith.constant 0 : index
    %get3A_36 = vector.load %arg10[%get3A_34, %get3A_35] : memref<512x128xf32, #tpu.memory_space<vmem>>, vector<512x128xf32>
    %slice3A_37 = vector.extract_strided_slice %get3A_36 {offsets = [0, 0], sizes = [512, 1], strides = [1, 1]} : vector<512x128xf32> to vector<512x1xf32>
    %get3A_38 = arith.constant 0 : index
    %get3A_39 = arith.constant 0 : index
    %get3A_40 = vector.load %arg11[%get3A_38, %get3A_39] : memref<512x128xf32, #tpu.memory_space<vmem>>, vector<512x128xf32>
    %slice3A_41 = vector.extract_strided_slice %get3A_40 {offsets = [0, 0], sizes = [512, 1], strides = [1, 1]} : vector<512x128xf32> to vector<512x1xf32>
    %get3A_42 = arith.constant 0 : index
    %get3A_43 = arith.constant 0 : index
    %get3A_44 = vector.load %arg12[%get3A_42, %get3A_43] : memref<512x128xf32, #tpu.memory_space<vmem>>, vector<512x128xf32>
    %slice3A_45 = vector.extract_strided_slice %get3A_44 {offsets = [0, 0], sizes = [512, 1], strides = [1, 1]} : vector<512x128xf32> to vector<512x1xf32>
    %get3A_46 = arith.constant 0 : index
    %get3A_47 = arith.constant 0 : index
    %get3A_48 = vector.load %arg13[%get3A_46, %get3A_47] : memref<512x128xf32, #tpu.memory_space<vmem>>, vector<512x128xf32>
    %slice3A_49 = vector.extract_strided_slice %get3A_48 {offsets = [0, 0], sizes = [512, 1], strides = [1, 1]} : vector<512x128xf32> to vector<512x1xf32>
    %get3A_50 = arith.constant 0 : index
    %get3A_51 = arith.constant 0 : index
    %get3A_52 = vector.load %arg14[%get3A_50, %get3A_51] : memref<512x128xf32, #tpu.memory_space<vmem>>, vector<512x128xf32>
    %slice3A_53 = vector.extract_strided_slice %get3A_52 {offsets = [0, 0], sizes = [512, 1], strides = [1, 1]} : vector<512x128xf32> to vector<512x1xf32>
    %get3A_54 = arith.constant 0 : index
    %get3A_55 = arith.constant 0 : index
    %get3A_56 = vector.load %arg15[%get3A_54, %get3A_55] : memref<512x128xf32, #tpu.memory_space<vmem>>, vector<512x128xf32>
    %slice3A_57 = vector.extract_strided_slice %get3A_56 {offsets = [0, 0], sizes = [512, 1], strides = [1, 1]} : vector<512x128xf32> to vector<512x1xf32>
    %get3A_58 = arith.constant 0 : index
    %get3A_59 = arith.constant 0 : index
    %get3A_60 = vector.load %arg16[%get3A_58, %get3A_59] : memref<512x128xf32, #tpu.memory_space<vmem>>, vector<512x128xf32>
    %slice3A_61 = vector.extract_strided_slice %get3A_60 {offsets = [0, 0], sizes = [512, 1], strides = [1, 1]} : vector<512x128xf32> to vector<512x1xf32>
    %concatenate3A = tpu.concatenate %slice3A, %slice3A_5, %slice3A_9, %slice3A_13, %slice3A_17, %slice3A_21, %slice3A_25, %slice3A_29, %slice3A_33, %slice3A_37, %slice3A_41, %slice3A_45, %slice3A_49, %slice3A_53, %slice3A_57, %slice3A_61 in 1 : vector<512x1xf32>, vector<512x1xf32>, vector<512x1xf32>, vector<512x1xf32>, vector<512x1xf32>, vector<512x1xf32>, vector<512x1xf32>, vector<512x1xf32>, vector<512x1xf32>, vector<512x1xf32>, vector<512x1xf32>, vector<512x1xf32>, vector<512x1xf32>, vector<512x1xf32>, vector<512x1xf32>, vector<512x1xf32> -> vector<512x16xf32>
    %swap3A = arith.constant 0 : index
    %swap3A_62 = arith.constant 0 : index
    %swap3A_63 = vector.load %arg17[%swap3A, %swap3A_62] : memref<512x16xf32, #tpu.memory_space<vmem>>, vector<512x16xf32>
    tpu.vector_store %arg17[%swap3A, %swap3A_62], %concatenate3A {strides = array<i32>} : memref<512x16xf32, #tpu.memory_space<vmem>>, vector<512x16xf32>,
    return
  }
  func.func @transform_0(%arg0: i32) -> (i32, i32) {
    %add3A = arith.constant 4 : i32
    %add3A_0 = arith.addi %add3A, %arg0 : i32
    %c0_i32 = arith.constant 0 : i32
    %c0_i32_1 = arith.constant 0 : i32
    return %add3A_0, %c0_i32 : i32, i32
  }
  func.func @transform_1(%arg0: i32) -> (i32, i32) {
    %add3A = arith.constant 4 : i32
    %add3A_0 = arith.addi %add3A, %arg0 : i32
    %c2_i32 = arith.constant 2 : i32
    %c0_i32 = arith.constant 0 : i32
    return %add3A_0, %c2_i32 : i32, i32
  }
  func.func @transform_2(%arg0: i32) -> (i32, i32) {
    %add3A = arith.constant 4 : i32
    %add3A_0 = arith.addi %add3A, %arg0 : i32
    %c4_i32 = arith.constant 4 : i32
    %c0_i32 = arith.constant 0 : i32
    return %add3A_0, %c4_i32 : i32, i32
  }
  func.func @transform_3(%arg0: i32) -> (i32, i32) {
    %add3A = arith.constant 4 : i32
    %add3A_0 = arith.addi %add3A, %arg0 : i32
    %c6_i32 = arith.constant 6 : i32
    %c0_i32 = arith.constant 0 : i32
    return %add3A_0, %c6_i32 : i32, i32
  }
  func.func @transform_4(%arg0: i32) -> (i32, i32) {
    %add3A = arith.constant 4 : i32
    %add3A_0 = arith.addi %add3A, %arg0 : i32
    %c8_i32 = arith.constant 8 : i32
    %c0_i32 = arith.constant 0 : i32
    return %add3A_0, %c8_i32 : i32, i32
  }
  func.func @transform_5(%arg0: i32) -> (i32, i32) {
    %add3A = arith.constant 4 : i32
    %add3A_0 = arith.addi %add3A, %arg0 : i32
    %c10_i32 = arith.constant 10 : i32
    %c0_i32 = arith.constant 0 : i32
    return %add3A_0, %c10_i32 : i32, i32
  }
  func.func @transform_6(%arg0: i32) -> (i32, i32) {
    %add3A = arith.constant 4 : i32
    %add3A_0 = arith.addi %add3A, %arg0 : i32
    %c12_i32 = arith.constant 12 : i32
    %c0_i32 = arith.constant 0 : i32
    return %add3A_0, %c12_i32 : i32, i32
  }
  func.func @transform_7(%arg0: i32) -> (i32, i32) {
    %add3A = arith.constant 4 : i32
    %add3A_0 = arith.addi %add3A, %arg0 : i32
    %c14_i32 = arith.constant 14 : i32
    %c0_i32 = arith.constant 0 : i32
    return %add3A_0, %c14_i32 : i32, i32
  }
  func.func @transform_8(%arg0: i32) -> (i32, i32) {
    %add3A = arith.constant 4 : i32
    %add3A_0 = arith.addi %add3A, %arg0 : i32
    %c16_i32 = arith.constant 16 : i32
    %c0_i32 = arith.constant 0 : i32
    return %add3A_0, %c16_i32 : i32, i32
  }
  func.func @transform_9(%arg0: i32) -> (i32, i32) {
    %add3A = arith.constant 4 : i32
    %add3A_0 = arith.addi %add3A, %arg0 : i32
    %c18_i32 = arith.constant 18 : i32
    %c0_i32 = arith.constant 0 : i32
    return %add3A_0, %c18_i32 : i32, i32
  }
  func.func @transform_10(%arg0: i32) -> (i32, i32) {
    %add3A = arith.constant 4 : i32
    %add3A_0 = arith.addi %add3A, %arg0 : i32
    %c20_i32 = arith.constant 20 : i32
    %c0_i32 = arith.constant 0 : i32
    return %add3A_0, %c20_i32 : i32, i32
  }
  func.func @transform_11(%arg0: i32) -> (i32, i32) {
    %add3A = arith.constant 4 : i32
    %add3A_0 = arith.addi %add3A, %arg0 : i32
    %c22_i32 = arith.constant 22 : i32
    %c0_i32 = arith.constant 0 : i32
    return %add3A_0, %c22_i32 : i32, i32
  }
  func.func @transform_12(%arg0: i32) -> (i32, i32) {
    %add3A = arith.constant 4 : i32
    %add3A_0 = arith.addi %add3A, %arg0 : i32
    %c24_i32 = arith.constant 24 : i32
    %c0_i32 = arith.constant 0 : i32
    return %add3A_0, %c24_i32 : i32, i32
  }
  func.func @transform_13(%arg0: i32) -> (i32, i32) {
    %add3A = arith.constant 4 : i32
    %add3A_0 = arith.addi %add3A, %arg0 : i32
    %c26_i32 = arith.constant 26 : i32
    %c0_i32 = arith.constant 0 : i32
    return %add3A_0, %c26_i32 : i32, i32
  }
  func.func @transform_14(%arg0: i32) -> (i32, i32) {
    %add3A = arith.constant 4 : i32
    %add3A_0 = arith.addi %add3A, %arg0 : i32
    %c28_i32 = arith.constant 28 : i32
    %c0_i32 = arith.constant 0 : i32
    return %add3A_0, %c28_i32 : i32, i32
  }
  func.func @transform_15(%arg0: i32) -> (i32, i32) {
    %add3A = arith.constant 4 : i32
    %add3A_0 = arith.addi %add3A, %arg0 : i32
    %c30_i32 = arith.constant 30 : i32
    %c0_i32 = arith.constant 0 : i32
    return %add3A_0, %c30_i32 : i32, i32
  }
  func.func @transform_16(%arg0: i32) -> (i32, i32) {
    %c0_i32 = arith.constant 0 : i32
    %c0_i32_0 = arith.constant 0 : i32
    return %arg0, %c0_i32 : i32, i32
  }
}

</mosaic_0001>

<sc_bundles>
// kernel: kernel.4.cloned.1.call-start
scs
__scs_entry_jumppad:
0x0: {  	(pc) =	sbr.rel $0x88, $3  }
0x1: {  	(tag) =	ssettag $0x0;
	lr =	simm.s32 $0x1  }
0x2: {  	[smem:$0x3FA0] =	sst lr;
	_ =	strace $0xD0000000  }
0x3: {  	_ = 	snop  }
0x4: {  	_ = 	snop  }
0x5: {  	_ = 	snop  }
0x6: {  	_ = 	snop  }
0x7: {  	_ = 	snop  }
__scs_overlays_trampoline_lowered:
0x8: {  	[smem:$0x3FAF] =	sst s0  }
0x9: {  	[smem:$0x3FB0] =	sst s1  }
0xa: {  	[smem:$0x3FB1] =	sst s2  }
0xb: {  	[smem:$0x3FB2] =	sst s3  }
0xc: {  	[smem:$0x3FB3] =	sst s4  }
0xd: {  	[smem:$0x3FB4] =	sst s5  }
0xe: {  	[smem:$0x3FB5] =	sst s6  }
0xf: {  	[smem:$0x3FB6] =	sst s7  }
0x10: {  	[smem:$0x3FB7] =	sst s8  }
0x11: {  	[smem:$0x3FB8] =	sst s9;
	s0 =	simm.s32 @!p0 $0x0  }
0x12: {  	s1 =	sld [smem:$0x3F9E];
	s0 =	simm.s32 @p0 $0x1  }
0x13: {  	[smem:$0x3FB9] =	sst s0;
	s0 =	simm.s32 @!p1 $0x0  }
0x14: {  	s2 =	sld [smem:$0x3F9D];
	s0 =	simm.s32 @p1 $0x1  }
0x15: {  	[smem:$0x3FBA] =	sst s0;
	s0 =	simm.s32 @!p2 $0x0  }
0x16: {  	s3 =	sld [smem:$0x3FDB];
	s0 =	simm.s32 @p2 $0x1  }
0x17: {  	s4 =	simm.s32 $0x1BF5;
	[smem:$0x3FBC] =	sst s0  }
0x18: {  	s0 =	sld [smem:$0x3F9F];
	_ =	swait.ge [sflag:s4], $0x0  }
0x19: {  	s7 =	sld [smem:$0x3FA0]  }
0x1a: {  	s8 =	sadd.s32 $0xFFFFE003, lr  }
0x1b: {  	s9 =	sadd.s32 $0xFFFFFEF7, lr;
	s5 =	simm.s32 $0xFFFFFFFF;
	p2 =	slt.u32 s8, $0xFFFFF086  }
0x1c: {  	p1 =	slt.u32 s9, $0xF7A;
	s5 =	simm.s32 @!p2 $0x0  }
0x1d: {  	s5 =	simm.s32 @p1 $0x1;
	p0 =	seq.s32 s7, s2  }
0x1e: {  	s7 =	smul.u32 @!p0 $0xF7A, s2;
	p2 =	seq.s32 @!p0 s5, $0x0  }
0x1f: {  	s9 =	smul.u32 $0xF7A, s1;
	s8 =	simm.s32 @!p0 $0x1BF5;
	p2 =	por !p2, p0  }
0x20: {  	[sflag:s8] =	ssyncset.s32 @!p0 $0xFFFFF086;
	s6 =	sadd.s32 @!p0 s3, s7;
	s7 =	simm.s32 @!p0 $0x108  }
0x21: {  	s3 =	sadd.s32 s3, s9;
	s6 =	sadd.s32 @!p0 $0x88, s6;
	s7 =	simm.s32 @p2 $0x1082  }
0x22: {  	[simem:s7], [sflag:s8] =	dma.local @!p0 [hbm:s6], $0xF7A  }
0x23: {  	s9 =	sor.u32 $0xD0000000, s2;
	s6 =	simm.s32 $0x108;
	_ =	swait.ge @!p0 [sflag:s8], $0x0  }
0x24: {  	s3 =	sadd.s32 $0x88, s3;
	s6 =	simm.s32 @!p1 $0x1082;
	[sflag:s4] =	ssyncset.s32 $0xFFFFF086  }
0x25: {  	[simem:s6], [sflag:s4] =	dma.local [hbm:s3], $0xF7A  }
0x26: {  	[smem:$0x3FA0] =	sst s1;
	(tag) =	ssettag s2;
	_ =	strace s9  }
0x27: {  	s1 =	sld [smem:$0x3FB0]  }
0x28: {  	s2 =	sld [smem:$0x3FB1]  }
0x29: {  	s4 =	sld [smem:$0x3FB3]  }
0x2a: {  	p0 =	seq.s32 s5, $0x0;
	s5 =	sld [smem:$0x3FB4]  }
0x2b: {  	s6 =	sld [smem:$0x3FB5]  }
0x2c: {  	s7 =	sld [smem:$0x3FB6]  }
0x2d: {  	s3 =	simm.s32 $0x108;
	s8 =	sld [smem:$0x3FB7]  }
0x2e: {  	s3 =	simm.s32 @!p0 $0x1082;
	s9 =	sld [smem:$0x3FB8]  }
0x2f: {  	lr =	sadd.s32 s0, s3;
	s0 =	sld [smem:$0x3FAF]  }
0x30: {  	s3 =	sld [smem:$0x3FB2]  }
0x31: {  	[smem:$0x3FBB] =	sst s10  }
0x32: {  	s10 =	sld [smem:$0x3FB9];
	_ =	sdelay $0x3  }
0x33: {  	p0 =	seq.s32 s10, $0x1;
	s10 =	sld [smem:$0x3FBB];
	_ =	sdelay $0x3  }
0x34: {  	[smem:$0x3FBB] =	sst s10  }
0x35: {  	s10 =	sld [smem:$0x3FBA];
	_ =	sdelay $0x3  }
0x36: {  	p1 =	seq.s32 s10, $0x1;
	s10 =	sld [smem:$0x3FBB];
	_ =	sdelay $0x3  }
0x37: {  	[smem:$0x3FBB] =	sst s10  }
0x38: {  	s10 =	sld [smem:$0x3FBC]  }
0x39: {  	_ = 	snop;
	(pc) =	sbr.ind lr, $3  }
0x3a: {  	_ = 	snop  }
0x3b: {  	_ = 	snop  }
0x3c: {  	p2 =	seq.s32 s10, $0x1;
	s10 =	sld [smem:$0x3FBB]  }
0x3d: {  	_ =	shalt  }
0x3e: {  	_ =	shalt  }
0x3f: {  	_ =	shalt  }
0x40: {  	_ =	shalt  }
0x41: {  	_ =	shalt  }
0x42: {  	_ =	shalt  }
0x43: {  	_ =	shalt  }
0x44: {  	_ =	shalt  }
0x45: {  	_ =	shalt  }
0x46: {  	_ =	shalt  }
0x47: {  	_ =	shalt  }
0x48: {  	_ =	shalt  }
0x49: {  	_ =	shalt  }
0x4a: {  	_ =	shalt  }
0x4b: {  	_ =	shalt  }
0x4c: {  	_ =	shalt  }
0x4d: {  	_ =	shalt  }
0x4e: {  	_ =	shalt  }
0x4f: {  	_ =	shalt  }
0x50: {  	_ =	shalt  }
0x51: {  	_ =	shalt  }
0x52: {  	_ =	shalt  }
0x53: {  	_ =	shalt  }
0x54: {  	_ =	shalt  }
0x55: {  	_ =	shalt  }
0x56: {  	_ =	shalt  }
0x57: {  	_ =	shalt  }
0x58: {  	_ =	shalt  }
0x59: {  	_ =	shalt  }
0x5a: {  	_ =	shalt  }
0x5b: {  	_ =	shalt  }
0x5c: {  	_ =	shalt  }
0x5d: {  	_ =	shalt  }
0x5e: {  	_ =	shalt  }
0x5f: {  	_ =	shalt  }
0x60: {  	_ =	shalt  }
0x61: {  	_ =	shalt  }
0x62: {  	_ =	shalt  }
0x63: {  	_ =	shalt  }
0x64: {  	_ =	shalt  }
0x65: {  	_ =	shalt  }
0x66: {  	_ =	shalt  }
0x67: {  	_ =	shalt  }
0x68: {  	_ =	shalt  }
0x69: {  	_ =	shalt  }
0x6a: {  	_ =	shalt  }
0x6b: {  	_ =	shalt  }
0x6c: {  	_ =	shalt  }
0x6d: {  	_ =	shalt  }
0x6e: {  	_ =	shalt  }
0x6f: {  	_ =	shalt  }
0x70: {  	_ =	shalt  }
0x71: {  	_ =	shalt  }
0x72: {  	_ =	shalt  }
0x73: {  	_ =	shalt  }
0x74: {  	_ =	shalt  }
0x75: {  	_ =	shalt  }
0x76: {  	_ =	shalt  }
0x77: {  	_ =	shalt  }
0x78: {  	_ =	shalt  }
0x79: {  	_ =	shalt  }
0x7a: {  	_ =	shalt  }
0x7b: {  	_ =	shalt  }
0x7c: {  	_ =	shalt  }
0x7d: {  	_ =	shalt  }
0x7e: {  	_ =	shalt  }
0x7f: {  	_ =	shalt  }
0x80: {  	_ =	shalt  }
0x81: {  	_ =	shalt  }
0x82: {  	_ =	shalt  }
0x83: {  	_ =	shalt  }
0x84: {  	_ =	shalt  }
0x85: {  	_ =	shalt  }
0x86: {  	_ =	shalt  }
0x87: {  	_ =	shalt  }
.Lfunc_end0:
.L_simem_size_0:
called_computation_lowered:
.L_overlay_start_0:
0x88: {  	s0 =	sld [smem:$0x3FD9]  }
0x89: {  	s1 =	sld [smem:$0x3FFE];
	_ =	sdelay $0x3  }
0x8a: {  	s0 =	sadd.s32 s1, s0  }
0x8b: {  	[smem:$0x3FC7] =	sst s0  }
0x8c: {  	_ = 	snop  }
0x8d: {  	s0 =	sld [smem:$0x3FC9];
	(tm) =	ssettm $0x1  }
0x8e: {  	s16 =	sld [smem:$0x3FFB];
	_ =	sdelay $0x3  }
0x8f: {  	_ =	strace s16  }
0x90: {  	s1 =	sld [smem:$0x3FFC];
	_ =	sdelay $0x3  }
0x91: {  	_ =	strace s1  }
0x92: {  	s1 =	sld [smem:$0x3FFD];
	_ =	sdelay $0x3  }
0x93: {  	_ =	strace s1  }
0x94: {  	_ =	strace $0x8FFFFFFF  }
0x95: {  	s17 =	sld [smem:$0x3FDB];
	_ =	sdelay $0x1  }
0x96: {  	s2 =	simm.s32 $_scs_section_size  }
0x97: {  	s3 =	simm.s32 $_size__tile_overlayer_lowered;
	s4 =	simm.s32 $_tile_overlayer_lowered  }
0x98: {  	s20 =	simm.s32 $0x1BFF;
	s19 =	sshll.u32 s4, $0x1;
	s1 =	sadd.s32 s2, s17  }
0x99: {  	s5 =	simm.s32 $0x0;
	s18 =	sshll.u32 s3, $0x1;
	s3 =	sadd.s32 s19, s1  }
0x9a: {  	[timem:s5], [sflag:s20] =	dma.local [hbm:s3], s18  }
0x9b: {  	_ =	swait.ge [sflag:s20], s18  }
0x9c: {  	s2 =	ssub.s32 $0x0, s18;
	[sflag:s20] =	ssyncset.done $0x0  }
0x9d: {  	[sflag:s20] =	ssyncadd.s32 s2;
	_ =	sdelay $0x1  }
0x9e: {  	s21 =	simm.s32 $0x1B8B  }
0x9f: {  	_ =	swait.ge [sflag:s21], $0x1  }
0xa0: {  	[sflag:s21] =	ssyncset.done $0x0  }
0xa1: {  	s23 =	simm.s32 $0x1B8E;
	s22 =	sld [smem:$0x3FFE];
	[sflag:s21] =	ssyncadd.s32 $0xFFFFFFFF  }
0xa2: {  	s24 =	simm.s32 $execute0_lowered;
	[smem:$0x3FD2] =	sst s23  }
0xa3: {  	s3 =	sshll.u32 s24, $0x1;
	_ =	strace $0x80000046;
	[dreg:$0x1] =	wrdreg $0xFFFFFFFF  }
0xa4: {  	s25 =	simm.s32 $_size_execute0_lowered;
	s1 =	sadd.s32 s1, s3;
	[dreg:$0x0] =	wrdreg $0x0  }
0xa5: {  	s3 =	sshll.u32 s25, $0x1;
	[dreg:$0x2] =	wrdreg s1  }
0xa6: {  	[dreg:$0x3] =	wrdreg s3  }
0xa7: {  	[dreg:$0x4] =	wrdreg $0xC0  }
0xa8: {  	_ =	task [dreg:s5], $0x5FFFF  }
0xa9: {  	[dreg:$0x1] =	wrdreg $0xFFFFFFFF  }
0xaa: {  	[dreg:$0x0] =	wrdreg $0x60  }
0xab: {  	[dreg:$0x2] =	wrdreg s0  }
0xac: {  	[dreg:$0x3] =	wrdreg s22  }
0xad: {  	[dreg:$0x4] =	wrdreg $0x9  }
0xae: {  	_ =	task.clear_ibuf [dreg:s5], $0x5FFFF;
	_ =	strace $0x90000046  }
0xaf: {  	s26 =	simm.s32 $0x9;
	_ =	strace $0x80000048  }
0xb0: {  	_ =	swait.ge [sflag:s26], $0x1  }
0xb1: {  	[sflag:s26] =	ssyncadd.s32 $0xFFFFFFFF  }
0xb2: {  	_ =	strace $0x90000048  }
0xb3: {  	_ =	sfence  }
0xb4: {  	s28 =	sld [smem:$0x0];
	_ =	sdelay $0x1  }
0xb5: {  	s29 =	srdreg.scid  }
0xb6: {  	s30 =	sshll.u32 s29, $0xD;
	s31 =	sshrl.u32 s29, $0x2  }
0xb7: {  	s2 =	sand.u32 $0x4000, s30;
	s1 =	sand.u32 $0x1, s29;
	s0 =	sadd.s32 s31, s28  }
0xb8: {  	s1 =	sor.u32 s2, s1;
	s0 =	sshll.u32 s0, $0x11  }
0xb9: {  	s0 =	sor.u32 s0, s1  }
0xba: {  	s0 =	sadd.s32 $0x8F2B, s0  }
0xbb: {  	[sflag:s0] =	ssyncadd.remote.s32 $0x1  }
0xbc: {  	_ =	sfence.sel $0xFFFF  }
0xbd: {  	[dreg:$0x0] =	wrdreg $0xFFFFFFFF;
	(pc) =	sbr.abs _section_cstart, $3  }
0xbe: {  	[dreg:$0x1] =	wrdreg $0xFFFFFFFF  }
0xbf: {  	_ =	task.clear_ibuf [dreg:s5], $0x2FFFF;
	_ =	strace $0x9FFFFFFF  }
0xc0: {  	(tm) =	ssettm $0x7FFFFFFF  }
0xc1: {  	_ =	shalt  }
tec
execute0_lowered:
.L_overlay_start_1:
0x0: {  	(tag) =	ssettag $0x1  }
0x1: {  	s4 =	rddreg [dreg:$0x0]  }
0x2: {  	s3 =	rddreg [dreg:$0x1]  }
0x3: {  	s0 =	rddreg [dreg:$0x2];
	s2 =	simm.s32 $0x0;
	s1 =	stileid.u32  }
0x4: {  	s6 =	simm.s32 $0x400;
	[smem:$0x7FF] =	sst s2;
	s5 =	sshll.u32 s1, $0x10  }
0x5: {  	s14 =	simm.s32 $0x8000;
	v0 =	vlaneseq.u32;
	_ =	strace $0x80000047;
	s7 =	sadd.s32 s4, s5  }
0x6: {  	v0 =	vmul.u32 $0x80, v0;
	[tilespmem:s2], [sflag:$0x1] =	stream.strided.gather [hbm4b:s7+s6], $0x4000, s14, s6, $0x38;
	[tilespmem:$0xC000] =	vst v63  }
0x7: {  	s15 =	simm.s32 $0x4000;
	s16 =	simm.s32 $0x1;
	s8 =	sadd.s32 $0x100, s7  }
0x8: {  	[tilespmem:s15], [sflag:$0x2] =	stream.strided.gather [hbm4b:s8+s6], $0x4000, s14, s6, $0x38;
	[tilespmem:$0xC000] =	vst v63  }
0x9: {  	_ =	swait.ge [sflag:s16], $0x4000  }
0xa: {  	[sflag:s16] =	ssyncset.done $0x0  }
0xb: {  	[sflag:s16] =	ssyncadd.s32 $0xFFFFC000  }
0xc: {  	v2 =	vld.idx.msk [tilespmem:v0+s2+$0x0], $0xffff  }
0xd: {  	v1 =	vor.u32 $0x800, v0;
	_ =	sdelay $0x3  }
0xe: {  	[tilespmem:v0+s14+$0x0] =	vst.idx.msk $0xffff, v2  }
0xf: {  	v3 =	vld.idx.msk [tilespmem:v1+s2+$0x0], $0xffff  }
0x10: {  	v2 =	vor.u32 $0x1000, v0;
	_ =	sdelay $0x3  }
0x11: {  	[tilespmem:v1+s14+$0x0] =	vst.idx.msk $0xffff, v3  }
0x12: {  	v4 =	vld.idx.msk [tilespmem:v2+s2+$0x0], $0xffff  }
0x13: {  	v3 =	vor.u32 $0x1800, v0;
	_ =	sdelay $0x3  }
0x14: {  	[tilespmem:v2+s14+$0x0] =	vst.idx.msk $0xffff, v4  }
0x15: {  	v5 =	vld.idx.msk [tilespmem:v3+s2+$0x0], $0xffff  }
0x16: {  	v4 =	vor.u32 $0x2000, v0;
	_ =	sdelay $0x3  }
0x17: {  	[tilespmem:v3+s14+$0x0] =	vst.idx.msk $0xffff, v5  }
0x18: {  	v6 =	vld.idx.msk [tilespmem:v4+s2+$0x0], $0xffff  }
0x19: {  	v5 =	vor.u32 $0x2800, v0;
	_ =	sdelay $0x3  }
0x1a: {  	[tilespmem:v4+s14+$0x0] =	vst.idx.msk $0xffff, v6  }
0x1b: {  	v7 =	vld.idx.msk [tilespmem:v5+s2+$0x0], $0xffff  }
0x1c: {  	v6 =	vor.u32 $0x3000, v0;
	_ =	sdelay $0x3  }
0x1d: {  	[tilespmem:v5+s14+$0x0] =	vst.idx.msk $0xffff, v7  }
0x1e: {  	v8 =	vld.idx.msk [tilespmem:v6+s2+$0x0], $0xffff  }
0x1f: {  	v7 =	vor.u32 $0x3800, v0;
	_ =	sdelay $0x3  }
0x20: {  	[tilespmem:v6+s14+$0x0] =	vst.idx.msk $0xffff, v8  }
0x21: {  	v8 =	vld.idx.msk [tilespmem:v7+s2+$0x0], $0xffff;
	_ =	sdelay $0x4  }
0x22: {  	s17 =	simm.s32 $0x2;
	s9 =	sadd.s32 $0x200, s7;
	[tilespmem:v7+s14+$0x0] =	vst.idx.msk $0xffff, v8  }
0x23: {  	[tilespmem:s2], [sflag:$0x1] =	stream.strided.gather [hbm4b:s9+s6], $0x4000, s14, s6, $0x38;
	[tilespmem:$0xC000] =	vst v63  }
0x24: {  	_ =	swait.ge [sflag:s17], $0x4000  }
0x25: {  	[sflag:s17] =	ssyncset.done $0x0  }
0x26: {  	[sflag:s17] =	ssyncadd.s32 $0xFFFFC000  }
0x27: {  	v9 =	vor.u32 $0x1, v0;
	v35 =	vld.idx.msk [tilespmem:v0+s15+$0x0], $0xffff;
	_ =	sdelay $0x4  }
0x28: {  	[tilespmem:v9+s14+$0x0] =	vst.idx.msk $0xffff, v35  }
0x29: {  	v36 =	vor.u32 $0x801, v0;
	v8 =	vld.idx.msk [tilespmem:v1+s15+$0x0], $0xffff;
	_ =	sdelay $0x4  }
0x2a: {  	[tilespmem:v36+s14+$0x0] =	vst.idx.msk $0xffff, v8  }
0x2b: {  	v37 =	vor.u32 $0x1001, v0;
	v8 =	vld.idx.msk [tilespmem:v2+s15+$0x0], $0xffff;
	_ =	sdelay $0x4  }
0x2c: {  	[tilespmem:v37+s14+$0x0] =	vst.idx.msk $0xffff, v8  }
0x2d: {  	v38 =	vor.u32 $0x1801, v0;
	v8 =	vld.idx.msk [tilespmem:v3+s15+$0x0], $0xffff;
	_ =	sdelay $0x4  }
0x2e: {  	[tilespmem:v38+s14+$0x0] =	vst.idx.msk $0xffff, v8  }
0x2f: {  	v39 =	vor.u32 $0x2001, v0;
	v8 =	vld.idx.msk [tilespmem:v4+s15+$0x0], $0xffff;
	_ =	sdelay $0x4  }
0x30: {  	[tilespmem:v39+s14+$0x0] =	vst.idx.msk $0xffff, v8  }
0x31: {  	v40 =	vor.u32 $0x2801, v0;
	v8 =	vld.idx.msk [tilespmem:v5+s15+$0x0], $0xffff;
	_ =	sdelay $0x4  }
0x32: {  	[tilespmem:v40+s14+$0x0] =	vst.idx.msk $0xffff, v8  }
0x33: {  	v41 =	vor.u32 $0x3001, v0;
	v8 =	vld.idx.msk [tilespmem:v6+s15+$0x0], $0xffff;
	_ =	sdelay $0x4  }
0x34: {  	[tilespmem:v41+s14+$0x0] =	vst.idx.msk $0xffff, v8  }
0x35: {  	v42 =	vor.u32 $0x3801, v0;
	v8 =	vld.idx.msk [tilespmem:v7+s15+$0x0], $0xffff;
	_ =	sdelay $0x4  }
0x36: {  	s10 =	sadd.s32 $0x300, s7;
	[tilespmem:v42+s14+$0x0] =	vst.idx.msk $0xffff, v8  }
0x37: {  	[tilespmem:s15], [sflag:$0x2] =	stream.strided.gather [hbm4b:s10+s6], $0x4000, s14, s6, $0x38;
	[tilespmem:$0xC000] =	vst v63  }
0x38: {  	_ =	swait.ge [sflag:s16], $0x4000  }
0x39: {  	[sflag:s16] =	ssyncset.done $0x0  }
0x3a: {  	[sflag:s16] =	ssyncadd.s32 $0xFFFFC000  }
0x3b: {  	v44 =	vor.u32 $0x2, v0;
	v43 =	vld.idx.msk [tilespmem:v0+s2+$0x0], $0xffff;
	_ =	sdelay $0x4  }
0x3c: {  	[tilespmem:v44+s14+$0x0] =	vst.idx.msk $0xffff, v43  }
0x3d: {  	v45 =	vor.u32 $0x802, v0;
	v8 =	vld.idx.msk [tilespmem:v1+s2+$0x0], $0xffff;
	_ =	sdelay $0x4  }
0x3e: {  	[tilespmem:v45+s14+$0x0] =	vst.idx.msk $0xffff, v8  }
0x3f: {  	v46 =	vor.u32 $0x1002, v0;
	v8 =	vld.idx.msk [tilespmem:v2+s2+$0x0], $0xffff;
	_ =	sdelay $0x4  }
0x40: {  	[tilespmem:v46+s14+$0x0] =	vst.idx.msk $0xffff, v8  }
0x41: {  	v47 =	vor.u32 $0x1802, v0;
	v8 =	vld.idx.msk [tilespmem:v3+s2+$0x0], $0xffff;
	_ =	sdelay $0x4  }
0x42: {  	[tilespmem:v47+s14+$0x0] =	vst.idx.msk $0xffff, v8  }
0x43: {  	v48 =	vor.u32 $0x2002, v0;
	v8 =	vld.idx.msk [tilespmem:v4+s2+$0x0], $0xffff;
	_ =	sdelay $0x4  }
0x44: {  	[tilespmem:v48+s14+$0x0] =	vst.idx.msk $0xffff, v8  }
0x45: {  	v49 =	vor.u32 $0x2802, v0;
	v8 =	vld.idx.msk [tilespmem:v5+s2+$0x0], $0xffff;
	_ =	sdelay $0x4  }
0x46: {  	[tilespmem:v49+s14+$0x0] =	vst.idx.msk $0xffff, v8  }
0x47: {  	v50 =	vor.u32 $0x3002, v0;
	v8 =	vld.idx.msk [tilespmem:v6+s2+$0x0], $0xffff;
	_ =	sdelay $0x4  }
0x48: {  	[tilespmem:v50+s14+$0x0] =	vst.idx.msk $0xffff, v8  }
0x49: {  	v51 =	vor.u32 $0x3802, v0;
	v8 =	vld.idx.msk [tilespmem:v7+s2+$0x0], $0xffff;
	_ =	sdelay $0x4  }
0x4a: {  	s18 =	sadd.s32 $0x400, s7;
	[tilespmem:v51+s14+$0x0] =	vst.idx.msk $0xffff, v8  }
0x4b: {  	[tilespmem:s2], [sflag:$0x1] =	stream.strided.gather [hbm4b:s18+s6], $0x4000, s14, s6, $0x38;
	[tilespmem:$0xC000] =	vst v63  }
0x4c: {  	_ =	swait.ge [sflag:s17], $0x4000  }
0x4d: {  	[sflag:s17] =	ssyncset.done $0x0  }
0x4e: {  	[sflag:s17] =	ssyncadd.s32 $0xFFFFC000  }
0x4f: {  	v53 =	vor.u32 $0x3, v0;
	v52 =	vld.idx.msk [tilespmem:v0+s15+$0x0], $0xffff;
	_ =	sdelay $0x4  }
0x50: {  	[tilespmem:v53+s14+$0x0] =	vst.idx.msk $0xffff, v52  }
0x51: {  	v54 =	vor.u32 $0x803, v0;
	v8 =	vld.idx.msk [tilespmem:v1+s15+$0x0], $0xffff;
	_ =	sdelay $0x4  }
0x52: {  	[tilespmem:v54+s14+$0x0] =	vst.idx.msk $0xffff, v8  }
0x53: {  	v55 =	vor.u32 $0x1003, v0;
	v8 =	vld.idx.msk [tilespmem:v2+s15+$0x0], $0xffff;
	_ =	sdelay $0x4  }
0x54: {  	[tilespmem:v55+s14+$0x0] =	vst.idx.msk $0xffff, v8  }
0x55: {  	v56 =	vor.u32 $0x1803, v0;
	v8 =	vld.idx.msk [tilespmem:v3+s15+$0x0], $0xffff;
	_ =	sdelay $0x4  }
0x56: {  	[tilespmem:v56+s14+$0x0] =	vst.idx.msk $0xffff, v8  }
0x57: {  	v57 =	vor.u32 $0x2003, v0;
	v8 =	vld.idx.msk [tilespmem:v4+s15+$0x0], $0xffff;
	_ =	sdelay $0x4  }
0x58: {  	[tilespmem:v57+s14+$0x0] =	vst.idx.msk $0xffff, v8  }
0x59: {  	v58 =	vor.u32 $0x2803, v0;
	v8 =	vld.idx.msk [tilespmem:v5+s15+$0x0], $0xffff;
	_ =	sdelay $0x4  }
0x5a: {  	[tilespmem:v58+s14+$0x0] =	vst.idx.msk $0xffff, v8  }
0x5b: {  	v59 =	vor.u32 $0x3003, v0;
	v8 =	vld.idx.msk [tilespmem:v6+s15+$0x0], $0xffff;
	_ =	sdelay $0x4  }
0x5c: {  	[tilespmem:v59+s14+$0x0] =	vst.idx.msk $0xffff, v8  }
0x5d: {  	v60 =	vor.u32 $0x3803, v0;
	v8 =	vld.idx.msk [tilespmem:v7+s15+$0x0], $0xffff;
	_ =	sdelay $0x4  }
0x5e: {  	s19 =	sadd.s32 $0x500, s7;
	[tilespmem:v60+s14+$0x0] =	vst.idx.msk $0xffff, v8  }
0x5f: {  	[tilespmem:s15], [sflag:$0x2] =	stream.strided.gather [hbm4b:s19+s6], $0x4000, s14, s6, $0x38;
	[tilespmem:$0xC000] =	vst v63  }
0x60: {  	_ =	swait.ge [sflag:s16], $0x4000  }
0x61: {  	[sflag:s16] =	ssyncset.done $0x0  }
0x62: {  	[sflag:s16] =	ssyncadd.s32 $0xFFFFC000  }
0x63: {  	v62 =	vor.u32 $0x4, v0;
	v61 =	vld.idx.msk [tilespmem:v0+s2+$0x0], $0xffff;
	_ =	sdelay $0x4  }
0x64: {  	[tilespmem:v62+s14+$0x0] =	vst.idx.msk $0xffff, v61  }
0x65: {  	v63 =	vor.u32 $0x804, v0;
	v8 =	vld.idx.msk [tilespmem:v1+s2+$0x0], $0xffff;
	_ =	sdelay $0x4  }
0x66: {  	[tilespmem:v63+s14+$0x0] =	vst.idx.msk $0xffff, v8  }
0x67: {  	v12 =	vor.u32 $0x1004, v0;
	v8 =	vld.idx.msk [tilespmem:v2+s2+$0x0], $0xffff;
	_ =	sdelay $0x4  }
0x68: {  	[tilespmem:v12+s14+$0x0] =	vst.idx.msk $0xffff, v8  }
0x69: {  	v13 =	vor.u32 $0x1804, v0;
	v8 =	vld.idx.msk [tilespmem:v3+s2+$0x0], $0xffff;
	_ =	sdelay $0x4  }
0x6a: {  	[tilespmem:v13+s14+$0x0] =	vst.idx.msk $0xffff, v8  }
0x6b: {  	v14 =	vor.u32 $0x2004, v0;
	v8 =	vld.idx.msk [tilespmem:v4+s2+$0x0], $0xffff;
	_ =	sdelay $0x4  }
0x6c: {  	[tilespmem:v14+s14+$0x0] =	vst.idx.msk $0xffff, v8  }
0x6d: {  	v15 =	vor.u32 $0x2804, v0;
	v8 =	vld.idx.msk [tilespmem:v5+s2+$0x0], $0xffff;
	_ =	sdelay $0x4  }
0x6e: {  	[tilespmem:v15+s14+$0x0] =	vst.idx.msk $0xffff, v8  }
0x6f: {  	v16 =	vor.u32 $0x3004, v0;
	v8 =	vld.idx.msk [tilespmem:v6+s2+$0x0], $0xffff;
	_ =	sdelay $0x4  }
0x70: {  	[tilespmem:v16+s14+$0x0] =	vst.idx.msk $0xffff, v8  }
0x71: {  	v17 =	vor.u32 $0x3804, v0;
	v8 =	vld.idx.msk [tilespmem:v7+s2+$0x0], $0xffff;
	_ =	sdelay $0x4  }
0x72: {  	s20 =	sadd.s32 $0x600, s7;
	[tilespmem:v17+s14+$0x0] =	vst.idx.msk $0xffff, v8  }
0x73: {  	[tilespmem:s2], [sflag:$0x1] =	stream.strided.gather [hbm4b:s20+s6], $0x4000, s14, s6, $0x38;
	[tilespmem:$0xC000] =	vst v63  }
0x74: {  	_ =	swait.ge [sflag:s17], $0x4000  }
0x75: {  	[sflag:s17] =	ssyncset.done $0x0  }
0x76: {  	[sflag:s17] =	ssyncadd.s32 $0xFFFFC000  }
0x77: {  	v19 =	vor.u32 $0x5, v0;
	v18 =	vld.idx.msk [tilespmem:v0+s15+$0x0], $0xffff;
	_ =	sdelay $0x4  }
0x78: {  	[tilespmem:v19+s14+$0x0] =	vst.idx.msk $0xffff, v18  }
0x79: {  	v20 =	vor.u32 $0x805, v0;
	v8 =	vld.idx.msk [tilespmem:v1+s15+$0x0], $0xffff;
	_ =	sdelay $0x4  }
0x7a: {  	[tilespmem:v20+s14+$0x0] =	vst.idx.msk $0xffff, v8  }
0x7b: {  	v21 =	vor.u32 $0x1005, v0;
	v8 =	vld.idx.msk [tilespmem:v2+s15+$0x0], $0xffff;
	_ =	sdelay $0x4  }
0x7c: {  	[tilespmem:v21+s14+$0x0] =	vst.idx.msk $0xffff, v8  }
0x7d: {  	v22 =	vor.u32 $0x1805, v0;
	v8 =	vld.idx.msk [tilespmem:v3+s15+$0x0], $0xffff;
	_ =	sdelay $0x4  }
0x7e: {  	[tilespmem:v22+s14+$0x0] =	vst.idx.msk $0xffff, v8  }
0x7f: {  	v23 =	vor.u32 $0x2005, v0;
	v8 =	vld.idx.msk [tilespmem:v4+s15+$0x0], $0xffff;
	_ =	sdelay $0x4  }
0x80: {  	[tilespmem:v23+s14+$0x0] =	vst.idx.msk $0xffff, v8  }
0x81: {  	v24 =	vor.u32 $0x2805, v0;
	v8 =	vld.idx.msk [tilespmem:v5+s15+$0x0], $0xffff;
	_ =	sdelay $0x4  }
0x82: {  	[tilespmem:v24+s14+$0x0] =	vst.idx.msk $0xffff, v8  }
0x83: {  	v25 =	vor.u32 $0x3005, v0;
	v8 =	vld.idx.msk [tilespmem:v6+s15+$0x0], $0xffff;
	_ =	sdelay $0x4  }
0x84: {  	[tilespmem:v25+s14+$0x0] =	vst.idx.msk $0xffff, v8  }
0x85: {  	v26 =	vor.u32 $0x3805, v0;
	v8 =	vld.idx.msk [tilespmem:v7+s15+$0x0], $0xffff;
	_ =	sdelay $0x4  }
0x86: {  	s21 =	sadd.s32 $0x700, s7;
	[tilespmem:v26+s14+$0x0] =	vst.idx.msk $0xffff, v8  }
0x87: {  	[tilespmem:s15], [sflag:$0x2] =	stream.strided.gather [hbm4b:s21+s6], $0x4000, s14, s6, $0x38;
	[tilespmem:$0xC000] =	vst v63  }
0x88: {  	_ =	swait.ge [sflag:s16], $0x4000  }
0x89: {  	[sflag:s16] =	ssyncset.done $0x0  }
0x8a: {  	[sflag:s16] =	ssyncadd.s32 $0xFFFFC000  }
0x8b: {  	v28 =	vor.u32 $0x6, v0;
	v27 =	vld.idx.msk [tilespmem:v0+s2+$0x0], $0xffff;
	_ =	sdelay $0x4  }
0x8c: {  	[tilespmem:v28+s14+$0x0] =	vst.idx.msk $0xffff, v27  }
0x8d: {  	v29 =	vor.u32 $0x806, v0;
	v8 =	vld.idx.msk [tilespmem:v1+s2+$0x0], $0xffff;
	_ =	sdelay $0x4  }
0x8e: {  	[tilespmem:v29+s14+$0x0] =	vst.idx.msk $0xffff, v8  }
0x8f: {  	v30 =	vor.u32 $0x1006, v0;
	v8 =	vld.idx.msk [tilespmem:v2+s2+$0x0], $0xffff;
	_ =	sdelay $0x4  }
0x90: {  	[tilespmem:v30+s14+$0x0] =	vst.idx.msk $0xffff, v8  }
0x91: {  	v31 =	vor.u32 $0x1806, v0;
	v8 =	vld.idx.msk [tilespmem:v3+s2+$0x0], $0xffff;
	_ =	sdelay $0x4  }
0x92: {  	[tilespmem:v31+s14+$0x0] =	vst.idx.msk $0xffff, v8  }
0x93: {  	v32 =	vor.u32 $0x2006, v0;
	v8 =	vld.idx.msk [tilespmem:v4+s2+$0x0], $0xffff;
	_ =	sdelay $0x4  }
0x94: {  	[tilespmem:v32+s14+$0x0] =	vst.idx.msk $0xffff, v8  }
0x95: {  	v33 =	vor.u32 $0x2806, v0;
	v8 =	vld.idx.msk [tilespmem:v5+s2+$0x0], $0xffff;
	_ =	sdelay $0x4  }
0x96: {  	[tilespmem:v33+s14+$0x0] =	vst.idx.msk $0xffff, v8  }
0x97: {  	v34 =	vor.u32 $0x3006, v0;
	v8 =	vld.idx.msk [tilespmem:v6+s2+$0x0], $0xffff;
	_ =	sdelay $0x4  }
0x98: {  	[tilespmem:v34+s14+$0x0] =	vst.idx.msk $0xffff, v8  }
0x99: {  	v35 =	vor.u32 $0x3806, v0;
	v8 =	vld.idx.msk [tilespmem:v7+s2+$0x0], $0xffff;
	_ =	sdelay $0x4  }
0x9a: {  	s22 =	sadd.s32 $0x800, s7;
	[tilespmem:v35+s14+$0x0] =	vst.idx.msk $0xffff, v8  }
0x9b: {  	[tilespmem:s2], [sflag:$0x1] =	stream.strided.gather [hbm4b:s22+s6], $0x4000, s14, s6, $0x38;
	[tilespmem:$0xC000] =	vst v63  }
0x9c: {  	_ =	swait.ge [sflag:s17], $0x4000  }
0x9d: {  	[sflag:s17] =	ssyncset.done $0x0  }
0x9e: {  	[sflag:s17] =	ssyncadd.s32 $0xFFFFC000  }
0x9f: {  	v37 =	vor.u32 $0x7, v0;
	v36 =	vld.idx.msk [tilespmem:v0+s15+$0x0], $0xffff;
	_ =	sdelay $0x4  }
0xa0: {  	[tilespmem:v37+s14+$0x0] =	vst.idx.msk $0xffff, v36  }
0xa1: {  	v38 =	vor.u32 $0x807, v0;
	v8 =	vld.idx.msk [tilespmem:v1+s15+$0x0], $0xffff;
	_ =	sdelay $0x4  }
0xa2: {  	[tilespmem:v38+s14+$0x0] =	vst.idx.msk $0xffff, v8  }
0xa3: {  	v39 =	vor.u32 $0x1007, v0;
	v8 =	vld.idx.msk [tilespmem:v2+s15+$0x0], $0xffff;
	_ =	sdelay $0x4  }
0xa4: {  	[tilespmem:v39+s14+$0x0] =	vst.idx.msk $0xffff, v8  }
0xa5: {  	v40 =	vor.u32 $0x1807, v0;
	v8 =	vld.idx.msk [tilespmem:v3+s15+$0x0], $0xffff;
	_ =	sdelay $0x4  }
0xa6: {  	[tilespmem:v40+s14+$0x0] =	vst.idx.msk $0xffff, v8  }
0xa7: {  	v41 =	vor.u32 $0x2007, v0;
	v8 =	vld.idx.msk [tilespmem:v4+s15+$0x0], $0xffff;
	_ =	sdelay $0x4  }
0xa8: {  	[tilespmem:v41+s14+$0x0] =	vst.idx.msk $0xffff, v8  }
0xa9: {  	v42 =	vor.u32 $0x2807, v0;
	v8 =	vld.idx.msk [tilespmem:v5+s15+$0x0], $0xffff;
	_ =	sdelay $0x4  }
0xaa: {  	[tilespmem:v42+s14+$0x0] =	vst.idx.msk $0xffff, v8  }
0xab: {  	v43 =	vor.u32 $0x3007, v0;
	v8 =	vld.idx.msk [tilespmem:v6+s15+$0x0], $0xffff;
	_ =	sdelay $0x4  }
0xac: {  	[tilespmem:v43+s14+$0x0] =	vst.idx.msk $0xffff, v8  }
0xad: {  	v44 =	vor.u32 $0x3807, v0;
	v8 =	vld.idx.msk [tilespmem:v7+s15+$0x0], $0xffff;
	_ =	sdelay $0x4  }
0xae: {  	s23 =	sadd.s32 $0x900, s7;
	[tilespmem:v44+s14+$0x0] =	vst.idx.msk $0xffff, v8  }
0xaf: {  	[tilespmem:s15], [sflag:$0x2] =	stream.strided.gather [hbm4b:s23+s6], $0x4000, s14, s6, $0x38;
	[tilespmem:$0xC000] =	vst v63  }
0xb0: {  	_ =	swait.ge [sflag:s16], $0x4000  }
0xb1: {  	[sflag:s16] =	ssyncset.done $0x0  }
0xb2: {  	[sflag:s16] =	ssyncadd.s32 $0xFFFFC000  }
0xb3: {  	v46 =	vor.u32 $0x8, v0;
	v45 =	vld.idx.msk [tilespmem:v0+s2+$0x0], $0xffff;
	_ =	sdelay $0x4  }
0xb4: {  	[tilespmem:v46+s14+$0x0] =	vst.idx.msk $0xffff, v45  }
0xb5: {  	v47 =	vor.u32 $0x808, v0;
	v8 =	vld.idx.msk [tilespmem:v1+s2+$0x0], $0xffff;
	_ =	sdelay $0x4  }
0xb6: {  	[tilespmem:v47+s14+$0x0] =	vst.idx.msk $0xffff, v8  }
0xb7: {  	v48 =	vor.u32 $0x1008, v0;
	v8 =	vld.idx.msk [tilespmem:v2+s2+$0x0], $0xffff;
	_ =	sdelay $0x4  }
0xb8: {  	[tilespmem:v48+s14+$0x0] =	vst.idx.msk $0xffff, v8  }
0xb9: {  	v49 =	vor.u32 $0x1808, v0;
	v8 =	vld.idx.msk [tilespmem:v3+s2+$0x0], $0xffff;
	_ =	sdelay $0x4  }
0xba: {  	[tilespmem:v49+s14+$0x0] =	vst.idx.msk $0xffff, v8  }
0xbb: {  	v50 =	vor.u32 $0x2008, v0;
	v8 =	vld.idx.msk [tilespmem:v4+s2+$0x0], $0xffff;
	_ =	sdelay $0x4  }
0xbc: {  	[tilespmem:v50+s14+$0x0] =	vst.idx.msk $0xffff, v8  }
0xbd: {  	v51 =	vor.u32 $0x2808, v0;
	v8 =	vld.idx.msk [tilespmem:v5+s2+$0x0], $0xffff;
	_ =	sdelay $0x4  }
0xbe: {  	[tilespmem:v51+s14+$0x0] =	vst.idx.msk $0xffff, v8  }
0xbf: {  	v52 =	vor.u32 $0x3008, v0;
	v8 =	vld.idx.msk [tilespmem:v6+s2+$0x0], $0xffff;
	_ =	sdelay $0x4  }
0xc0: {  	[tilespmem:v52+s14+$0x0] =	vst.idx.msk $0xffff, v8  }
0xc1: {  	v53 =	vor.u32 $0x3808, v0;
	v8 =	vld.idx.msk [tilespmem:v7+s2+$0x0], $0xffff;
	_ =	sdelay $0x4  }
0xc2: {  	s24 =	sadd.s32 $0xA00, s7;
	[tilespmem:v53+s14+$0x0] =	vst.idx.msk $0xffff, v8  }
0xc3: {  	[tilespmem:s2], [sflag:$0x1] =	stream.strided.gather [hbm4b:s24+s6], $0x4000, s14, s6, $0x38;
	[tilespmem:$0xC000] =	vst v63  }
0xc4: {  	_ =	swait.ge [sflag:s17], $0x4000  }
0xc5: {  	[sflag:s17] =	ssyncset.done $0x0  }
0xc6: {  	[sflag:s17] =	ssyncadd.s32 $0xFFFFC000  }
0xc7: {  	v55 =	vor.u32 $0x9, v0;
	v54 =	vld.idx.msk [tilespmem:v0+s15+$0x0], $0xffff;
	_ =	sdelay $0x4  }
0xc8: {  	[tilespmem:v55+s14+$0x0] =	vst.idx.msk $0xffff, v54  }
0xc9: {  	v56 =	vor.u32 $0x809, v0;
	v8 =	vld.idx.msk [tilespmem:v1+s15+$0x0], $0xffff;
	_ =	sdelay $0x4  }
0xca: {  	[tilespmem:v56+s14+$0x0] =	vst.idx.msk $0xffff, v8  }
0xcb: {  	v57 =	vor.u32 $0x1009, v0;
	v8 =	vld.idx.msk [tilespmem:v2+s15+$0x0], $0xffff;
	_ =	sdelay $0x4  }
0xcc: {  	[tilespmem:v57+s14+$0x0] =	vst.idx.msk $0xffff, v8  }
0xcd: {  	v58 =	vor.u32 $0x1809, v0;
	v8 =	vld.idx.msk [tilespmem:v3+s15+$0x0], $0xffff;
	_ =	sdelay $0x4  }
0xce: {  	[tilespmem:v58+s14+$0x0] =	vst.idx.msk $0xffff, v8  }
0xcf: {  	v59 =	vor.u32 $0x2009, v0;
	v8 =	vld.idx.msk [tilespmem:v4+s15+$0x0], $0xffff;
	_ =	sdelay $0x4  }
0xd0: {  	[tilespmem:v59+s14+$0x0] =	vst.idx.msk $0xffff, v8  }
0xd1: {  	v60 =	vor.u32 $0x2809, v0;
	v8 =	vld.idx.msk [tilespmem:v5+s15+$0x0], $0xffff;
	_ =	sdelay $0x4  }
0xd2: {  	[tilespmem:v60+s14+$0x0] =	vst.idx.msk $0xffff, v8  }
0xd3: {  	v61 =	vor.u32 $0x3009, v0;
	v8 =	vld.idx.msk [tilespmem:v6+s15+$0x0], $0xffff;
	_ =	sdelay $0x4  }
0xd4: {  	[tilespmem:v61+s14+$0x0] =	vst.idx.msk $0xffff, v8  }
0xd5: {  	v62 =	vor.u32 $0x3809, v0;
	v8 =	vld.idx.msk [tilespmem:v7+s15+$0x0], $0xffff;
	_ =	sdelay $0x4  }
0xd6: {  	s25 =	sadd.s32 $0xB00, s7;
	[tilespmem:v62+s14+$0x0] =	vst.idx.msk $0xffff, v8  }
0xd7: {  	[tilespmem:s15], [sflag:$0x2] =	stream.strided.gather [hbm4b:s25+s6], $0x4000, s14, s6, $0x38;
	[tilespmem:$0xC000] =	vst v63  }
0xd8: {  	_ =	swait.ge [sflag:s16], $0x4000  }
0xd9: {  	[sflag:s16] =	ssyncset.done $0x0  }
0xda: {  	[sflag:s16] =	ssyncadd.s32 $0xFFFFC000  }
0xdb: {  	v12 =	vor.u32 $0xA, v0;
	v63 =	vld.idx.msk [tilespmem:v0+s2+$0x0], $0xffff;
	_ =	sdelay $0x4  }
0xdc: {  	[tilespmem:v12+s14+$0x0] =	vst.idx.msk $0xffff, v63  }
0xdd: {  	v13 =	vor.u32 $0x80A, v0;
	v8 =	vld.idx.msk [tilespmem:v1+s2+$0x0], $0xffff;
	_ =	sdelay $0x4  }
0xde: {  	[tilespmem:v13+s14+$0x0] =	vst.idx.msk $0xffff, v8  }
0xdf: {  	v14 =	vor.u32 $0x100A, v0;
	v8 =	vld.idx.msk [tilespmem:v2+s2+$0x0], $0xffff;
	_ =	sdelay $0x4  }
0xe0: {  	[tilespmem:v14+s14+$0x0] =	vst.idx.msk $0xffff, v8  }
0xe1: {  	v15 =	vor.u32 $0x180A, v0;
	v8 =	vld.idx.msk [tilespmem:v3+s2+$0x0], $0xffff;
	_ =	sdelay $0x4  }
0xe2: {  	[tilespmem:v15+s14+$0x0] =	vst.idx.msk $0xffff, v8  }
0xe3: {  	v16 =	vor.u32 $0x200A, v0;
	v8 =	vld.idx.msk [tilespmem:v4+s2+$0x0], $0xffff;
	_ =	sdelay $0x4  }
0xe4: {  	[tilespmem:v16+s14+$0x0] =	vst.idx.msk $0xffff, v8  }
0xe5: {  	v17 =	vor.u32 $0x280A, v0;
	v8 =	vld.idx.msk [tilespmem:v5+s2+$0x0], $0xffff;
	_ =	sdelay $0x4  }
0xe6: {  	[tilespmem:v17+s14+$0x0] =	vst.idx.msk $0xffff, v8  }
0xe7: {  	v18 =	vor.u32 $0x300A, v0;
	v8 =	vld.idx.msk [tilespmem:v6+s2+$0x0], $0xffff;
	_ =	sdelay $0x4  }
0xe8: {  	[tilespmem:v18+s14+$0x0] =	vst.idx.msk $0xffff, v8  }
0xe9: {  	v19 =	vor.u32 $0x380A, v0;
	v8 =	vld.idx.msk [tilespmem:v7+s2+$0x0], $0xffff;
	_ =	sdelay $0x4  }
0xea: {  	s26 =	sadd.s32 $0xC00, s7;
	[tilespmem:v19+s14+$0x0] =	vst.idx.msk $0xffff, v8  }
0xeb: {  	[tilespmem:s2], [sflag:$0x1] =	stream.strided.gather [hbm4b:s26+s6], $0x4000, s14, s6, $0x38;
	[tilespmem:$0xC000] =	vst v63  }
0xec: {  	_ =	swait.ge [sflag:s17], $0x4000  }
0xed: {  	[sflag:s17] =	ssyncset.done $0x0  }
0xee: {  	[sflag:s17] =	ssyncadd.s32 $0xFFFFC000  }
0xef: {  	v21 =	vor.u32 $0xB, v0;
	v20 =	vld.idx.msk [tilespmem:v0+s15+$0x0], $0xffff;
	_ =	sdelay $0x4  }
0xf0: {  	[tilespmem:v21+s14+$0x0] =	vst.idx.msk $0xffff, v20  }
0xf1: {  	v22 =	vor.u32 $0x80B, v0;
	v8 =	vld.idx.msk [tilespmem:v1+s15+$0x0], $0xffff;
	_ =	sdelay $0x4  }
0xf2: {  	[tilespmem:v22+s14+$0x0] =	vst.idx.msk $0xffff, v8  }
0xf3: {  	v23 =	vor.u32 $0x100B, v0;
	v8 =	vld.idx.msk [tilespmem:v2+s15+$0x0], $0xffff;
	_ =	sdelay $0x4  }
0xf4: {  	[tilespmem:v23+s14+$0x0] =	vst.idx.msk $0xffff, v8  }
0xf5: {  	v24 =	vor.u32 $0x180B, v0;
	v8 =	vld.idx.msk [tilespmem:v3+s15+$0x0], $0xffff;
	_ =	sdelay $0x4  }
0xf6: {  	[tilespmem:v24+s14+$0x0] =	vst.idx.msk $0xffff, v8  }
0xf7: {  	v25 =	vor.u32 $0x200B, v0;
	v8 =	vld.idx.msk [tilespmem:v4+s15+$0x0], $0xffff;
	_ =	sdelay $0x4  }
0xf8: {  	[tilespmem:v25+s14+$0x0] =	vst.idx.msk $0xffff, v8  }
0xf9: {  	v26 =	vor.u32 $0x280B, v0;
	v8 =	vld.idx.msk [tilespmem:v5+s15+$0x0], $0xffff;
	_ =	sdelay $0x4  }
0xfa: {  	[tilespmem:v26+s14+$0x0] =	vst.idx.msk $0xffff, v8  }
0xfb: {  	v27 =	vor.u32 $0x300B, v0;
	v8 =	vld.idx.msk [tilespmem:v6+s15+$0x0], $0xffff;
	_ =	sdelay $0x4  }
0xfc: {  	[tilespmem:v27+s14+$0x0] =	vst.idx.msk $0xffff, v8  }
0xfd: {  	v28 =	vor.u32 $0x380B, v0;
	v8 =	vld.idx.msk [tilespmem:v7+s15+$0x0], $0xffff;
	_ =	sdelay $0x4  }
0xfe: {  	s28 =	sadd.s32 $0xD00, s7;
	[tilespmem:v28+s14+$0x0] =	vst.idx.msk $0xffff, v8  }
0xff: {  	[tilespmem:s15], [sflag:$0x2] =	stream.strided.gather [hbm4b:s28+s6], $0x4000, s14, s6, $0x38;
	[tilespmem:$0xC000] =	vst v63  }
0x100: {  	_ =	swait.ge [sflag:s16], $0x4000  }
0x101: {  	[sflag:s16] =	ssyncset.done $0x0  }
0x102: {  	[sflag:s16] =	ssyncadd.s32 $0xFFFFC000  }
0x103: {  	v30 =	vor.u32 $0xC, v0;
	v29 =	vld.idx.msk [tilespmem:v0+s2+$0x0], $0xffff;
	_ =	sdelay $0x4  }
0x104: {  	[tilespmem:v30+s14+$0x0] =	vst.idx.msk $0xffff, v29  }
0x105: {  	v31 =	vor.u32 $0x80C, v0;
	v8 =	vld.idx.msk [tilespmem:v1+s2+$0x0], $0xffff;
	_ =	sdelay $0x4  }
0x106: {  	[tilespmem:v31+s14+$0x0] =	vst.idx.msk $0xffff, v8  }
0x107: {  	v32 =	vor.u32 $0x100C, v0;
	v8 =	vld.idx.msk [tilespmem:v2+s2+$0x0], $0xffff;
	_ =	sdelay $0x4  }
0x108: {  	[tilespmem:v32+s14+$0x0] =	vst.idx.msk $0xffff, v8  }
0x109: {  	v33 =	vor.u32 $0x180C, v0;
	v8 =	vld.idx.msk [tilespmem:v3+s2+$0x0], $0xffff;
	_ =	sdelay $0x4  }
0x10a: {  	[tilespmem:v33+s14+$0x0] =	vst.idx.msk $0xffff, v8  }
0x10b: {  	v34 =	vor.u32 $0x200C, v0;
	v8 =	vld.idx.msk [tilespmem:v4+s2+$0x0], $0xffff;
	_ =	sdelay $0x4  }
0x10c: {  	[tilespmem:v34+s14+$0x0] =	vst.idx.msk $0xffff, v8  }
0x10d: {  	v35 =	vor.u32 $0x280C, v0;
	v8 =	vld.idx.msk [tilespmem:v5+s2+$0x0], $0xffff;
	_ =	sdelay $0x4  }
0x10e: {  	[tilespmem:v35+s14+$0x0] =	vst.idx.msk $0xffff, v8  }
0x10f: {  	v36 =	vor.u32 $0x300C, v0;
	v8 =	vld.idx.msk [tilespmem:v6+s2+$0x0], $0xffff;
	_ =	sdelay $0x4  }
0x110: {  	[tilespmem:v36+s14+$0x0] =	vst.idx.msk $0xffff, v8  }
0x111: {  	v37 =	vor.u32 $0x380C, v0;
	v8 =	vld.idx.msk [tilespmem:v7+s2+$0x0], $0xffff;
	_ =	sdelay $0x4  }
0x112: {  	s29 =	sadd.s32 $0xE00, s7;
	[tilespmem:v37+s14+$0x0] =	vst.idx.msk $0xffff, v8  }
0x113: {  	[tilespmem:s2], [sflag:$0x1] =	stream.strided.gather [hbm4b:s29+s6], $0x4000, s14, s6, $0x38;
	[tilespmem:$0xC000] =	vst v63  }
0x114: {  	_ =	swait.ge [sflag:s17], $0x4000  }
0x115: {  	[sflag:s17] =	ssyncset.done $0x0  }
0x116: {  	[sflag:s17] =	ssyncadd.s32 $0xFFFFC000  }
0x117: {  	v39 =	vor.u32 $0xD, v0;
	v38 =	vld.idx.msk [tilespmem:v0+s15+$0x0], $0xffff;
	_ =	sdelay $0x4  }
0x118: {  	[tilespmem:v39+s14+$0x0] =	vst.idx.msk $0xffff, v38  }
0x119: {  	v40 =	vor.u32 $0x80D, v0;
	v8 =	vld.idx.msk [tilespmem:v1+s15+$0x0], $0xffff;
	_ =	sdelay $0x4  }
0x11a: {  	[tilespmem:v40+s14+$0x0] =	vst.idx.msk $0xffff, v8  }
0x11b: {  	v41 =	vor.u32 $0x100D, v0;
	v8 =	vld.idx.msk [tilespmem:v2+s15+$0x0], $0xffff;
	_ =	sdelay $0x4  }
0x11c: {  	[tilespmem:v41+s14+$0x0] =	vst.idx.msk $0xffff, v8  }
0x11d: {  	v42 =	vor.u32 $0x180D, v0;
	v8 =	vld.idx.msk [tilespmem:v3+s15+$0x0], $0xffff;
	_ =	sdelay $0x4  }
0x11e: {  	[tilespmem:v42+s14+$0x0] =	vst.idx.msk $0xffff, v8  }
0x11f: {  	v43 =	vor.u32 $0x200D, v0;
	v8 =	vld.idx.msk [tilespmem:v4+s15+$0x0], $0xffff;
	_ =	sdelay $0x4  }
0x120: {  	[tilespmem:v43+s14+$0x0] =	vst.idx.msk $0xffff, v8  }
0x121: {  	v44 =	vor.u32 $0x280D, v0;
	v8 =	vld.idx.msk [tilespmem:v5+s15+$0x0], $0xffff;
	_ =	sdelay $0x4  }
0x122: {  	[tilespmem:v44+s14+$0x0] =	vst.idx.msk $0xffff, v8  }
0x123: {  	v45 =	vor.u32 $0x300D, v0;
	v8 =	vld.idx.msk [tilespmem:v6+s15+$0x0], $0xffff;
	_ =	sdelay $0x4  }
0x124: {  	[tilespmem:v45+s14+$0x0] =	vst.idx.msk $0xffff, v8  }
0x125: {  	v46 =	vor.u32 $0x380D, v0;
	v8 =	vld.idx.msk [tilespmem:v7+s15+$0x0], $0xffff;
	_ =	sdelay $0x4  }
0x126: {  	s7 =	sadd.s32 $0xF00, s7;
	[tilespmem:v46+s14+$0x0] =	vst.idx.msk $0xffff, v8  }
0x127: {  	[tilespmem:s15], [sflag:$0x2] =	stream.strided.gather [hbm4b:s7+s6], $0x4000, s14, s6, $0x38;
	[tilespmem:$0xC000] =	vst v63  }
0x128: {  	_ =	swait.ge [sflag:s16], $0x4000  }
0x129: {  	[sflag:s16] =	ssyncset.done $0x0  }
0x12a: {  	[sflag:s16] =	ssyncadd.s32 $0xFFFFC000  }
0x12b: {  	v48 =	vor.u32 $0xE, v0;
	v47 =	vld.idx.msk [tilespmem:v0+s2+$0x0], $0xffff;
	_ =	sdelay $0x4  }
0x12c: {  	[tilespmem:v48+s14+$0x0] =	vst.idx.msk $0xffff, v47  }
0x12d: {  	v49 =	vor.u32 $0x80E, v0;
	v8 =	vld.idx.msk [tilespmem:v1+s2+$0x0], $0xffff;
	_ =	sdelay $0x4  }
0x12e: {  	[tilespmem:v49+s14+$0x0] =	vst.idx.msk $0xffff, v8  }
0x12f: {  	v50 =	vor.u32 $0x100E, v0;
	v8 =	vld.idx.msk [tilespmem:v2+s2+$0x0], $0xffff;
	_ =	sdelay $0x4  }
0x130: {  	[tilespmem:v50+s14+$0x0] =	vst.idx.msk $0xffff, v8  }
0x131: {  	v51 =	vor.u32 $0x180E, v0;
	v8 =	vld.idx.msk [tilespmem:v3+s2+$0x0], $0xffff;
	_ =	sdelay $0x4  }
0x132: {  	[tilespmem:v51+s14+$0x0] =	vst.idx.msk $0xffff, v8  }
0x133: {  	v52 =	vor.u32 $0x200E, v0;
	v8 =	vld.idx.msk [tilespmem:v4+s2+$0x0], $0xffff;
	_ =	sdelay $0x4  }
0x134: {  	[tilespmem:v52+s14+$0x0] =	vst.idx.msk $0xffff, v8  }
0x135: {  	v53 =	vor.u32 $0x280E, v0;
	v8 =	vld.idx.msk [tilespmem:v5+s2+$0x0], $0xffff;
	_ =	sdelay $0x4  }
0x136: {  	[tilespmem:v53+s14+$0x0] =	vst.idx.msk $0xffff, v8  }
0x137: {  	v54 =	vor.u32 $0x300E, v0;
	v8 =	vld.idx.msk [tilespmem:v6+s2+$0x0], $0xffff;
	_ =	sdelay $0x4  }
0x138: {  	[tilespmem:v54+s14+$0x0] =	vst.idx.msk $0xffff, v8  }
0x139: {  	v55 =	vor.u32 $0x380E, v0;
	v8 =	vld.idx.msk [tilespmem:v7+s2+$0x0], $0xffff;
	_ =	sdelay $0x4  }
0x13a: {  	[tilespmem:v55+s14+$0x0] =	vst.idx.msk $0xffff, v8  }
0x13b: {  	_ =	swait.ge [sflag:s17], $0x4000  }
0x13c: {  	[sflag:s17] =	ssyncset.done $0x0  }
0x13d: {  	[sflag:s17] =	ssyncadd.s32 $0xFFFFC000  }
0x13e: {  	v57 =	vor.u32 $0xF, v0;
	v56 =	vld.idx.msk [tilespmem:v0+s15+$0x0], $0xffff;
	_ =	sdelay $0x4  }
0x13f: {  	[tilespmem:v57+s14+$0x0] =	vst.idx.msk $0xffff, v56  }
0x140: {  	v58 =	vor.u32 $0x80F, v0;
	v1 =	vld.idx.msk [tilespmem:v1+s15+$0x0], $0xffff;
	_ =	sdelay $0x4  }
0x141: {  	[tilespmem:v58+s14+$0x0] =	vst.idx.msk $0xffff, v1  }
0x142: {  	v59 =	vor.u32 $0x100F, v0;
	v1 =	vld.idx.msk [tilespmem:v2+s15+$0x0], $0xffff;
	_ =	sdelay $0x4  }
0x143: {  	[tilespmem:v59+s14+$0x0] =	vst.idx.msk $0xffff, v1  }
0x144: {  	v60 =	vor.u32 $0x180F, v0;
	v1 =	vld.idx.msk [tilespmem:v3+s15+$0x0], $0xffff;
	_ =	sdelay $0x4  }
0x145: {  	[tilespmem:v60+s14+$0x0] =	vst.idx.msk $0xffff, v1  }
0x146: {  	v61 =	vor.u32 $0x200F, v0;
	v1 =	vld.idx.msk [tilespmem:v4+s15+$0x0], $0xffff;
	_ =	sdelay $0x4  }
0x147: {  	[tilespmem:v61+s14+$0x0] =	vst.idx.msk $0xffff, v1  }
0x148: {  	v62 =	vor.u32 $0x280F, v0;
	v1 =	vld.idx.msk [tilespmem:v5+s15+$0x0], $0xffff;
	_ =	sdelay $0x4  }
0x149: {  	[tilespmem:v62+s14+$0x0] =	vst.idx.msk $0xffff, v1  }
0x14a: {  	v63 =	vor.u32 $0x300F, v0;
	v1 =	vld.idx.msk [tilespmem:v6+s15+$0x0], $0xffff;
	_ =	sdelay $0x4  }
0x14b: {  	[tilespmem:v63+s14+$0x0] =	vst.idx.msk $0xffff, v1  }
0x14c: {  	v0 =	vor.u32 $0x380F, v0;
	v1 =	vld.idx.msk [tilespmem:v7+s15+$0x0], $0xffff;
	_ =	sdelay $0x2  }
0x14d: {  	s30 =	sshll.u32 s1, $0xB  }
0x14e: {  	s3 =	sadd.s32 s30, s3  }
0x14f: {  	s31 =	simm.s32 $0x3;
	s3 =	sadd.s32 $0x400, s3;
	[tilespmem:v0+s14+$0x0] =	vst.idx.msk $0xffff, v1  }
0x150: {  	[hbm4b:s3+s2] =	stream.linear.scatter [tilespmem:s14], [sflag:$0x3], $0x4000, $0x38;
	[tilespmem:$0xC000] =	vst v63  }
0x151: {  	_ =	swait.ge [sflag:s31], $0x4000  }
0x152: {  	[sflag:s31] =	ssyncset.done $0x0  }
0x153: {  	[sflag:s31] =	ssyncadd.s32 $0xFFFFC000  }
0x154: {  	_ =	sfence.sel $0x180000  }
0x155: {  	[bflag:$0x0] =	sbarrier.arrive $0xFFFF  }
0x156: {  	p0 =	sne.s32 s1, $0x0;
	_ =	strace $0x90000047  }
0x157: {  	s0 =	sadd.s32 @!p0 $0x100000, s0;
	[bflag:$0x2] =	sbarrier.arrive $0xFFFF  }
0x158: {  	[sflag:s0] =	ssyncadd.tile.s32 @!p0 $0x1;
	_ =	shalt  }
.Lfunc_end2:
_tile_overlayer_lowered:
.L_overlay_start_2:
0x159: {  	(tag) =	ssettag $0x2  }
0x15a: {  	s0 =	rddreg [dreg:$0x0];
	s2 =	stileid.u32  }
0x15b: {  	s1 =	rddreg [dreg:$0x1];
	p0 =	sne.s32 s2, $0x0  }
0x15c: {  	s3 =	rddreg [dreg:$0x2];
	[bflag:$0x3] =	sbarrier.arrive $0xFFFF;
	s2 =	simm.s32 @!p0 $0x1C03  }
0x15d: {  	[timem:s3], [sflag:s2] =	dma.local @!p0 [hbm:s0], s1  }
0x15e: {  	s0 =	simm.s32 @!p0 $0x3  }
0x15f: {  	_ =	swait.ge @!p0 [sflag:s0], s1  }
0x160: {  	s1 =	ssub.s32 @!p0 $0x0, s1;
	[sflag:s0] =	ssyncset.done @!p0 $0x0  }
0x161: {  	[sflag:s0] =	ssyncadd.s32 @!p0 s1  }
0x162: {  	[bflag:$0x3] =	sbarrier.arrive $0xFFFF  }
0x163: {  	_ =	shalt  }

</sc_bundles>
